<compile_context>
chip_gen: v7x
topology: tpu7x:2x2x1
jax: 0.10.2.dev20260603
libtpu: 0.0.44.dev20260713+nightly
codegen_flags: <defaults>
</compile_context>

<pallas_src>
import functools

import jax
import jax.numpy as jnp
from jax import lax
from jax.experimental import pallas as pl
from jax.experimental.pallas import tpu as pltpu
from jax.experimental.pallas import tpu_sc as plsc

N_NODES = 2048
N_EDGES = 4096
N_PREF = 1024
FINS = [32, 256, 128, 64, 32]
FOUTS = [256, 128, 64, 32, 16]

NSUB = 16
ECH = 128
EPT = N_EDGES // NSUB
NCHUNK = EPT // ECH
NPT = N_NODES // NSUB

_MESH = plsc.VectorSubcoreMesh(core_axis_name="c", subcore_axis_name="s",
                               num_cores=1)
_SC_PARAMS = pltpu.CompilerParams(use_tc_tiling_on_sc=False)


def _sc_gather(n_table_rows, d):

    @functools.partial(
        pl.kernel, mesh=_MESH, compiler_params=_SC_PARAMS,
        out_type=jax.ShapeDtypeStruct((N_EDGES, d), jnp.float32),
        scratch_types=[
            pltpu.VMEM((NCHUNK, ECH), jnp.int32),
            pltpu.VMEM((EPT, d), jnp.float32),
            pltpu.SemaphoreType.DMA,
        ],
    )
    def k(table, idx3, out, idx_v, buf_v, sem):
        s = lax.axis_index("s")
        pltpu.sync_copy(idx3.at[s], idx_v)
        cs = [pltpu.async_copy(table.at[idx_v.at[j]],
                               buf_v.at[pl.ds(j * ECH, ECH)], sem)
              for j in range(NCHUNK)]
        for c in cs:
            c.wait()
        pltpu.sync_copy(buf_v, out.at[pl.ds(s * EPT, EPT)])

    return k


def _sc_layer(fout):

    outs = (jax.ShapeDtypeStruct((N_NODES, fout), jnp.float32),
            jax.ShapeDtypeStruct((N_EDGES, fout), jnp.float32))

    @functools.partial(
        pl.kernel, mesh=_MESH, compiler_params=_SC_PARAMS,
        out_type=outs,
        scratch_types=[
            pltpu.VMEM_SHARED((N_NODES, fout), jnp.float32),
            pltpu.VMEM((2 * NCHUNK, ECH), jnp.int32),
            pltpu.VMEM((EPT, fout), jnp.float32),
            pltpu.SemaphoreType.DMA,
        ],
    )
    def k(msgs, idx3, root, hpre, xnext, acc, idx_v, buf_v, sem):
        s = lax.axis_index("s")
        nb = s * NPT
        eb = s * EPT
        ca = pltpu.async_copy(root.at[pl.ds(nb, NPT)], acc.at[pl.ds(nb, NPT)],
                              sem)
        cb = pltpu.async_copy(idx3.at[s], idx_v, sem)
        cc = pltpu.async_copy(msgs.at[pl.ds(eb, EPT)], buf_v, sem)
        ca.wait()
        cb.wait()
        cc.wait()
        plsc.subcore_barrier()
        cs = [pltpu.async_copy(buf_v.at[pl.ds(j * ECH, ECH)],
                               acc.at[idx_v.at[j]], sem, add=True)
              for j in range(NCHUNK)]
        for c in cs:
            c.wait()
        plsc.subcore_barrier()
        cd = pltpu.async_copy(acc.at[pl.ds(nb, NPT)], hpre.at[pl.ds(nb, NPT)],
                              sem)
        cd.wait()
        plsc.subcore_barrier()
        cg = [pltpu.async_copy(hpre.at[idx_v.at[NCHUNK + j]],
                               buf_v.at[pl.ds(j * ECH, ECH)], sem)
              for j in range(NCHUNK)]
        cw = []
        for j in range(NCHUNK):
            cg[j].wait()
            cw.append(pltpu.async_copy(
                buf_v.at[pl.ds(j * ECH, ECH)],
                xnext.at[pl.ds(eb + j * ECH, ECH)], sem))
        for c in cw:
            c.wait()

    return k


def _tc_layer(fin, fout, first):
    def body(x_ref, h_ref, ep_ref, w_ref, r_ref, b_ref, msgs_ref, root_ref):
        X = x_ref[...]
        H = h_ref[...]
        if not first:
            X = jnp.maximum(X, 0.0)
            H = jnp.maximum(H, 0.0)
        acc = ep_ref[:, 0:1] * jnp.dot(X, w_ref[0],
                                       preferred_element_type=jnp.float32)
        for c in range(1, 5):
            acc += ep_ref[:, c:c + 1] * jnp.dot(
                X, w_ref[c], preferred_element_type=jnp.float32)
        msgs_ref[...] = acc
        root_ref[...] = jnp.dot(H, r_ref[...],
                                preferred_element_type=jnp.float32) + b_ref[...]

    return pl.pallas_call(
        body,
        out_shape=(jax.ShapeDtypeStruct((N_EDGES, fout), jnp.float32),
                   jax.ShapeDtypeStruct((N_NODES, fout), jnp.float32)),
    )


def _tc_last():

    def body(x_ref, h_ref, ep_ref, w_ref, r_ref, b_ref, dst_ref,
             ia_ref, ib_ref, wd_ref, bd_ref, o_ref):
        X = jnp.maximum(x_ref[...], 0.0)
        H = jnp.maximum(h_ref[...], 0.0)
        acc = ep_ref[:, 0:1] * jnp.dot(X, w_ref[0],
                                       preferred_element_type=jnp.float32)
        for c in range(1, 5):
            acc += ep_ref[:, c:c + 1] * jnp.dot(
                X, w_ref[c], preferred_element_type=jnp.float32)
        root = jnp.dot(H, r_ref[...],
                       preferred_element_type=jnp.float32) + b_ref[...]
        ids = lax.broadcasted_iota(jnp.int32, (N_NODES, N_EDGES), 0)
        oh = jnp.where(dst_ref[...] == ids, 1.0, 0.0)
        hpre = jnp.dot(oh, acc, preferred_element_type=jnp.float32) + root
        z = jnp.dot(jnp.maximum(hpre, 0.0), wd_ref[...],
                    preferred_element_type=jnp.float32) + bd_ref[...]
        z = jnp.maximum(z, 0.0)
        idn = lax.broadcasted_iota(jnp.int32, (N_PREF, N_NODES), 1)
        pd = (jnp.where(ib_ref[...] == idn, 1.0, 0.0)
              - jnp.where(ia_ref[...] == idn, 1.0, 0.0))
        o_ref[...] = jnp.dot(pd, z, preferred_element_type=jnp.float32)

    return pl.pallas_call(
        body, out_shape=jax.ShapeDtypeStruct((N_PREF, 8), jnp.float32))


def kernel(x, a_indices, e, i, idx_a, idx_b,
           Wk1, bk1, R1, b1, Wk2, bk2, R2, b2, Wk3, bk3, R3, b3,
           Wk4, bk4, R4, b4, Wk5, bk5, R5, b5, Wd, bd):
    del i
    x32 = x.astype(jnp.float32)[:, :32]
    e = e.astype(jnp.float32)
    src3 = a_indices[:, 0].reshape(NSUB, NCHUNK, ECH)
    dst3 = a_indices[:, 1].reshape(NSUB, NCHUNK, ECH)
    ep = jnp.concatenate([e, jnp.ones((N_EDGES, 1), jnp.float32)], axis=1)

    Wks = [Wk1, Wk2, Wk3, Wk4, Wk5]
    bks = [bk1, bk2, bk3, bk4, bk5]
    Rs = [R1, R2, R3, R4, R5]
    bs = [b1, b2, b3, b4, b5]
    W5s, b2ds = [], []
    for l in range(5):
        fin, fout = FINS[l], FOUTS[l]
        W5s.append(jnp.concatenate(
            [Wks[l].reshape(4, fin, fout), bks[l].reshape(1, fin, fout)],
            axis=0))
        b2ds.append(bs[l].reshape(1, fout))

    idx3 = jnp.concatenate([dst3, src3], axis=1)

    X = _sc_gather(N_NODES, 32)(x32, src3)
    h = x32
    for l in range(4):
        msgs, root = _tc_layer(FINS[l], FOUTS[l], first=(l == 0))(
            X, h, ep, W5s[l], Rs[l], b2ds[l])
        h, X = _sc_layer(FOUTS[l])(msgs, idx3, root)

    return _tc_last()(
        X, h, ep, W5s[4], Rs[4], b2ds[4],
        a_indices[:, 1].reshape(1, N_EDGES),
        idx_a.reshape(N_PREF, 1), idx_b.reshape(N_PREF, 1),
        Wd, bd.reshape(1, 8))

# --- scband reference (transcript-rebuilt; emitter-appended) ---
"""Pipeline reference for scband-prgnn-78469052498048 (READ-ONLY COPY).

The authoritative reference and input builder live on the scoring server;
editing this copy changes nothing except your own understanding.
"""

import jax, jax.numpy as jnp
import numpy as np

N_NODES = 2048
N_EDGES = 4096
D_FEAT = 33  # last column is the GraphMasking mask channel
D_EDGE = 4
N_PREF = 1024
N_OUT = 8
CHANNELS = [256, 128, 64, 32, 16]


def _glorot(key, fin, fout):
    lim = float(np.sqrt(6.0 / (fin + fout)))
    return jax.random.uniform(key, (fin, fout), minval=-lim, maxval=lim, dtype=jnp.float32)


def setup_inputs(seed: int = 0) -> dict:
    key = jax.random.key(seed)
    inp = {}
    inp["x"] = jax.random.normal(jax.random.fold_in(key, 0), (N_NODES, D_FEAT), dtype=jnp.float32)
    inp["a_indices"] = jax.random.randint(jax.random.fold_in(key, 1), (N_EDGES, 2), 0, N_NODES, dtype=jnp.int32)
    inp["e"] = jax.random.uniform(jax.random.fold_in(key, 2), (N_EDGES, D_EDGE), dtype=jnp.float32)
    inp["i"] = jnp.sort(jax.random.randint(jax.random.fold_in(key, 3), (N_NODES,), 0, 64, dtype=jnp.int32))
    inp["idx_a"] = jax.random.randint(jax.random.fold_in(key, 4), (N_PREF,), 0, N_NODES, dtype=jnp.int32)
    inp["idx_b"] = jax.random.randint(jax.random.fold_in(key, 5), (N_PREF,), 0, N_NODES, dtype=jnp.int32)
    fins = [D_FEAT - 1] + CHANNELS[:-1]
    k = 100
    for l in range(5):
        fin, fout = fins[l], CHANNELS[l]
        inp["Wk%d" % (l + 1)] = _glorot(jax.random.fold_in(key, k), D_EDGE, fin * fout); k += 1
        inp["bk%d" % (l + 1)] = jnp.zeros((fin * fout,), jnp.float32)
        inp["R%d" % (l + 1)] = _glorot(jax.random.fold_in(key, k), fin, fout); k += 1
        inp["b%d" % (l + 1)] = jnp.zeros((fout,), jnp.float32)
    inp["Wd"] = _glorot(jax.random.fold_in(key, k), CHANNELS[-1], N_OUT)
    inp["bd"] = jnp.zeros((N_OUT,), jnp.float32)
    return inp


def _ecc(x, src, dst, e, Wk, bk, R, b):
    # Spektral ECCConv, single/disjoint mode: per-edge kernel from edge features
    fin = x.shape[-1]
    fout = R.shape[-1]
    kn = e @ Wk + bk                       # [E, fin*fout] edge kernel network (single Dense)
    kernel = kn.reshape(-1, fin, fout)     # [E, fin, fout]
    msgs = jnp.take(x, src, axis=0)        # gather source node features [E, fin]
    msgs = jnp.einsum('ef,efo->eo', msgs, kernel)
    out = jax.ops.segment_sum(msgs, dst, num_segments=N_NODES)  # scatter-add to targets
    out = out + x @ R + b                  # root kernel + bias
    return jax.nn.relu(out)


def reference(x, a_indices, e, i, idx_a, idx_b,
              Wk1, bk1, R1, b1, Wk2, bk2, R2, b2, Wk3, bk3, R3, b3,
              Wk4, bk4, R4, b4, Wk5, bk5, R5, b5, Wd, bd):
    x = x.astype(jnp.float32)
    e = e.astype(jnp.float32)
    x = x[:, :-1]  # GraphMasking strips the mask channel
    src = a_indices[:, 0]
    dst = a_indices[:, 1]
    h = _ecc(x, src, dst, e, Wk1, bk1, R1, b1)
    h = _ecc(h, src, dst, e, Wk2, bk2, R2, b2)
    h = _ecc(h, src, dst, e, Wk3, bk3, R3, b3)
    h = _ecc(h, src, dst, e, Wk4, bk4, R4, b4)
    h = _ecc(h, src, dst, e, Wk5, bk5, R5, b5)
    h = jax.nn.relu(h @ Wd + bd)           # Dense(n_out, relu)
    X_a = jnp.take(h, idx_a, axis=0)       # pref_lookup
    X_b = jnp.take(h, idx_b, axis=0)
    return X_b - X_a

if __name__ == "__main__":
    import jax
    _d = setup_inputs()
    print(jax.jit(kernel)(*tuple(_d.values())))

</pallas_src>

<mosaic_0001>
#map = affine_map<(d0, d1) -> (0, 0)>
#map1 = affine_map<(d0, d1) -> (0, 0, 0)>
module attributes {stable_mosaic.version = 14 : i64} {
  func.func @k(%arg0: i32, %arg1: i32, %arg2: memref<2048x32xf32, #tpu.memory_space<hbm>>, %arg3: memref<16x2x128xi32, #tpu.memory_space<hbm>>, %arg4: memref<4096x32xf32, #tpu.memory_space<hbm>>, %arg5: memref<2x128xi32, #tpu.memory_space<vmem>>, %arg6: memref<256x32xf32, #tpu.memory_space<vmem>>, %arg7: memref<!tpu.dma_semaphore, #tpu.memory_space<semaphore_mem>>) attributes {dimension_semantics = [#tpu.dimension_semantics<core_parallel>, #tpu.dimension_semantics<subcore_parallel>], iteration_bounds = array<i64: 1, 16>, scalar_prefetch = 0 : i64, scratch_operands = 3 : i64, tpu.core_type = #tpu.core_type<sc_vector_subcore>, window_params = [{transform_indices = #map}, {transform_indices = #map1}, {transform_indices = #map}]} {
    "tpu.region"() ({
      %run_scoped3A = tpu.sem_alloc : memref<!tpu.dma_semaphore, #tpu.memory_space<semaphore_mem>>
      %dma_start3A_39 = arith.constant 0 : i32
      %dma_start3A_40 = arith.constant 0 : i32
      %dma_start3A_41 = tpu.memref_slice %arg3[%arg1, %dma_start3A_39, %dma_start3A_40] : memref<16x2x128xi32, #tpu.memory_space<hbm>> -> memref<1x2x128xi32, #tpu.memory_space<hbm>>
      %dma_start3A_42 = tpu.memref_squeeze %dma_start3A_41 : memref<1x2x128xi32, #tpu.memory_space<hbm>> -> memref<2x128xi32, #tpu.memory_space<hbm>>
      %dma_start3A_43 = arith.constant 0 : i32
      %dma_start3A_44 = arith.constant 0 : i32
      %dma_start3A_45 = tpu.memref_slice %arg3[%arg1, %dma_start3A_43, %dma_start3A_44] : memref<16x2x128xi32, #tpu.memory_space<hbm>> -> memref<1x2x128xi32, #tpu.memory_space<hbm>>
      %dma_start3A_46 = tpu.memref_squeeze %dma_start3A_45 : memref<1x2x128xi32, #tpu.memory_space<hbm>> -> memref<2x128xi32, #tpu.memory_space<hbm>>
      tpu.enqueue_dma source(%dma_start3A_46 : memref<2x128xi32, #tpu.memory_space<hbm>>) target(%arg5 : memref<2x128xi32, #tpu.memory_space<vmem>>) target_semaphore(%run_scoped3A : memref<!tpu.dma_semaphore, #tpu.memory_space<semaphore_mem>>)
      %dma_wait3A_47 = arith.constant 0 : i32
      %dma_wait3A_48 = arith.constant 0 : i32
      %dma_wait3A_49 = tpu.memref_slice %arg3[%arg1, %dma_wait3A_47, %dma_wait3A_48] : memref<16x2x128xi32, #tpu.memory_space<hbm>> -> memref<1x2x128xi32, #tpu.memory_space<hbm>>
      %dma_wait3A_50 = tpu.memref_squeeze %dma_wait3A_49 : memref<1x2x128xi32, #tpu.memory_space<hbm>> -> memref<2x128xi32, #tpu.memory_space<hbm>>
      %dma_wait3A_51 = arith.constant 0 : i32
      %dma_wait3A_52 = arith.constant 0 : i32
      %dma_wait3A_53 = tpu.memref_slice %arg3[%arg1, %dma_wait3A_51, %dma_wait3A_52] : memref<16x2x128xi32, #tpu.memory_space<hbm>> -> memref<1x2x128xi32, #tpu.memory_space<hbm>>
      %dma_wait3A_54 = tpu.memref_squeeze %dma_wait3A_53 : memref<1x2x128xi32, #tpu.memory_space<hbm>> -> memref<2x128xi32, #tpu.memory_space<hbm>>
      tpu.wait_dma2 semaphore(%run_scoped3A : memref<!tpu.dma_semaphore, #tpu.memory_space<semaphore_mem>>) src(%dma_wait3A_54 : memref<2x128xi32, #tpu.memory_space<hbm>>) dst(%arg5 : memref<2x128xi32, #tpu.memory_space<vmem>>)
      tpu.yield
    }) : () -> ()
    %dma_start3A = arith.constant 0 : i32
    %dma_start3A_0 = arith.constant 0 : i32
    %dma_start3A_1 = arith.constant 0 : i32
    %dma_start3A_2 = tpu.memref_slice %arg6[%dma_start3A_0, %dma_start3A_1] : memref<256x32xf32, #tpu.memory_space<vmem>> -> memref<128x32xf32, #tpu.memory_space<vmem>>
    %dma_start3A_3 = arith.constant 0 : i32
    %dma_start3A_4 = tpu.memref_slice %arg5[%dma_start3A, %dma_start3A_3] : memref<2x128xi32, #tpu.memory_space<vmem>> -> memref<1x128xi32, #tpu.memory_space<vmem>>
    %dma_start3A_5 = tpu.memref_squeeze %dma_start3A_4 : memref<1x128xi32, #tpu.memory_space<vmem>> -> memref<128xi32, #tpu.memory_space<vmem>>
    %dma_start3A_6 = arith.constant 0 : i32
    %dma_start3A_7 = arith.constant 0 : i32
    %dma_start3A_8 = tpu.memref_slice %arg2[%dma_start3A_6, %dma_start3A_7] : memref<2048x32xf32, #tpu.memory_space<hbm>> -> memref<2048x32xf32, #tpu.memory_space<hbm>>
    tpu.enqueue_indirect_dma source(%dma_start3A_8 : memref<2048x32xf32, #tpu.memory_space<hbm>>) target(%dma_start3A_2 : memref<128x32xf32, #tpu.memory_space<vmem>>) offsets(%dma_start3A_5 : memref<128xi32, #tpu.memory_space<vmem>>) semaphore(%arg7 : memref<!tpu.dma_semaphore, #tpu.memory_space<semaphore_mem>>)
    %dma_start3A_9 = arith.constant 1 : i32
    %dma_start3A_10 = arith.constant 128 : i32
    %dma_start3A_11 = arith.constant 0 : i32
    %dma_start3A_12 = tpu.memref_slice %arg6[%dma_start3A_10, %dma_start3A_11] : memref<256x32xf32, #tpu.memory_space<vmem>> -> memref<128x32xf32, #tpu.memory_space<vmem>>
    %dma_start3A_13 = arith.constant 0 : i32
    %dma_start3A_14 = tpu.memref_slice %arg5[%dma_start3A_9, %dma_start3A_13] : memref<2x128xi32, #tpu.memory_space<vmem>> -> memref<1x128xi32, #tpu.memory_space<vmem>>
    %dma_start3A_15 = tpu.memref_squeeze %dma_start3A_14 : memref<1x128xi32, #tpu.memory_space<vmem>> -> memref<128xi32, #tpu.memory_space<vmem>>
    %dma_start3A_16 = arith.constant 0 : i32
    %dma_start3A_17 = arith.constant 0 : i32
    %dma_start3A_18 = tpu.memref_slice %arg2[%dma_start3A_16, %dma_start3A_17] : memref<2048x32xf32, #tpu.memory_space<hbm>> -> memref<2048x32xf32, #tpu.memory_space<hbm>>
    tpu.enqueue_indirect_dma source(%dma_start3A_18 : memref<2048x32xf32, #tpu.memory_space<hbm>>) target(%dma_start3A_12 : memref<128x32xf32, #tpu.memory_space<vmem>>) offsets(%dma_start3A_15 : memref<128xi32, #tpu.memory_space<vmem>>) semaphore(%arg7 : memref<!tpu.dma_semaphore, #tpu.memory_space<semaphore_mem>>)
    %dma_wait3A = arith.constant 0 : i32
    %dma_wait3A_19 = arith.constant 0 : i32
    %dma_wait3A_20 = arith.constant 0 : i32
    %dma_wait3A_21 = tpu.memref_slice %arg6[%dma_wait3A_19, %dma_wait3A_20] : memref<256x32xf32, #tpu.memory_space<vmem>> -> memref<128x32xf32, #tpu.memory_space<vmem>>
    %dma_wait3A_22 = arith.constant 0 : i32
    %dma_wait3A_23 = tpu.memref_slice %arg5[%dma_wait3A, %dma_wait3A_22] : memref<2x128xi32, #tpu.memory_space<vmem>> -> memref<1x128xi32, #tpu.memory_space<vmem>>
    %dma_wait3A_24 = tpu.memref_squeeze %dma_wait3A_23 : memref<1x128xi32, #tpu.memory_space<vmem>> -> memref<128xi32, #tpu.memory_space<vmem>>
    %dma_wait3A_25 = arith.constant 0 : i32
    %dma_wait3A_26 = arith.constant 0 : i32
    %dma_wait3A_27 = tpu.memref_slice %arg2[%dma_wait3A_25, %dma_wait3A_26] : memref<2048x32xf32, #tpu.memory_space<hbm>> -> memref<2048x32xf32, #tpu.memory_space<hbm>>
    tpu.wait_indirect_dma semaphore(%arg7 : memref<!tpu.dma_semaphore, #tpu.memory_space<semaphore_mem>>) src(%dma_wait3A_27 : memref<2048x32xf32, #tpu.memory_space<hbm>>) dst(%dma_wait3A_21 : memref<128x32xf32, #tpu.memory_space<vmem>>)
    %dma_wait3A_28 = arith.constant 1 : i32
    %dma_wait3A_29 = arith.constant 128 : i32
    %dma_wait3A_30 = arith.constant 0 : i32
    %dma_wait3A_31 = tpu.memref_slice %arg6[%dma_wait3A_29, %dma_wait3A_30] : memref<256x32xf32, #tpu.memory_space<vmem>> -> memref<128x32xf32, #tpu.memory_space<vmem>>
    %dma_wait3A_32 = arith.constant 0 : i32
    %dma_wait3A_33 = tpu.memref_slice %arg5[%dma_wait3A_28, %dma_wait3A_32] : memref<2x128xi32, #tpu.memory_space<vmem>> -> memref<1x128xi32, #tpu.memory_space<vmem>>
    %dma_wait3A_34 = tpu.memref_squeeze %dma_wait3A_33 : memref<1x128xi32, #tpu.memory_space<vmem>> -> memref<128xi32, #tpu.memory_space<vmem>>
    %dma_wait3A_35 = arith.constant 0 : i32
    %dma_wait3A_36 = arith.constant 0 : i32
    %dma_wait3A_37 = tpu.memref_slice %arg2[%dma_wait3A_35, %dma_wait3A_36] : memref<2048x32xf32, #tpu.memory_space<hbm>> -> memref<2048x32xf32, #tpu.memory_space<hbm>>
    tpu.wait_indirect_dma semaphore(%arg7 : memref<!tpu.dma_semaphore, #tpu.memory_space<semaphore_mem>>) src(%dma_wait3A_37 : memref<2048x32xf32, #tpu.memory_space<hbm>>) dst(%dma_wait3A_31 : memref<128x32xf32, #tpu.memory_space<vmem>>)
    %mul3A = arith.constant 256 : i32
    %mul3A_38 = arith.muli %arg1, %mul3A : i32
    "tpu.region"() ({
      %run_scoped3A = tpu.sem_alloc : memref<!tpu.dma_semaphore, #tpu.memory_space<semaphore_mem>>
      %dma_start3A_39 = arith.constant 0 : i32
      %dma_start3A_40 = tpu.memref_slice %arg4[%mul3A_38, %dma_start3A_39] : memref<4096x32xf32, #tpu.memory_space<hbm>> -> memref<256x32xf32, #tpu.memory_space<hbm>>
      %dma_start3A_41 = arith.constant 0 : i32
      %dma_start3A_42 = tpu.memref_slice %arg4[%mul3A_38, %dma_start3A_41] : memref<4096x32xf32, #tpu.memory_space<hbm>> -> memref<256x32xf32, #tpu.memory_space<hbm>>
      tpu.enqueue_dma source(%arg6 : memref<256x32xf32, #tpu.memory_space<vmem>>) target(%dma_start3A_42 : memref<256x32xf32, #tpu.memory_space<hbm>>) target_semaphore(%run_scoped3A : memref<!tpu.dma_semaphore, #tpu.memory_space<semaphore_mem>>)
      %dma_wait3A_43 = arith.constant 0 : i32
      %dma_wait3A_44 = tpu.memref_slice %arg4[%mul3A_38, %dma_wait3A_43] : memref<4096x32xf32, #tpu.memory_space<hbm>> -> memref<256x32xf32, #tpu.memory_space<hbm>>
      %dma_wait3A_45 = arith.constant 0 : i32
      %dma_wait3A_46 = tpu.memref_slice %arg4[%mul3A_38, %dma_wait3A_45] : memref<4096x32xf32, #tpu.memory_space<hbm>> -> memref<256x32xf32, #tpu.memory_space<hbm>>
      tpu.wait_dma2 semaphore(%run_scoped3A : memref<!tpu.dma_semaphore, #tpu.memory_space<semaphore_mem>>) src(%arg6 : memref<256x32xf32, #tpu.memory_space<vmem>>) dst(%dma_wait3A_46 : memref<256x32xf32, #tpu.memory_space<hbm>>)
      tpu.yield
    }) : () -> ()
    return
  }
}

#map = affine_map<(d0, d1) -> (0, 0)>
#map1 = affine_map<(d0, d1) -> (0, 0, 0)>
module attributes {stable_mosaic.version = 14 : i64} {
  func.func @k(%arg0: i32, %arg1: i32, %arg2: memref<4096x128xf32, #tpu.memory_space<hbm>>, %arg3: memref<16x4x128xi32, #tpu.memory_space<hbm>>, %arg4: memref<2048x128xf32, #tpu.memory_space<hbm>>, %arg5: memref<2048x128xf32, #tpu.memory_space<hbm>>, %arg6: memref<4096x128xf32, #tpu.memory_space<hbm>>, %arg7: memref<2048x128xf32, #tpu.memory_space<vmem_shared>>, %arg8: memref<4x128xi32, #tpu.memory_space<vmem>>, %arg9: memref<256x128xf32, #tpu.memory_space<vmem>>, %arg10: memref<!tpu.dma_semaphore, #tpu.memory_space<semaphore_mem>>) attributes {dimension_semantics = [#tpu.dimension_semantics<core_parallel>, #tpu.dimension_semantics<subcore_parallel>], iteration_bounds = array<i64: 1, 16>, scalar_prefetch = 0 : i64, scratch_operands = 4 : i64, tpu.core_type = #tpu.core_type<sc_vector_subcore>, window_params = [{transform_indices = #map}, {transform_indices = #map1}, {transform_indices = #map}, {transform_indices = #map}, {transform_indices = #map}]} {
    %mul3A = arith.constant 128 : i32
    %mul3A_0 = arith.muli %arg1, %mul3A : i32
    %mul3A_1 = arith.constant 256 : i32
    %mul3A_2 = arith.muli %arg1, %mul3A_1 : i32
    %dma_start3A = arith.constant 0 : i32
    %dma_start3A_3 = tpu.memref_slice %arg7[%mul3A_0, %dma_start3A] : memref<2048x128xf32, #tpu.memory_space<vmem_shared>> -> memref<128x128xf32, #tpu.memory_space<vmem_shared>>
    %dma_start3A_4 = arith.constant 0 : i32
    %dma_start3A_5 = tpu.memref_slice %arg4[%mul3A_0, %dma_start3A_4] : memref<2048x128xf32, #tpu.memory_space<hbm>> -> memref<128x128xf32, #tpu.memory_space<hbm>>
    tpu.enqueue_dma source(%dma_start3A_5 : memref<128x128xf32, #tpu.memory_space<hbm>>) target(%dma_start3A_3 : memref<128x128xf32, #tpu.memory_space<vmem_shared>>) target_semaphore(%arg10 : memref<!tpu.dma_semaphore, #tpu.memory_space<semaphore_mem>>)
    %dma_start3A_6 = arith.constant 0 : i32
    %dma_start3A_7 = arith.constant 0 : i32
    %dma_start3A_8 = tpu.memref_slice %arg3[%arg1, %dma_start3A_6, %dma_start3A_7] : memref<16x4x128xi32, #tpu.memory_space<hbm>> -> memref<1x4x128xi32, #tpu.memory_space<hbm>>
    %dma_start3A_9 = tpu.memref_squeeze %dma_start3A_8 : memref<1x4x128xi32, #tpu.memory_space<hbm>> -> memref<4x128xi32, #tpu.memory_space<hbm>>
    %dma_start3A_10 = arith.constant 0 : i32
    %dma_start3A_11 = arith.constant 0 : i32
    %dma_start3A_12 = tpu.memref_slice %arg3[%arg1, %dma_start3A_10, %dma_start3A_11] : memref<16x4x128xi32, #tpu.memory_space<hbm>> -> memref<1x4x128xi32, #tpu.memory_space<hbm>>
    %dma_start3A_13 = tpu.memref_squeeze %dma_start3A_12 : memref<1x4x128xi32, #tpu.memory_space<hbm>> -> memref<4x128xi32, #tpu.memory_space<hbm>>
    tpu.enqueue_dma source(%dma_start3A_13 : memref<4x128xi32, #tpu.memory_space<hbm>>) target(%arg8 : memref<4x128xi32, #tpu.memory_space<vmem>>) target_semaphore(%arg10 : memref<!tpu.dma_semaphore, #tpu.memory_space<semaphore_mem>>)
    %dma_start3A_14 = arith.constant 0 : i32
    %dma_start3A_15 = tpu.memref_slice %arg2[%mul3A_2, %dma_start3A_14] : memref<4096x128xf32, #tpu.memory_space<hbm>> -> memref<256x128xf32, #tpu.memory_space<hbm>>
    %dma_start3A_16 = arith.constant 0 : i32
    %dma_start3A_17 = tpu.memref_slice %arg2[%mul3A_2, %dma_start3A_16] : memref<4096x128xf32, #tpu.memory_space<hbm>> -> memref<256x128xf32, #tpu.memory_space<hbm>>
    tpu.enqueue_dma source(%dma_start3A_17 : memref<256x128xf32, #tpu.memory_space<hbm>>) target(%arg9 : memref<256x128xf32, #tpu.memory_space<vmem>>) target_semaphore(%arg10 : memref<!tpu.dma_semaphore, #tpu.memory_space<semaphore_mem>>)
    %dma_wait3A = arith.constant 0 : i32
    %dma_wait3A_18 = tpu.memref_slice %arg7[%mul3A_0, %dma_wait3A] : memref<2048x128xf32, #tpu.memory_space<vmem_shared>> -> memref<128x128xf32, #tpu.memory_space<vmem_shared>>
    %dma_wait3A_19 = arith.constant 0 : i32
    %dma_wait3A_20 = tpu.memref_slice %arg4[%mul3A_0, %dma_wait3A_19] : memref<2048x128xf32, #tpu.memory_space<hbm>> -> memref<128x128xf32, #tpu.memory_space<hbm>>
    tpu.wait_dma2 semaphore(%arg10 : memref<!tpu.dma_semaphore, #tpu.memory_space<semaphore_mem>>) src(%dma_wait3A_20 : memref<128x128xf32, #tpu.memory_space<hbm>>) dst(%dma_wait3A_18 : memref<128x128xf32, #tpu.memory_space<vmem_shared>>)
    %dma_wait3A_21 = arith.constant 0 : i32
    %dma_wait3A_22 = arith.constant 0 : i32
    %dma_wait3A_23 = tpu.memref_slice %arg3[%arg1, %dma_wait3A_21, %dma_wait3A_22] : memref<16x4x128xi32, #tpu.memory_space<hbm>> -> memref<1x4x128xi32, #tpu.memory_space<hbm>>
    %dma_wait3A_24 = tpu.memref_squeeze %dma_wait3A_23 : memref<1x4x128xi32, #tpu.memory_space<hbm>> -> memref<4x128xi32, #tpu.memory_space<hbm>>
    %dma_wait3A_25 = arith.constant 0 : i32
    %dma_wait3A_26 = arith.constant 0 : i32
    %dma_wait3A_27 = tpu.memref_slice %arg3[%arg1, %dma_wait3A_25, %dma_wait3A_26] : memref<16x4x128xi32, #tpu.memory_space<hbm>> -> memref<1x4x128xi32, #tpu.memory_space<hbm>>
    %dma_wait3A_28 = tpu.memref_squeeze %dma_wait3A_27 : memref<1x4x128xi32, #tpu.memory_space<hbm>> -> memref<4x128xi32, #tpu.memory_space<hbm>>
    tpu.wait_dma2 semaphore(%arg10 : memref<!tpu.dma_semaphore, #tpu.memory_space<semaphore_mem>>) src(%dma_wait3A_28 : memref<4x128xi32, #tpu.memory_space<hbm>>) dst(%arg8 : memref<4x128xi32, #tpu.memory_space<vmem>>)
    %dma_wait3A_29 = arith.constant 0 : i32
    %dma_wait3A_30 = tpu.memref_slice %arg2[%mul3A_2, %dma_wait3A_29] : memref<4096x128xf32, #tpu.memory_space<hbm>> -> memref<256x128xf32, #tpu.memory_space<hbm>>
    %dma_wait3A_31 = arith.constant 0 : i32
    %dma_wait3A_32 = tpu.memref_slice %arg2[%mul3A_2, %dma_wait3A_31] : memref<4096x128xf32, #tpu.memory_space<hbm>> -> memref<256x128xf32, #tpu.memory_space<hbm>>
    tpu.wait_dma2 semaphore(%arg10 : memref<!tpu.dma_semaphore, #tpu.memory_space<semaphore_mem>>) src(%dma_wait3A_32 : memref<256x128xf32, #tpu.memory_space<hbm>>) dst(%arg9 : memref<256x128xf32, #tpu.memory_space<vmem>>)
    %barrier3A = arith.constant 0 : index
    tpu.barrier barrier_id(%barrier3A)
    %dma_start3A_33 = arith.constant 0 : i32
    %dma_start3A_34 = arith.constant 0 : i32
    %dma_start3A_35 = arith.constant 0 : i32
    %dma_start3A_36 = tpu.memref_slice %arg9[%dma_start3A_34, %dma_start3A_35] : memref<256x128xf32, #tpu.memory_space<vmem>> -> memref<128x128xf32, #tpu.memory_space<vmem>>
    %dma_start3A_37 = arith.constant 0 : i32
    %dma_start3A_38 = tpu.memref_slice %arg8[%dma_start3A_33, %dma_start3A_37] : memref<4x128xi32, #tpu.memory_space<vmem>> -> memref<1x128xi32, #tpu.memory_space<vmem>>
    %dma_start3A_39 = tpu.memref_squeeze %dma_start3A_38 : memref<1x128xi32, #tpu.memory_space<vmem>> -> memref<128xi32, #tpu.memory_space<vmem>>
    %dma_start3A_40 = arith.constant 0 : i32
    %dma_start3A_41 = arith.constant 0 : i32
    %dma_start3A_42 = tpu.memref_slice %arg7[%dma_start3A_40, %dma_start3A_41] : memref<2048x128xf32, #tpu.memory_space<vmem_shared>> -> memref<2048x128xf32, #tpu.memory_space<vmem_shared>>
    tpu.enqueue_indirect_dma source(%dma_start3A_36 : memref<128x128xf32, #tpu.memory_space<vmem>>) target(%dma_start3A_42 : memref<2048x128xf32, #tpu.memory_space<vmem_shared>>) offsets(%dma_start3A_39 : memref<128xi32, #tpu.memory_space<vmem>>) semaphore(%arg10 : memref<!tpu.dma_semaphore, #tpu.memory_space<semaphore_mem>>) {add = true}
    %dma_start3A_43 = arith.constant 1 : i32
    %dma_start3A_44 = arith.constant 128 : i32
    %dma_start3A_45 = arith.constant 0 : i32
    %dma_start3A_46 = tpu.memref_slice %arg9[%dma_start3A_44, %dma_start3A_45] : memref<256x128xf32, #tpu.memory_space<vmem>> -> memref<128x128xf32, #tpu.memory_space<vmem>>
    %dma_start3A_47 = arith.constant 0 : i32
    %dma_start3A_48 = tpu.memref_slice %arg8[%dma_start3A_43, %dma_start3A_47] : memref<4x128xi32, #tpu.memory_space<vmem>> -> memref<1x128xi32, #tpu.memory_space<vmem>>
    %dma_start3A_49 = tpu.memref_squeeze %dma_start3A_48 : memref<1x128xi32, #tpu.memory_space<vmem>> -> memref<128xi32, #tpu.memory_space<vmem>>
    %dma_start3A_50 = arith.constant 0 : i32
    %dma_start3A_51 = arith.constant 0 : i32
    %dma_start3A_52 = tpu.memref_slice %arg7[%dma_start3A_50, %dma_start3A_51] : memref<2048x128xf32, #tpu.memory_space<vmem_shared>> -> memref<2048x128xf32, #tpu.memory_space<vmem_shared>>
    tpu.enqueue_indirect_dma source(%dma_start3A_46 : memref<128x128xf32, #tpu.memory_space<vmem>>) target(%dma_start3A_52 : memref<2048x128xf32, #tpu.memory_space<vmem_shared>>) offsets(%dma_start3A_49 : memref<128xi32, #tpu.memory_space<vmem>>) semaphore(%arg10 : memref<!tpu.dma_semaphore, #tpu.memory_space<semaphore_mem>>) {add = true}
    %dma_wait3A_53 = arith.constant 0 : i32
    %dma_wait3A_54 = arith.constant 0 : i32
    %dma_wait3A_55 = arith.constant 0 : i32
    %dma_wait3A_56 = tpu.memref_slice %arg9[%dma_wait3A_54, %dma_wait3A_55] : memref<256x128xf32, #tpu.memory_space<vmem>> -> memref<128x128xf32, #tpu.memory_space<vmem>>
    %dma_wait3A_57 = arith.constant 0 : i32
    %dma_wait3A_58 = tpu.memref_slice %arg8[%dma_wait3A_53, %dma_wait3A_57] : memref<4x128xi32, #tpu.memory_space<vmem>> -> memref<1x128xi32, #tpu.memory_space<vmem>>
    %dma_wait3A_59 = tpu.memref_squeeze %dma_wait3A_58 : memref<1x128xi32, #tpu.memory_space<vmem>> -> memref<128xi32, #tpu.memory_space<vmem>>
    %dma_wait3A_60 = arith.constant 0 : i32
    %dma_wait3A_61 = arith.constant 0 : i32
    %dma_wait3A_62 = tpu.memref_slice %arg7[%dma_wait3A_60, %dma_wait3A_61] : memref<2048x128xf32, #tpu.memory_space<vmem_shared>> -> memref<2048x128xf32, #tpu.memory_space<vmem_shared>>
    tpu.wait_indirect_dma semaphore(%arg10 : memref<!tpu.dma_semaphore, #tpu.memory_space<semaphore_mem>>) src(%dma_wait3A_56 : memref<128x128xf32, #tpu.memory_space<vmem>>) dst(%dma_wait3A_62 : memref<2048x128xf32, #tpu.memory_space<vmem_shared>>)
    %dma_wait3A_63 = arith.constant 1 : i32
    %dma_wait3A_64 = arith.constant 128 : i32
    %dma_wait3A_65 = arith.constant 0 : i32
    %dma_wait3A_66 = tpu.memref_slice %arg9[%dma_wait3A_64, %dma_wait3A_65] : memref<256x128xf32, #tpu.memory_space<vmem>> -> memref<128x128xf32, #tpu.memory_space<vmem>>
    %dma_wait3A_67 = arith.constant 0 : i32
    %dma_wait3A_68 = tpu.memref_slice %arg8[%dma_wait3A_63, %dma_wait3A_67] : memref<4x128xi32, #tpu.memory_space<vmem>> -> memref<1x128xi32, #tpu.memory_space<vmem>>
    %dma_wait3A_69 = tpu.memref_squeeze %dma_wait3A_68 : memref<1x128xi32, #tpu.memory_space<vmem>> -> memref<128xi32, #tpu.memory_space<vmem>>
    %dma_wait3A_70 = arith.constant 0 : i32
    %dma_wait3A_71 = arith.constant 0 : i32
    %dma_wait3A_72 = tpu.memref_slice %arg7[%dma_wait3A_70, %dma_wait3A_71] : memref<2048x128xf32, #tpu.memory_space<vmem_shared>> -> memref<2048x128xf32, #tpu.memory_space<vmem_shared>>
    tpu.wait_indirect_dma semaphore(%arg10 : memref<!tpu.dma_semaphore, #tpu.memory_space<semaphore_mem>>) src(%dma_wait3A_66 : memref<128x128xf32, #tpu.memory_space<vmem>>) dst(%dma_wait3A_72 : memref<2048x128xf32, #tpu.memory_space<vmem_shared>>)
    %barrier3A_73 = arith.constant 0 : index
    tpu.barrier barrier_id(%barrier3A_73)
    %dma_start3A_74 = arith.constant 0 : i32
    %dma_start3A_75 = tpu.memref_slice %arg5[%mul3A_0, %dma_start3A_74] : memref<2048x128xf32, #tpu.memory_space<hbm>> -> memref<128x128xf32, #tpu.memory_space<hbm>>
    %dma_start3A_76 = arith.constant 0 : i32
    %dma_start3A_77 = tpu.memref_slice %arg7[%mul3A_0, %dma_start3A_76] : memref<2048x128xf32, #tpu.memory_space<vmem_shared>> -> memref<128x128xf32, #tpu.memory_space<vmem_shared>>
    tpu.enqueue_dma source(%dma_start3A_77 : memref<128x128xf32, #tpu.memory_space<vmem_shared>>) target(%dma_start3A_75 : memref<128x128xf32, #tpu.memory_space<hbm>>) target_semaphore(%arg10 : memref<!tpu.dma_semaphore, #tpu.memory_space<semaphore_mem>>)
    %dma_wait3A_78 = arith.constant 0 : i32
    %dma_wait3A_79 = tpu.memref_slice %arg5[%mul3A_0, %dma_wait3A_78] : memref<2048x128xf32, #tpu.memory_space<hbm>> -> memref<128x128xf32, #tpu.memory_space<hbm>>
    %dma_wait3A_80 = arith.constant 0 : i32
    %dma_wait3A_81 = tpu.memref_slice %arg7[%mul3A_0, %dma_wait3A_80] : memref<2048x128xf32, #tpu.memory_space<vmem_shared>> -> memref<128x128xf32, #tpu.memory_space<vmem_shared>>
    tpu.wait_dma2 semaphore(%arg10 : memref<!tpu.dma_semaphore, #tpu.memory_space<semaphore_mem>>) src(%dma_wait3A_81 : memref<128x128xf32, #tpu.memory_space<vmem_shared>>) dst(%dma_wait3A_79 : memref<128x128xf32, #tpu.memory_space<hbm>>)
    %barrier3A_82 = arith.constant 0 : index
    tpu.barrier barrier_id(%barrier3A_82)
    %dma_start3A_83 = arith.constant 2 : i32
    %dma_start3A_84 = arith.constant 0 : i32
    %dma_start3A_85 = arith.constant 0 : i32
    %dma_start3A_86 = tpu.memref_slice %arg9[%dma_start3A_84, %dma_start3A_85] : memref<256x128xf32, #tpu.memory_space<vmem>> -> memref<128x128xf32, #tpu.memory_space<vmem>>
    %dma_start3A_87 = arith.constant 0 : i32
    %dma_start3A_88 = tpu.memref_slice %arg8[%dma_start3A_83, %dma_start3A_87] : memref<4x128xi32, #tpu.memory_space<vmem>> -> memref<1x128xi32, #tpu.memory_space<vmem>>
    %dma_start3A_89 = tpu.memref_squeeze %dma_start3A_88 : memref<1x128xi32, #tpu.memory_space<vmem>> -> memref<128xi32, #tpu.memory_space<vmem>>
    %dma_start3A_90 = arith.constant 0 : i32
    %dma_start3A_91 = arith.constant 0 : i32
    %dma_start3A_92 = tpu.memref_slice %arg5[%dma_start3A_90, %dma_start3A_91] : memref<2048x128xf32, #tpu.memory_space<hbm>> -> memref<2048x128xf32, #tpu.memory_space<hbm>>
    tpu.enqueue_indirect_dma source(%dma_start3A_92 : memref<2048x128xf32, #tpu.memory_space<hbm>>) target(%dma_start3A_86 : memref<128x128xf32, #tpu.memory_space<vmem>>) offsets(%dma_start3A_89 : memref<128xi32, #tpu.memory_space<vmem>>) semaphore(%arg10 : memref<!tpu.dma_semaphore, #tpu.memory_space<semaphore_mem>>)
    %dma_start3A_93 = arith.constant 3 : i32
    %dma_start3A_94 = arith.constant 128 : i32
    %dma_start3A_95 = arith.constant 0 : i32
    %dma_start3A_96 = tpu.memref_slice %arg9[%dma_start3A_94, %dma_start3A_95] : memref<256x128xf32, #tpu.memory_space<vmem>> -> memref<128x128xf32, #tpu.memory_space<vmem>>
    %dma_start3A_97 = arith.constant 0 : i32
    %dma_start3A_98 = tpu.memref_slice %arg8[%dma_start3A_93, %dma_start3A_97] : memref<4x128xi32, #tpu.memory_space<vmem>> -> memref<1x128xi32, #tpu.memory_space<vmem>>
    %dma_start3A_99 = tpu.memref_squeeze %dma_start3A_98 : memref<1x128xi32, #tpu.memory_space<vmem>> -> memref<128xi32, #tpu.memory_space<vmem>>
    %dma_start3A_100 = arith.constant 0 : i32
    %dma_start3A_101 = arith.constant 0 : i32
    %dma_start3A_102 = tpu.memref_slice %arg5[%dma_start3A_100, %dma_start3A_101] : memref<2048x128xf32, #tpu.memory_space<hbm>> -> memref<2048x128xf32, #tpu.memory_space<hbm>>
    tpu.enqueue_indirect_dma source(%dma_start3A_102 : memref<2048x128xf32, #tpu.memory_space<hbm>>) target(%dma_start3A_96 : memref<128x128xf32, #tpu.memory_space<vmem>>) offsets(%dma_start3A_99 : memref<128xi32, #tpu.memory_space<vmem>>) semaphore(%arg10 : memref<!tpu.dma_semaphore, #tpu.memory_space<semaphore_mem>>)
    %dma_wait3A_103 = arith.constant 2 : i32
    %dma_wait3A_104 = arith.constant 0 : i32
    %dma_wait3A_105 = arith.constant 0 : i32
    %dma_wait3A_106 = tpu.memref_slice %arg9[%dma_wait3A_104, %dma_wait3A_105] : memref<256x128xf32, #tpu.memory_space<vmem>> -> memref<128x128xf32, #tpu.memory_space<vmem>>
    %dma_wait3A_107 = arith.constant 0 : i32
    %dma_wait3A_108 = tpu.memref_slice %arg8[%dma_wait3A_103, %dma_wait3A_107] : memref<4x128xi32, #tpu.memory_space<vmem>> -> memref<1x128xi32, #tpu.memory_space<vmem>>
    %dma_wait3A_109 = tpu.memref_squeeze %dma_wait3A_108 : memref<1x128xi32, #tpu.memory_space<vmem>> -> memref<128xi32, #tpu.memory_space<vmem>>
    %dma_wait3A_110 = arith.constant 0 : i32
    %dma_wait3A_111 = arith.constant 0 : i32
    %dma_wait3A_112 = tpu.memref_slice %arg5[%dma_wait3A_110, %dma_wait3A_111] : memref<2048x128xf32, #tpu.memory_space<hbm>> -> memref<2048x128xf32, #tpu.memory_space<hbm>>
    tpu.wait_indirect_dma semaphore(%arg10 : memref<!tpu.dma_semaphore, #tpu.memory_space<semaphore_mem>>) src(%dma_wait3A_112 : memref<2048x128xf32, #tpu.memory_space<hbm>>) dst(%dma_wait3A_106 : memref<128x128xf32, #tpu.memory_space<vmem>>)
    %add3A = arith.constant 0 : i32
    %add3A_113 = arith.addi %mul3A_2, %add3A : i32
    %dma_start3A_114 = arith.constant 0 : i32
    %dma_start3A_115 = arith.constant 0 : i32
    %dma_start3A_116 = tpu.memref_slice %arg9[%dma_start3A_114, %dma_start3A_115] : memref<256x128xf32, #tpu.memory_space<vmem>> -> memref<128x128xf32, #tpu.memory_space<vmem>>
    %dma_start3A_117 = arith.constant 0 : i32
    %dma_start3A_118 = tpu.memref_slice %arg6[%add3A_113, %dma_start3A_117] : memref<4096x128xf32, #tpu.memory_space<hbm>> -> memref<128x128xf32, #tpu.memory_space<hbm>>
    %dma_start3A_119 = arith.constant 0 : i32
    %dma_start3A_120 = tpu.memref_slice %arg6[%add3A_113, %dma_start3A_119] : memref<4096x128xf32, #tpu.memory_space<hbm>> -> memref<128x128xf32, #tpu.memory_space<hbm>>
    %dma_start3A_121 = arith.constant 0 : i32
    %dma_start3A_122 = arith.constant 0 : i32
    %dma_start3A_123 = tpu.memref_slice %arg9[%dma_start3A_121, %dma_start3A_122] : memref<256x128xf32, #tpu.memory_space<vmem>> -> memref<128x128xf32, #tpu.memory_space<vmem>>
    tpu.enqueue_dma source(%dma_start3A_123 : memref<128x128xf32, #tpu.memory_space<vmem>>) target(%dma_start3A_120 : memref<128x128xf32, #tpu.memory_space<hbm>>) target_semaphore(%arg10 : memref<!tpu.dma_semaphore, #tpu.memory_space<semaphore_mem>>)
    %dma_wait3A_124 = arith.constant 3 : i32
    %dma_wait3A_125 = arith.constant 128 : i32
    %dma_wait3A_126 = arith.constant 0 : i32
    %dma_wait3A_127 = tpu.memref_slice %arg9[%dma_wait3A_125, %dma_wait3A_126] : memref<256x128xf32, #tpu.memory_space<vmem>> -> memref<128x128xf32, #tpu.memory_space<vmem>>
    %dma_wait3A_128 = arith.constant 0 : i32
    %dma_wait3A_129 = tpu.memref_slice %arg8[%dma_wait3A_124, %dma_wait3A_128] : memref<4x128xi32, #tpu.memory_space<vmem>> -> memref<1x128xi32, #tpu.memory_space<vmem>>
    %dma_wait3A_130 = tpu.memref_squeeze %dma_wait3A_129 : memref<1x128xi32, #tpu.memory_space<vmem>> -> memref<128xi32, #tpu.memory_space<vmem>>
    %dma_wait3A_131 = arith.constant 0 : i32
    %dma_wait3A_132 = arith.constant 0 : i32
    %dma_wait3A_133 = tpu.memref_slice %arg5[%dma_wait3A_131, %dma_wait3A_132] : memref<2048x128xf32, #tpu.memory_space<hbm>> -> memref<2048x128xf32, #tpu.memory_space<hbm>>
    tpu.wait_indirect_dma semaphore(%arg10 : memref<!tpu.dma_semaphore, #tpu.memory_space<semaphore_mem>>) src(%dma_wait3A_133 : memref<2048x128xf32, #tpu.memory_space<hbm>>) dst(%dma_wait3A_127 : memref<128x128xf32, #tpu.memory_space<vmem>>)
    %add3A_134 = arith.constant 128 : i32
    %add3A_135 = arith.addi %mul3A_2, %add3A_134 : i32
    %dma_start3A_136 = arith.constant 128 : i32
    %dma_start3A_137 = arith.constant 0 : i32
    %dma_start3A_138 = tpu.memref_slice %arg9[%dma_start3A_136, %dma_start3A_137] : memref<256x128xf32, #tpu.memory_space<vmem>> -> memref<128x128xf32, #tpu.memory_space<vmem>>
    %dma_start3A_139 = arith.constant 0 : i32
    %dma_start3A_140 = tpu.memref_slice %arg6[%add3A_135, %dma_start3A_139] : memref<4096x128xf32, #tpu.memory_space<hbm>> -> memref<128x128xf32, #tpu.memory_space<hbm>>
    %dma_start3A_141 = arith.constant 0 : i32
    %dma_start3A_142 = tpu.memref_slice %arg6[%add3A_135, %dma_start3A_141] : memref<4096x128xf32, #tpu.memory_space<hbm>> -> memref<128x128xf32, #tpu.memory_space<hbm>>
    %dma_start3A_143 = arith.constant 128 : i32
    %dma_start3A_144 = arith.constant 0 : i32
    %dma_start3A_145 = tpu.memref_slice %arg9[%dma_start3A_143, %dma_start3A_144] : memref<256x128xf32, #tpu.memory_space<vmem>> -> memref<128x128xf32, #tpu.memory_space<vmem>>
    tpu.enqueue_dma source(%dma_start3A_145 : memref<128x128xf32, #tpu.memory_space<vmem>>) target(%dma_start3A_142 : memref<128x128xf32, #tpu.memory_space<hbm>>) target_semaphore(%arg10 : memref<!tpu.dma_semaphore, #tpu.memory_space<semaphore_mem>>)
    %dma_wait3A_146 = arith.constant 0 : i32
    %dma_wait3A_147 = arith.constant 0 : i32
    %dma_wait3A_148 = tpu.memref_slice %arg9[%dma_wait3A_146, %dma_wait3A_147] : memref<256x128xf32, #tpu.memory_space<vmem>> -> memref<128x128xf32, #tpu.memory_space<vmem>>
    %dma_wait3A_149 = arith.constant 0 : i32
    %dma_wait3A_150 = tpu.memref_slice %arg6[%add3A_113, %dma_wait3A_149] : memref<4096x128xf32, #tpu.memory_space<hbm>> -> memref<128x128xf32, #tpu.memory_space<hbm>>
    %dma_wait3A_151 = arith.constant 0 : i32
    %dma_wait3A_152 = tpu.memref_slice %arg6[%add3A_113, %dma_wait3A_151] : memref<4096x128xf32, #tpu.memory_space<hbm>> -> memref<128x128xf32, #tpu.memory_space<hbm>>
    %dma_wait3A_153 = arith.constant 0 : i32
    %dma_wait3A_154 = arith.constant 0 : i32
    %dma_wait3A_155 = tpu.memref_slice %arg9[%dma_wait3A_153, %dma_wait3A_154] : memref<256x128xf32, #tpu.memory_space<vmem>> -> memref<128x128xf32, #tpu.memory_space<vmem>>
    tpu.wait_dma2 semaphore(%arg10 : memref<!tpu.dma_semaphore, #tpu.memory_space<semaphore_mem>>) src(%dma_wait3A_155 : memref<128x128xf32, #tpu.memory_space<vmem>>) dst(%dma_wait3A_152 : memref<128x128xf32, #tpu.memory_space<hbm>>)
    %dma_wait3A_156 = arith.constant 128 : i32
    %dma_wait3A_157 = arith.constant 0 : i32
    %dma_wait3A_158 = tpu.memref_slice %arg9[%dma_wait3A_156, %dma_wait3A_157] : memref<256x128xf32, #tpu.memory_space<vmem>> -> memref<128x128xf32, #tpu.memory_space<vmem>>
    %dma_wait3A_159 = arith.constant 0 : i32
    %dma_wait3A_160 = tpu.memref_slice %arg6[%add3A_135, %dma_wait3A_159] : memref<4096x128xf32, #tpu.memory_space<hbm>> -> memref<128x128xf32, #tpu.memory_space<hbm>>
    %dma_wait3A_161 = arith.constant 0 : i32
    %dma_wait3A_162 = tpu.memref_slice %arg6[%add3A_135, %dma_wait3A_161] : memref<4096x128xf32, #tpu.memory_space<hbm>> -> memref<128x128xf32, #tpu.memory_space<hbm>>
    %dma_wait3A_163 = arith.constant 128 : i32
    %dma_wait3A_164 = arith.constant 0 : i32
    %dma_wait3A_165 = tpu.memref_slice %arg9[%dma_wait3A_163, %dma_wait3A_164] : memref<256x128xf32, #tpu.memory_space<vmem>> -> memref<128x128xf32, #tpu.memory_space<vmem>>
    tpu.wait_dma2 semaphore(%arg10 : memref<!tpu.dma_semaphore, #tpu.memory_space<semaphore_mem>>) src(%dma_wait3A_165 : memref<128x128xf32, #tpu.memory_space<vmem>>) dst(%dma_wait3A_162 : memref<128x128xf32, #tpu.memory_space<hbm>>)
    return
  }
}

#map = affine_map<(d0, d1) -> (0, 0)>
#map1 = affine_map<(d0, d1) -> (0, 0, 0)>
module attributes {stable_mosaic.version = 14 : i64} {
  func.func @k(%arg0: i32, %arg1: i32, %arg2: memref<4096x64xf32, #tpu.memory_space<hbm>>, %arg3: memref<16x4x128xi32, #tpu.memory_space<hbm>>, %arg4: memref<2048x64xf32, #tpu.memory_space<hbm>>, %arg5: memref<2048x64xf32, #tpu.memory_space<hbm>>, %arg6: memref<4096x64xf32, #tpu.memory_space<hbm>>, %arg7: memref<2048x64xf32, #tpu.memory_space<vmem_shared>>, %arg8: memref<4x128xi32, #tpu.memory_space<vmem>>, %arg9: memref<256x64xf32, #tpu.memory_space<vmem>>, %arg10: memref<!tpu.dma_semaphore, #tpu.memory_space<semaphore_mem>>) attributes {dimension_semantics = [#tpu.dimension_semantics<core_parallel>, #tpu.dimension_semantics<subcore_parallel>], iteration_bounds = array<i64: 1, 16>, scalar_prefetch = 0 : i64, scratch_operands = 4 : i64, tpu.core_type = #tpu.core_type<sc_vector_subcore>, window_params = [{transform_indices = #map}, {transform_indices = #map1}, {transform_indices = #map}, {transform_indices = #map}, {transform_indices = #map}]} {
    %mul3A = arith.constant 128 : i32
    %mul3A_0 = arith.muli %arg1, %mul3A : i32
    %mul3A_1 = arith.constant 256 : i32
    %mul3A_2 = arith.muli %arg1, %mul3A_1 : i32
    %dma_start3A = arith.constant 0 : i32
    %dma_start3A_3 = tpu.memref_slice %arg7[%mul3A_0, %dma_start3A] : memref<2048x64xf32, #tpu.memory_space<vmem_shared>> -> memref<128x64xf32, #tpu.memory_space<vmem_shared>>
    %dma_start3A_4 = arith.constant 0 : i32
    %dma_start3A_5 = tpu.memref_slice %arg4[%mul3A_0, %dma_start3A_4] : memref<2048x64xf32, #tpu.memory_space<hbm>> -> memref<128x64xf32, #tpu.memory_space<hbm>>
    tpu.enqueue_dma source(%dma_start3A_5 : memref<128x64xf32, #tpu.memory_space<hbm>>) target(%dma_start3A_3 : memref<128x64xf32, #tpu.memory_space<vmem_shared>>) target_semaphore(%arg10 : memref<!tpu.dma_semaphore, #tpu.memory_space<semaphore_mem>>)
    %dma_start3A_6 = arith.constant 0 : i32
    %dma_start3A_7 = arith.constant 0 : i32
    %dma_start3A_8 = tpu.memref_slice %arg3[%arg1, %dma_start3A_6, %dma_start3A_7] : memref<16x4x128xi32, #tpu.memory_space<hbm>> -> memref<1x4x128xi32, #tpu.memory_space<hbm>>
    %dma_start3A_9 = tpu.memref_squeeze %dma_start3A_8 : memref<1x4x128xi32, #tpu.memory_space<hbm>> -> memref<4x128xi32, #tpu.memory_space<hbm>>
    %dma_start3A_10 = arith.constant 0 : i32
    %dma_start3A_11 = arith.constant 0 : i32
    %dma_start3A_12 = tpu.memref_slice %arg3[%arg1, %dma_start3A_10, %dma_start3A_11] : memref<16x4x128xi32, #tpu.memory_space<hbm>> -> memref<1x4x128xi32, #tpu.memory_space<hbm>>
    %dma_start3A_13 = tpu.memref_squeeze %dma_start3A_12 : memref<1x4x128xi32, #tpu.memory_space<hbm>> -> memref<4x128xi32, #tpu.memory_space<hbm>>
    tpu.enqueue_dma source(%dma_start3A_13 : memref<4x128xi32, #tpu.memory_space<hbm>>) target(%arg8 : memref<4x128xi32, #tpu.memory_space<vmem>>) target_semaphore(%arg10 : memref<!tpu.dma_semaphore, #tpu.memory_space<semaphore_mem>>)
    %dma_start3A_14 = arith.constant 0 : i32
    %dma_start3A_15 = tpu.memref_slice %arg2[%mul3A_2, %dma_start3A_14] : memref<4096x64xf32, #tpu.memory_space<hbm>> -> memref<256x64xf32, #tpu.memory_space<hbm>>
    %dma_start3A_16 = arith.constant 0 : i32
    %dma_start3A_17 = tpu.memref_slice %arg2[%mul3A_2, %dma_start3A_16] : memref<4096x64xf32, #tpu.memory_space<hbm>> -> memref<256x64xf32, #tpu.memory_space<hbm>>
    tpu.enqueue_dma source(%dma_start3A_17 : memref<256x64xf32, #tpu.memory_space<hbm>>) target(%arg9 : memref<256x64xf32, #tpu.memory_space<vmem>>) target_semaphore(%arg10 : memref<!tpu.dma_semaphore, #tpu.memory_space<semaphore_mem>>)
    %dma_wait3A = arith.constant 0 : i32
    %dma_wait3A_18 = tpu.memref_slice %arg7[%mul3A_0, %dma_wait3A] : memref<2048x64xf32, #tpu.memory_space<vmem_shared>> -> memref<128x64xf32, #tpu.memory_space<vmem_shared>>
    %dma_wait3A_19 = arith.constant 0 : i32
    %dma_wait3A_20 = tpu.memref_slice %arg4[%mul3A_0, %dma_wait3A_19] : memref<2048x64xf32, #tpu.memory_space<hbm>> -> memref<128x64xf32, #tpu.memory_space<hbm>>
    tpu.wait_dma2 semaphore(%arg10 : memref<!tpu.dma_semaphore, #tpu.memory_space<semaphore_mem>>) src(%dma_wait3A_20 : memref<128x64xf32, #tpu.memory_space<hbm>>) dst(%dma_wait3A_18 : memref<128x64xf32, #tpu.memory_space<vmem_shared>>)
    %dma_wait3A_21 = arith.constant 0 : i32
    %dma_wait3A_22 = arith.constant 0 : i32
    %dma_wait3A_23 = tpu.memref_slice %arg3[%arg1, %dma_wait3A_21, %dma_wait3A_22] : memref<16x4x128xi32, #tpu.memory_space<hbm>> -> memref<1x4x128xi32, #tpu.memory_space<hbm>>
    %dma_wait3A_24 = tpu.memref_squeeze %dma_wait3A_23 : memref<1x4x128xi32, #tpu.memory_space<hbm>> -> memref<4x128xi32, #tpu.memory_space<hbm>>
    %dma_wait3A_25 = arith.constant 0 : i32
    %dma_wait3A_26 = arith.constant 0 : i32
    %dma_wait3A_27 = tpu.memref_slice %arg3[%arg1, %dma_wait3A_25, %dma_wait3A_26] : memref<16x4x128xi32, #tpu.memory_space<hbm>> -> memref<1x4x128xi32, #tpu.memory_space<hbm>>
    %dma_wait3A_28 = tpu.memref_squeeze %dma_wait3A_27 : memref<1x4x128xi32, #tpu.memory_space<hbm>> -> memref<4x128xi32, #tpu.memory_space<hbm>>
    tpu.wait_dma2 semaphore(%arg10 : memref<!tpu.dma_semaphore, #tpu.memory_space<semaphore_mem>>) src(%dma_wait3A_28 : memref<4x128xi32, #tpu.memory_space<hbm>>) dst(%arg8 : memref<4x128xi32, #tpu.memory_space<vmem>>)
    %dma_wait3A_29 = arith.constant 0 : i32
    %dma_wait3A_30 = tpu.memref_slice %arg2[%mul3A_2, %dma_wait3A_29] : memref<4096x64xf32, #tpu.memory_space<hbm>> -> memref<256x64xf32, #tpu.memory_space<hbm>>
    %dma_wait3A_31 = arith.constant 0 : i32
    %dma_wait3A_32 = tpu.memref_slice %arg2[%mul3A_2, %dma_wait3A_31] : memref<4096x64xf32, #tpu.memory_space<hbm>> -> memref<256x64xf32, #tpu.memory_space<hbm>>
    tpu.wait_dma2 semaphore(%arg10 : memref<!tpu.dma_semaphore, #tpu.memory_space<semaphore_mem>>) src(%dma_wait3A_32 : memref<256x64xf32, #tpu.memory_space<hbm>>) dst(%arg9 : memref<256x64xf32, #tpu.memory_space<vmem>>)
    %barrier3A = arith.constant 0 : index
    tpu.barrier barrier_id(%barrier3A)
    %dma_start3A_33 = arith.constant 0 : i32
    %dma_start3A_34 = arith.constant 0 : i32
    %dma_start3A_35 = arith.constant 0 : i32
    %dma_start3A_36 = tpu.memref_slice %arg9[%dma_start3A_34, %dma_start3A_35] : memref<256x64xf32, #tpu.memory_space<vmem>> -> memref<128x64xf32, #tpu.memory_space<vmem>>
    %dma_start3A_37 = arith.constant 0 : i32
    %dma_start3A_38 = tpu.memref_slice %arg8[%dma_start3A_33, %dma_start3A_37] : memref<4x128xi32, #tpu.memory_space<vmem>> -> memref<1x128xi32, #tpu.memory_space<vmem>>
    %dma_start3A_39 = tpu.memref_squeeze %dma_start3A_38 : memref<1x128xi32, #tpu.memory_space<vmem>> -> memref<128xi32, #tpu.memory_space<vmem>>
    %dma_start3A_40 = arith.constant 0 : i32
    %dma_start3A_41 = arith.constant 0 : i32
    %dma_start3A_42 = tpu.memref_slice %arg7[%dma_start3A_40, %dma_start3A_41] : memref<2048x64xf32, #tpu.memory_space<vmem_shared>> -> memref<2048x64xf32, #tpu.memory_space<vmem_shared>>
    tpu.enqueue_indirect_dma source(%dma_start3A_36 : memref<128x64xf32, #tpu.memory_space<vmem>>) target(%dma_start3A_42 : memref<2048x64xf32, #tpu.memory_space<vmem_shared>>) offsets(%dma_start3A_39 : memref<128xi32, #tpu.memory_space<vmem>>) semaphore(%arg10 : memref<!tpu.dma_semaphore, #tpu.memory_space<semaphore_mem>>) {add = true}
    %dma_start3A_43 = arith.constant 1 : i32
    %dma_start3A_44 = arith.constant 128 : i32
    %dma_start3A_45 = arith.constant 0 : i32
    %dma_start3A_46 = tpu.memref_slice %arg9[%dma_start3A_44, %dma_start3A_45] : memref<256x64xf32, #tpu.memory_space<vmem>> -> memref<128x64xf32, #tpu.memory_space<vmem>>
    %dma_start3A_47 = arith.constant 0 : i32
    %dma_start3A_48 = tpu.memref_slice %arg8[%dma_start3A_43, %dma_start3A_47] : memref<4x128xi32, #tpu.memory_space<vmem>> -> memref<1x128xi32, #tpu.memory_space<vmem>>
    %dma_start3A_49 = tpu.memref_squeeze %dma_start3A_48 : memref<1x128xi32, #tpu.memory_space<vmem>> -> memref<128xi32, #tpu.memory_space<vmem>>
    %dma_start3A_50 = arith.constant 0 : i32
    %dma_start3A_51 = arith.constant 0 : i32
    %dma_start3A_52 = tpu.memref_slice %arg7[%dma_start3A_50, %dma_start3A_51] : memref<2048x64xf32, #tpu.memory_space<vmem_shared>> -> memref<2048x64xf32, #tpu.memory_space<vmem_shared>>
    tpu.enqueue_indirect_dma source(%dma_start3A_46 : memref<128x64xf32, #tpu.memory_space<vmem>>) target(%dma_start3A_52 : memref<2048x64xf32, #tpu.memory_space<vmem_shared>>) offsets(%dma_start3A_49 : memref<128xi32, #tpu.memory_space<vmem>>) semaphore(%arg10 : memref<!tpu.dma_semaphore, #tpu.memory_space<semaphore_mem>>) {add = true}
    %dma_wait3A_53 = arith.constant 0 : i32
    %dma_wait3A_54 = arith.constant 0 : i32
    %dma_wait3A_55 = arith.constant 0 : i32
    %dma_wait3A_56 = tpu.memref_slice %arg9[%dma_wait3A_54, %dma_wait3A_55] : memref<256x64xf32, #tpu.memory_space<vmem>> -> memref<128x64xf32, #tpu.memory_space<vmem>>
    %dma_wait3A_57 = arith.constant 0 : i32
    %dma_wait3A_58 = tpu.memref_slice %arg8[%dma_wait3A_53, %dma_wait3A_57] : memref<4x128xi32, #tpu.memory_space<vmem>> -> memref<1x128xi32, #tpu.memory_space<vmem>>
    %dma_wait3A_59 = tpu.memref_squeeze %dma_wait3A_58 : memref<1x128xi32, #tpu.memory_space<vmem>> -> memref<128xi32, #tpu.memory_space<vmem>>
    %dma_wait3A_60 = arith.constant 0 : i32
    %dma_wait3A_61 = arith.constant 0 : i32
    %dma_wait3A_62 = tpu.memref_slice %arg7[%dma_wait3A_60, %dma_wait3A_61] : memref<2048x64xf32, #tpu.memory_space<vmem_shared>> -> memref<2048x64xf32, #tpu.memory_space<vmem_shared>>
    tpu.wait_indirect_dma semaphore(%arg10 : memref<!tpu.dma_semaphore, #tpu.memory_space<semaphore_mem>>) src(%dma_wait3A_56 : memref<128x64xf32, #tpu.memory_space<vmem>>) dst(%dma_wait3A_62 : memref<2048x64xf32, #tpu.memory_space<vmem_shared>>)
    %dma_wait3A_63 = arith.constant 1 : i32
    %dma_wait3A_64 = arith.constant 128 : i32
    %dma_wait3A_65 = arith.constant 0 : i32
    %dma_wait3A_66 = tpu.memref_slice %arg9[%dma_wait3A_64, %dma_wait3A_65] : memref<256x64xf32, #tpu.memory_space<vmem>> -> memref<128x64xf32, #tpu.memory_space<vmem>>
    %dma_wait3A_67 = arith.constant 0 : i32
    %dma_wait3A_68 = tpu.memref_slice %arg8[%dma_wait3A_63, %dma_wait3A_67] : memref<4x128xi32, #tpu.memory_space<vmem>> -> memref<1x128xi32, #tpu.memory_space<vmem>>
    %dma_wait3A_69 = tpu.memref_squeeze %dma_wait3A_68 : memref<1x128xi32, #tpu.memory_space<vmem>> -> memref<128xi32, #tpu.memory_space<vmem>>
    %dma_wait3A_70 = arith.constant 0 : i32
    %dma_wait3A_71 = arith.constant 0 : i32
    %dma_wait3A_72 = tpu.memref_slice %arg7[%dma_wait3A_70, %dma_wait3A_71] : memref<2048x64xf32, #tpu.memory_space<vmem_shared>> -> memref<2048x64xf32, #tpu.memory_space<vmem_shared>>
    tpu.wait_indirect_dma semaphore(%arg10 : memref<!tpu.dma_semaphore, #tpu.memory_space<semaphore_mem>>) src(%dma_wait3A_66 : memref<128x64xf32, #tpu.memory_space<vmem>>) dst(%dma_wait3A_72 : memref<2048x64xf32, #tpu.memory_space<vmem_shared>>)
    %barrier3A_73 = arith.constant 0 : index
    tpu.barrier barrier_id(%barrier3A_73)
    %dma_start3A_74 = arith.constant 0 : i32
    %dma_start3A_75 = tpu.memref_slice %arg5[%mul3A_0, %dma_start3A_74] : memref<2048x64xf32, #tpu.memory_space<hbm>> -> memref<128x64xf32, #tpu.memory_space<hbm>>
    %dma_start3A_76 = arith.constant 0 : i32
    %dma_start3A_77 = tpu.memref_slice %arg7[%mul3A_0, %dma_start3A_76] : memref<2048x64xf32, #tpu.memory_space<vmem_shared>> -> memref<128x64xf32, #tpu.memory_space<vmem_shared>>
    tpu.enqueue_dma source(%dma_start3A_77 : memref<128x64xf32, #tpu.memory_space<vmem_shared>>) target(%dma_start3A_75 : memref<128x64xf32, #tpu.memory_space<hbm>>) target_semaphore(%arg10 : memref<!tpu.dma_semaphore, #tpu.memory_space<semaphore_mem>>)
    %dma_wait3A_78 = arith.constant 0 : i32
    %dma_wait3A_79 = tpu.memref_slice %arg5[%mul3A_0, %dma_wait3A_78] : memref<2048x64xf32, #tpu.memory_space<hbm>> -> memref<128x64xf32, #tpu.memory_space<hbm>>
    %dma_wait3A_80 = arith.constant 0 : i32
    %dma_wait3A_81 = tpu.memref_slice %arg7[%mul3A_0, %dma_wait3A_80] : memref<2048x64xf32, #tpu.memory_space<vmem_shared>> -> memref<128x64xf32, #tpu.memory_space<vmem_shared>>
    tpu.wait_dma2 semaphore(%arg10 : memref<!tpu.dma_semaphore, #tpu.memory_space<semaphore_mem>>) src(%dma_wait3A_81 : memref<128x64xf32, #tpu.memory_space<vmem_shared>>) dst(%dma_wait3A_79 : memref<128x64xf32, #tpu.memory_space<hbm>>)
    %barrier3A_82 = arith.constant 0 : index
    tpu.barrier barrier_id(%barrier3A_82)
    %dma_start3A_83 = arith.constant 2 : i32
    %dma_start3A_84 = arith.constant 0 : i32
    %dma_start3A_85 = arith.constant 0 : i32
    %dma_start3A_86 = tpu.memref_slice %arg9[%dma_start3A_84, %dma_start3A_85] : memref<256x64xf32, #tpu.memory_space<vmem>> -> memref<128x64xf32, #tpu.memory_space<vmem>>
    %dma_start3A_87 = arith.constant 0 : i32
    %dma_start3A_88 = tpu.memref_slice %arg8[%dma_start3A_83, %dma_start3A_87] : memref<4x128xi32, #tpu.memory_space<vmem>> -> memref<1x128xi32, #tpu.memory_space<vmem>>
    %dma_start3A_89 = tpu.memref_squeeze %dma_start3A_88 : memref<1x128xi32, #tpu.memory_space<vmem>> -> memref<128xi32, #tpu.memory_space<vmem>>
    %dma_start3A_90 = arith.constant 0 : i32
    %dma_start3A_91 = arith.constant 0 : i32
    %dma_start3A_92 = tpu.memref_slice %arg5[%dma_start3A_90, %dma_start3A_91] : memref<2048x64xf32, #tpu.memory_space<hbm>> -> memref<2048x64xf32, #tpu.memory_space<hbm>>
    tpu.enqueue_indirect_dma source(%dma_start3A_92 : memref<2048x64xf32, #tpu.memory_space<hbm>>) target(%dma_start3A_86 : memref<128x64xf32, #tpu.memory_space<vmem>>) offsets(%dma_start3A_89 : memref<128xi32, #tpu.memory_space<vmem>>) semaphore(%arg10 : memref<!tpu.dma_semaphore, #tpu.memory_space<semaphore_mem>>)
    %dma_start3A_93 = arith.constant 3 : i32
    %dma_start3A_94 = arith.constant 128 : i32
    %dma_start3A_95 = arith.constant 0 : i32
    %dma_start3A_96 = tpu.memref_slice %arg9[%dma_start3A_94, %dma_start3A_95] : memref<256x64xf32, #tpu.memory_space<vmem>> -> memref<128x64xf32, #tpu.memory_space<vmem>>
    %dma_start3A_97 = arith.constant 0 : i32
    %dma_start3A_98 = tpu.memref_slice %arg8[%dma_start3A_93, %dma_start3A_97] : memref<4x128xi32, #tpu.memory_space<vmem>> -> memref<1x128xi32, #tpu.memory_space<vmem>>
    %dma_start3A_99 = tpu.memref_squeeze %dma_start3A_98 : memref<1x128xi32, #tpu.memory_space<vmem>> -> memref<128xi32, #tpu.memory_space<vmem>>
    %dma_start3A_100 = arith.constant 0 : i32
    %dma_start3A_101 = arith.constant 0 : i32
    %dma_start3A_102 = tpu.memref_slice %arg5[%dma_start3A_100, %dma_start3A_101] : memref<2048x64xf32, #tpu.memory_space<hbm>> -> memref<2048x64xf32, #tpu.memory_space<hbm>>
    tpu.enqueue_indirect_dma source(%dma_start3A_102 : memref<2048x64xf32, #tpu.memory_space<hbm>>) target(%dma_start3A_96 : memref<128x64xf32, #tpu.memory_space<vmem>>) offsets(%dma_start3A_99 : memref<128xi32, #tpu.memory_space<vmem>>) semaphore(%arg10 : memref<!tpu.dma_semaphore, #tpu.memory_space<semaphore_mem>>)
    %dma_wait3A_103 = arith.constant 2 : i32
    %dma_wait3A_104 = arith.constant 0 : i32
    %dma_wait3A_105 = arith.constant 0 : i32
    %dma_wait3A_106 = tpu.memref_slice %arg9[%dma_wait3A_104, %dma_wait3A_105] : memref<256x64xf32, #tpu.memory_space<vmem>> -> memref<128x64xf32, #tpu.memory_space<vmem>>
    %dma_wait3A_107 = arith.constant 0 : i32
    %dma_wait3A_108 = tpu.memref_slice %arg8[%dma_wait3A_103, %dma_wait3A_107] : memref<4x128xi32, #tpu.memory_space<vmem>> -> memref<1x128xi32, #tpu.memory_space<vmem>>
    %dma_wait3A_109 = tpu.memref_squeeze %dma_wait3A_108 : memref<1x128xi32, #tpu.memory_space<vmem>> -> memref<128xi32, #tpu.memory_space<vmem>>
    %dma_wait3A_110 = arith.constant 0 : i32
    %dma_wait3A_111 = arith.constant 0 : i32
    %dma_wait3A_112 = tpu.memref_slice %arg5[%dma_wait3A_110, %dma_wait3A_111] : memref<2048x64xf32, #tpu.memory_space<hbm>> -> memref<2048x64xf32, #tpu.memory_space<hbm>>
    tpu.wait_indirect_dma semaphore(%arg10 : memref<!tpu.dma_semaphore, #tpu.memory_space<semaphore_mem>>) src(%dma_wait3A_112 : memref<2048x64xf32, #tpu.memory_space<hbm>>) dst(%dma_wait3A_106 : memref<128x64xf32, #tpu.memory_space<vmem>>)
    %add3A = arith.constant 0 : i32
    %add3A_113 = arith.addi %mul3A_2, %add3A : i32
    %dma_start3A_114 = arith.constant 0 : i32
    %dma_start3A_115 = arith.constant 0 : i32
    %dma_start3A_116 = tpu.memref_slice %arg9[%dma_start3A_114, %dma_start3A_115] : memref<256x64xf32, #tpu.memory_space<vmem>> -> memref<128x64xf32, #tpu.memory_space<vmem>>
    %dma_start3A_117 = arith.constant 0 : i32
    %dma_start3A_118 = tpu.memref_slice %arg6[%add3A_113, %dma_start3A_117] : memref<4096x64xf32, #tpu.memory_space<hbm>> -> memref<128x64xf32, #tpu.memory_space<hbm>>
    %dma_start3A_119 = arith.constant 0 : i32
    %dma_start3A_120 = tpu.memref_slice %arg6[%add3A_113, %dma_start3A_119] : memref<4096x64xf32, #tpu.memory_space<hbm>> -> memref<128x64xf32, #tpu.memory_space<hbm>>
    %dma_start3A_121 = arith.constant 0 : i32
    %dma_start3A_122 = arith.constant 0 : i32
    %dma_start3A_123 = tpu.memref_slice %arg9[%dma_start3A_121, %dma_start3A_122] : memref<256x64xf32, #tpu.memory_space<vmem>> -> memref<128x64xf32, #tpu.memory_space<vmem>>
    tpu.enqueue_dma source(%dma_start3A_123 : memref<128x64xf32, #tpu.memory_space<vmem>>) target(%dma_start3A_120 : memref<128x64xf32, #tpu.memory_space<hbm>>) target_semaphore(%arg10 : memref<!tpu.dma_semaphore, #tpu.memory_space<semaphore_mem>>)
    %dma_wait3A_124 = arith.constant 3 : i32
    %dma_wait3A_125 = arith.constant 128 : i32
    %dma_wait3A_126 = arith.constant 0 : i32
    %dma_wait3A_127 = tpu.memref_slice %arg9[%dma_wait3A_125, %dma_wait3A_126] : memref<256x64xf32, #tpu.memory_space<vmem>> -> memref<128x64xf32, #tpu.memory_space<vmem>>
    %dma_wait3A_128 = arith.constant 0 : i32
    %dma_wait3A_129 = tpu.memref_slice %arg8[%dma_wait3A_124, %dma_wait3A_128] : memref<4x128xi32, #tpu.memory_space<vmem>> -> memref<1x128xi32, #tpu.memory_space<vmem>>
    %dma_wait3A_130 = tpu.memref_squeeze %dma_wait3A_129 : memref<1x128xi32, #tpu.memory_space<vmem>> -> memref<128xi32, #tpu.memory_space<vmem>>
    %dma_wait3A_131 = arith.constant 0 : i32
    %dma_wait3A_132 = arith.constant 0 : i32
    %dma_wait3A_133 = tpu.memref_slice %arg5[%dma_wait3A_131, %dma_wait3A_132] : memref<2048x64xf32, #tpu.memory_space<hbm>> -> memref<2048x64xf32, #tpu.memory_space<hbm>>
    tpu.wait_indirect_dma semaphore(%arg10 : memref<!tpu.dma_semaphore, #tpu.memory_space<semaphore_mem>>) src(%dma_wait3A_133 : memref<2048x64xf32, #tpu.memory_space<hbm>>) dst(%dma_wait3A_127 : memref<128x64xf32, #tpu.memory_space<vmem>>)
    %add3A_134 = arith.constant 128 : i32
    %add3A_135 = arith.addi %mul3A_2, %add3A_134 : i32
    %dma_start3A_136 = arith.constant 128 : i32
    %dma_start3A_137 = arith.constant 0 : i32
    %dma_start3A_138 = tpu.memref_slice %arg9[%dma_start3A_136, %dma_start3A_137] : memref<256x64xf32, #tpu.memory_space<vmem>> -> memref<128x64xf32, #tpu.memory_space<vmem>>
    %dma_start3A_139 = arith.constant 0 : i32
    %dma_start3A_140 = tpu.memref_slice %arg6[%add3A_135, %dma_start3A_139] : memref<4096x64xf32, #tpu.memory_space<hbm>> -> memref<128x64xf32, #tpu.memory_space<hbm>>
    %dma_start3A_141 = arith.constant 0 : i32
    %dma_start3A_142 = tpu.memref_slice %arg6[%add3A_135, %dma_start3A_141] : memref<4096x64xf32, #tpu.memory_space<hbm>> -> memref<128x64xf32, #tpu.memory_space<hbm>>
    %dma_start3A_143 = arith.constant 128 : i32
    %dma_start3A_144 = arith.constant 0 : i32
    %dma_start3A_145 = tpu.memref_slice %arg9[%dma_start3A_143, %dma_start3A_144] : memref<256x64xf32, #tpu.memory_space<vmem>> -> memref<128x64xf32, #tpu.memory_space<vmem>>
    tpu.enqueue_dma source(%dma_start3A_145 : memref<128x64xf32, #tpu.memory_space<vmem>>) target(%dma_start3A_142 : memref<128x64xf32, #tpu.memory_space<hbm>>) target_semaphore(%arg10 : memref<!tpu.dma_semaphore, #tpu.memory_space<semaphore_mem>>)
    %dma_wait3A_146 = arith.constant 0 : i32
    %dma_wait3A_147 = arith.constant 0 : i32
    %dma_wait3A_148 = tpu.memref_slice %arg9[%dma_wait3A_146, %dma_wait3A_147] : memref<256x64xf32, #tpu.memory_space<vmem>> -> memref<128x64xf32, #tpu.memory_space<vmem>>
    %dma_wait3A_149 = arith.constant 0 : i32
    %dma_wait3A_150 = tpu.memref_slice %arg6[%add3A_113, %dma_wait3A_149] : memref<4096x64xf32, #tpu.memory_space<hbm>> -> memref<128x64xf32, #tpu.memory_space<hbm>>
    %dma_wait3A_151 = arith.constant 0 : i32
    %dma_wait3A_152 = tpu.memref_slice %arg6[%add3A_113, %dma_wait3A_151] : memref<4096x64xf32, #tpu.memory_space<hbm>> -> memref<128x64xf32, #tpu.memory_space<hbm>>
    %dma_wait3A_153 = arith.constant 0 : i32
    %dma_wait3A_154 = arith.constant 0 : i32
    %dma_wait3A_155 = tpu.memref_slice %arg9[%dma_wait3A_153, %dma_wait3A_154] : memref<256x64xf32, #tpu.memory_space<vmem>> -> memref<128x64xf32, #tpu.memory_space<vmem>>
    tpu.wait_dma2 semaphore(%arg10 : memref<!tpu.dma_semaphore, #tpu.memory_space<semaphore_mem>>) src(%dma_wait3A_155 : memref<128x64xf32, #tpu.memory_space<vmem>>) dst(%dma_wait3A_152 : memref<128x64xf32, #tpu.memory_space<hbm>>)
    %dma_wait3A_156 = arith.constant 128 : i32
    %dma_wait3A_157 = arith.constant 0 : i32
    %dma_wait3A_158 = tpu.memref_slice %arg9[%dma_wait3A_156, %dma_wait3A_157] : memref<256x64xf32, #tpu.memory_space<vmem>> -> memref<128x64xf32, #tpu.memory_space<vmem>>
    %dma_wait3A_159 = arith.constant 0 : i32
    %dma_wait3A_160 = tpu.memref_slice %arg6[%add3A_135, %dma_wait3A_159] : memref<4096x64xf32, #tpu.memory_space<hbm>> -> memref<128x64xf32, #tpu.memory_space<hbm>>
    %dma_wait3A_161 = arith.constant 0 : i32
    %dma_wait3A_162 = tpu.memref_slice %arg6[%add3A_135, %dma_wait3A_161] : memref<4096x64xf32, #tpu.memory_space<hbm>> -> memref<128x64xf32, #tpu.memory_space<hbm>>
    %dma_wait3A_163 = arith.constant 128 : i32
    %dma_wait3A_164 = arith.constant 0 : i32
    %dma_wait3A_165 = tpu.memref_slice %arg9[%dma_wait3A_163, %dma_wait3A_164] : memref<256x64xf32, #tpu.memory_space<vmem>> -> memref<128x64xf32, #tpu.memory_space<vmem>>
    tpu.wait_dma2 semaphore(%arg10 : memref<!tpu.dma_semaphore, #tpu.memory_space<semaphore_mem>>) src(%dma_wait3A_165 : memref<128x64xf32, #tpu.memory_space<vmem>>) dst(%dma_wait3A_162 : memref<128x64xf32, #tpu.memory_space<hbm>>)
    return
  }
}

#map = affine_map<(d0, d1) -> (0, 0)>
#map1 = affine_map<(d0, d1) -> (0, 0, 0)>
module attributes {stable_mosaic.version = 14 : i64} {
  func.func @k(%arg0: i32, %arg1: i32, %arg2: memref<4096x256xf32, #tpu.memory_space<hbm>>, %arg3: memref<16x4x128xi32, #tpu.memory_space<hbm>>, %arg4: memref<2048x256xf32, #tpu.memory_space<hbm>>, %arg5: memref<2048x256xf32, #tpu.memory_space<hbm>>, %arg6: memref<4096x256xf32, #tpu.memory_space<hbm>>, %arg7: memref<2048x256xf32, #tpu.memory_space<vmem_shared>>, %arg8: memref<4x128xi32, #tpu.memory_space<vmem>>, %arg9: memref<256x256xf32, #tpu.memory_space<vmem>>, %arg10: memref<!tpu.dma_semaphore, #tpu.memory_space<semaphore_mem>>) attributes {dimension_semantics = [#tpu.dimension_semantics<core_parallel>, #tpu.dimension_semantics<subcore_parallel>], iteration_bounds = array<i64: 1, 16>, scalar_prefetch = 0 : i64, scratch_operands = 4 : i64, tpu.core_type = #tpu.core_type<sc_vector_subcore>, window_params = [{transform_indices = #map}, {transform_indices = #map1}, {transform_indices = #map}, {transform_indices = #map}, {transform_indices = #map}]} {
    %mul3A = arith.constant 128 : i32
    %mul3A_0 = arith.muli %arg1, %mul3A : i32
    %mul3A_1 = arith.constant 256 : i32
    %mul3A_2 = arith.muli %arg1, %mul3A_1 : i32
    %dma_start3A = arith.constant 0 : i32
    %dma_start3A_3 = tpu.memref_slice %arg7[%mul3A_0, %dma_start3A] : memref<2048x256xf32, #tpu.memory_space<vmem_shared>> -> memref<128x256xf32, #tpu.memory_space<vmem_shared>>
    %dma_start3A_4 = arith.constant 0 : i32
    %dma_start3A_5 = tpu.memref_slice %arg4[%mul3A_0, %dma_start3A_4] : memref<2048x256xf32, #tpu.memory_space<hbm>> -> memref<128x256xf32, #tpu.memory_space<hbm>>
    tpu.enqueue_dma source(%dma_start3A_5 : memref<128x256xf32, #tpu.memory_space<hbm>>) target(%dma_start3A_3 : memref<128x256xf32, #tpu.memory_space<vmem_shared>>) target_semaphore(%arg10 : memref<!tpu.dma_semaphore, #tpu.memory_space<semaphore_mem>>)
    %dma_start3A_6 = arith.constant 0 : i32
    %dma_start3A_7 = arith.constant 0 : i32
    %dma_start3A_8 = tpu.memref_slice %arg3[%arg1, %dma_start3A_6, %dma_start3A_7] : memref<16x4x128xi32, #tpu.memory_space<hbm>> -> memref<1x4x128xi32, #tpu.memory_space<hbm>>
    %dma_start3A_9 = tpu.memref_squeeze %dma_start3A_8 : memref<1x4x128xi32, #tpu.memory_space<hbm>> -> memref<4x128xi32, #tpu.memory_space<hbm>>
    %dma_start3A_10 = arith.constant 0 : i32
    %dma_start3A_11 = arith.constant 0 : i32
    %dma_start3A_12 = tpu.memref_slice %arg3[%arg1, %dma_start3A_10, %dma_start3A_11] : memref<16x4x128xi32, #tpu.memory_space<hbm>> -> memref<1x4x128xi32, #tpu.memory_space<hbm>>
    %dma_start3A_13 = tpu.memref_squeeze %dma_start3A_12 : memref<1x4x128xi32, #tpu.memory_space<hbm>> -> memref<4x128xi32, #tpu.memory_space<hbm>>
    tpu.enqueue_dma source(%dma_start3A_13 : memref<4x128xi32, #tpu.memory_space<hbm>>) target(%arg8 : memref<4x128xi32, #tpu.memory_space<vmem>>) target_semaphore(%arg10 : memref<!tpu.dma_semaphore, #tpu.memory_space<semaphore_mem>>)
    %dma_start3A_14 = arith.constant 0 : i32
    %dma_start3A_15 = tpu.memref_slice %arg2[%mul3A_2, %dma_start3A_14] : memref<4096x256xf32, #tpu.memory_space<hbm>> -> memref<256x256xf32, #tpu.memory_space<hbm>>
    %dma_start3A_16 = arith.constant 0 : i32
    %dma_start3A_17 = tpu.memref_slice %arg2[%mul3A_2, %dma_start3A_16] : memref<4096x256xf32, #tpu.memory_space<hbm>> -> memref<256x256xf32, #tpu.memory_space<hbm>>
    tpu.enqueue_dma source(%dma_start3A_17 : memref<256x256xf32, #tpu.memory_space<hbm>>) target(%arg9 : memref<256x256xf32, #tpu.memory_space<vmem>>) target_semaphore(%arg10 : memref<!tpu.dma_semaphore, #tpu.memory_space<semaphore_mem>>)
    %dma_wait3A = arith.constant 0 : i32
    %dma_wait3A_18 = tpu.memref_slice %arg7[%mul3A_0, %dma_wait3A] : memref<2048x256xf32, #tpu.memory_space<vmem_shared>> -> memref<128x256xf32, #tpu.memory_space<vmem_shared>>
    %dma_wait3A_19 = arith.constant 0 : i32
    %dma_wait3A_20 = tpu.memref_slice %arg4[%mul3A_0, %dma_wait3A_19] : memref<2048x256xf32, #tpu.memory_space<hbm>> -> memref<128x256xf32, #tpu.memory_space<hbm>>
    tpu.wait_dma2 semaphore(%arg10 : memref<!tpu.dma_semaphore, #tpu.memory_space<semaphore_mem>>) src(%dma_wait3A_20 : memref<128x256xf32, #tpu.memory_space<hbm>>) dst(%dma_wait3A_18 : memref<128x256xf32, #tpu.memory_space<vmem_shared>>)
    %dma_wait3A_21 = arith.constant 0 : i32
    %dma_wait3A_22 = arith.constant 0 : i32
    %dma_wait3A_23 = tpu.memref_slice %arg3[%arg1, %dma_wait3A_21, %dma_wait3A_22] : memref<16x4x128xi32, #tpu.memory_space<hbm>> -> memref<1x4x128xi32, #tpu.memory_space<hbm>>
    %dma_wait3A_24 = tpu.memref_squeeze %dma_wait3A_23 : memref<1x4x128xi32, #tpu.memory_space<hbm>> -> memref<4x128xi32, #tpu.memory_space<hbm>>
    %dma_wait3A_25 = arith.constant 0 : i32
    %dma_wait3A_26 = arith.constant 0 : i32
    %dma_wait3A_27 = tpu.memref_slice %arg3[%arg1, %dma_wait3A_25, %dma_wait3A_26] : memref<16x4x128xi32, #tpu.memory_space<hbm>> -> memref<1x4x128xi32, #tpu.memory_space<hbm>>
    %dma_wait3A_28 = tpu.memref_squeeze %dma_wait3A_27 : memref<1x4x128xi32, #tpu.memory_space<hbm>> -> memref<4x128xi32, #tpu.memory_space<hbm>>
    tpu.wait_dma2 semaphore(%arg10 : memref<!tpu.dma_semaphore, #tpu.memory_space<semaphore_mem>>) src(%dma_wait3A_28 : memref<4x128xi32, #tpu.memory_space<hbm>>) dst(%arg8 : memref<4x128xi32, #tpu.memory_space<vmem>>)
    %dma_wait3A_29 = arith.constant 0 : i32
    %dma_wait3A_30 = tpu.memref_slice %arg2[%mul3A_2, %dma_wait3A_29] : memref<4096x256xf32, #tpu.memory_space<hbm>> -> memref<256x256xf32, #tpu.memory_space<hbm>>
    %dma_wait3A_31 = arith.constant 0 : i32
    %dma_wait3A_32 = tpu.memref_slice %arg2[%mul3A_2, %dma_wait3A_31] : memref<4096x256xf32, #tpu.memory_space<hbm>> -> memref<256x256xf32, #tpu.memory_space<hbm>>
    tpu.wait_dma2 semaphore(%arg10 : memref<!tpu.dma_semaphore, #tpu.memory_space<semaphore_mem>>) src(%dma_wait3A_32 : memref<256x256xf32, #tpu.memory_space<hbm>>) dst(%arg9 : memref<256x256xf32, #tpu.memory_space<vmem>>)
    %barrier3A = arith.constant 0 : index
    tpu.barrier barrier_id(%barrier3A)
    %dma_start3A_33 = arith.constant 0 : i32
    %dma_start3A_34 = arith.constant 0 : i32
    %dma_start3A_35 = arith.constant 0 : i32
    %dma_start3A_36 = tpu.memref_slice %arg9[%dma_start3A_34, %dma_start3A_35] : memref<256x256xf32, #tpu.memory_space<vmem>> -> memref<128x256xf32, #tpu.memory_space<vmem>>
    %dma_start3A_37 = arith.constant 0 : i32
    %dma_start3A_38 = tpu.memref_slice %arg8[%dma_start3A_33, %dma_start3A_37] : memref<4x128xi32, #tpu.memory_space<vmem>> -> memref<1x128xi32, #tpu.memory_space<vmem>>
    %dma_start3A_39 = tpu.memref_squeeze %dma_start3A_38 : memref<1x128xi32, #tpu.memory_space<vmem>> -> memref<128xi32, #tpu.memory_space<vmem>>
    %dma_start3A_40 = arith.constant 0 : i32
    %dma_start3A_41 = arith.constant 0 : i32
    %dma_start3A_42 = tpu.memref_slice %arg7[%dma_start3A_40, %dma_start3A_41] : memref<2048x256xf32, #tpu.memory_space<vmem_shared>> -> memref<2048x256xf32, #tpu.memory_space<vmem_shared>>
    tpu.enqueue_indirect_dma source(%dma_start3A_36 : memref<128x256xf32, #tpu.memory_space<vmem>>) target(%dma_start3A_42 : memref<2048x256xf32, #tpu.memory_space<vmem_shared>>) offsets(%dma_start3A_39 : memref<128xi32, #tpu.memory_space<vmem>>) semaphore(%arg10 : memref<!tpu.dma_semaphore, #tpu.memory_space<semaphore_mem>>) {add = true}
    %dma_start3A_43 = arith.constant 1 : i32
    %dma_start3A_44 = arith.constant 128 : i32
    %dma_start3A_45 = arith.constant 0 : i32
    %dma_start3A_46 = tpu.memref_slice %arg9[%dma_start3A_44, %dma_start3A_45] : memref<256x256xf32, #tpu.memory_space<vmem>> -> memref<128x256xf32, #tpu.memory_space<vmem>>
    %dma_start3A_47 = arith.constant 0 : i32
    %dma_start3A_48 = tpu.memref_slice %arg8[%dma_start3A_43, %dma_start3A_47] : memref<4x128xi32, #tpu.memory_space<vmem>> -> memref<1x128xi32, #tpu.memory_space<vmem>>
    %dma_start3A_49 = tpu.memref_squeeze %dma_start3A_48 : memref<1x128xi32, #tpu.memory_space<vmem>> -> memref<128xi32, #tpu.memory_space<vmem>>
    %dma_start3A_50 = arith.constant 0 : i32
    %dma_start3A_51 = arith.constant 0 : i32
    %dma_start3A_52 = tpu.memref_slice %arg7[%dma_start3A_50, %dma_start3A_51] : memref<2048x256xf32, #tpu.memory_space<vmem_shared>> -> memref<2048x256xf32, #tpu.memory_space<vmem_shared>>
    tpu.enqueue_indirect_dma source(%dma_start3A_46 : memref<128x256xf32, #tpu.memory_space<vmem>>) target(%dma_start3A_52 : memref<2048x256xf32, #tpu.memory_space<vmem_shared>>) offsets(%dma_start3A_49 : memref<128xi32, #tpu.memory_space<vmem>>) semaphore(%arg10 : memref<!tpu.dma_semaphore, #tpu.memory_space<semaphore_mem>>) {add = true}
    %dma_wait3A_53 = arith.constant 0 : i32
    %dma_wait3A_54 = arith.constant 0 : i32
    %dma_wait3A_55 = arith.constant 0 : i32
    %dma_wait3A_56 = tpu.memref_slice %arg9[%dma_wait3A_54, %dma_wait3A_55] : memref<256x256xf32, #tpu.memory_space<vmem>> -> memref<128x256xf32, #tpu.memory_space<vmem>>
    %dma_wait3A_57 = arith.constant 0 : i32
    %dma_wait3A_58 = tpu.memref_slice %arg8[%dma_wait3A_53, %dma_wait3A_57] : memref<4x128xi32, #tpu.memory_space<vmem>> -> memref<1x128xi32, #tpu.memory_space<vmem>>
    %dma_wait3A_59 = tpu.memref_squeeze %dma_wait3A_58 : memref<1x128xi32, #tpu.memory_space<vmem>> -> memref<128xi32, #tpu.memory_space<vmem>>
    %dma_wait3A_60 = arith.constant 0 : i32
    %dma_wait3A_61 = arith.constant 0 : i32
    %dma_wait3A_62 = tpu.memref_slice %arg7[%dma_wait3A_60, %dma_wait3A_61] : memref<2048x256xf32, #tpu.memory_space<vmem_shared>> -> memref<2048x256xf32, #tpu.memory_space<vmem_shared>>
    tpu.wait_indirect_dma semaphore(%arg10 : memref<!tpu.dma_semaphore, #tpu.memory_space<semaphore_mem>>) src(%dma_wait3A_56 : memref<128x256xf32, #tpu.memory_space<vmem>>) dst(%dma_wait3A_62 : memref<2048x256xf32, #tpu.memory_space<vmem_shared>>)
    %dma_wait3A_63 = arith.constant 1 : i32
    %dma_wait3A_64 = arith.constant 128 : i32
    %dma_wait3A_65 = arith.constant 0 : i32
    %dma_wait3A_66 = tpu.memref_slice %arg9[%dma_wait3A_64, %dma_wait3A_65] : memref<256x256xf32, #tpu.memory_space<vmem>> -> memref<128x256xf32, #tpu.memory_space<vmem>>
    %dma_wait3A_67 = arith.constant 0 : i32
    %dma_wait3A_68 = tpu.memref_slice %arg8[%dma_wait3A_63, %dma_wait3A_67] : memref<4x128xi32, #tpu.memory_space<vmem>> -> memref<1x128xi32, #tpu.memory_space<vmem>>
    %dma_wait3A_69 = tpu.memref_squeeze %dma_wait3A_68 : memref<1x128xi32, #tpu.memory_space<vmem>> -> memref<128xi32, #tpu.memory_space<vmem>>
    %dma_wait3A_70 = arith.constant 0 : i32
    %dma_wait3A_71 = arith.constant 0 : i32
    %dma_wait3A_72 = tpu.memref_slice %arg7[%dma_wait3A_70, %dma_wait3A_71] : memref<2048x256xf32, #tpu.memory_space<vmem_shared>> -> memref<2048x256xf32, #tpu.memory_space<vmem_shared>>
    tpu.wait_indirect_dma semaphore(%arg10 : memref<!tpu.dma_semaphore, #tpu.memory_space<semaphore_mem>>) src(%dma_wait3A_66 : memref<128x256xf32, #tpu.memory_space<vmem>>) dst(%dma_wait3A_72 : memref<2048x256xf32, #tpu.memory_space<vmem_shared>>)
    %barrier3A_73 = arith.constant 0 : index
    tpu.barrier barrier_id(%barrier3A_73)
    %dma_start3A_74 = arith.constant 0 : i32
    %dma_start3A_75 = tpu.memref_slice %arg5[%mul3A_0, %dma_start3A_74] : memref<2048x256xf32, #tpu.memory_space<hbm>> -> memref<128x256xf32, #tpu.memory_space<hbm>>
    %dma_start3A_76 = arith.constant 0 : i32
    %dma_start3A_77 = tpu.memref_slice %arg7[%mul3A_0, %dma_start3A_76] : memref<2048x256xf32, #tpu.memory_space<vmem_shared>> -> memref<128x256xf32, #tpu.memory_space<vmem_shared>>
    tpu.enqueue_dma source(%dma_start3A_77 : memref<128x256xf32, #tpu.memory_space<vmem_shared>>) target(%dma_start3A_75 : memref<128x256xf32, #tpu.memory_space<hbm>>) target_semaphore(%arg10 : memref<!tpu.dma_semaphore, #tpu.memory_space<semaphore_mem>>)
    %dma_wait3A_78 = arith.constant 0 : i32
    %dma_wait3A_79 = tpu.memref_slice %arg5[%mul3A_0, %dma_wait3A_78] : memref<2048x256xf32, #tpu.memory_space<hbm>> -> memref<128x256xf32, #tpu.memory_space<hbm>>
    %dma_wait3A_80 = arith.constant 0 : i32
    %dma_wait3A_81 = tpu.memref_slice %arg7[%mul3A_0, %dma_wait3A_80] : memref<2048x256xf32, #tpu.memory_space<vmem_shared>> -> memref<128x256xf32, #tpu.memory_space<vmem_shared>>
    tpu.wait_dma2 semaphore(%arg10 : memref<!tpu.dma_semaphore, #tpu.memory_space<semaphore_mem>>) src(%dma_wait3A_81 : memref<128x256xf32, #tpu.memory_space<vmem_shared>>) dst(%dma_wait3A_79 : memref<128x256xf32, #tpu.memory_space<hbm>>)
    %barrier3A_82 = arith.constant 0 : index
    tpu.barrier barrier_id(%barrier3A_82)
    %dma_start3A_83 = arith.constant 2 : i32
    %dma_start3A_84 = arith.constant 0 : i32
    %dma_start3A_85 = arith.constant 0 : i32
    %dma_start3A_86 = tpu.memref_slice %arg9[%dma_start3A_84, %dma_start3A_85] : memref<256x256xf32, #tpu.memory_space<vmem>> -> memref<128x256xf32, #tpu.memory_space<vmem>>
    %dma_start3A_87 = arith.constant 0 : i32
    %dma_start3A_88 = tpu.memref_slice %arg8[%dma_start3A_83, %dma_start3A_87] : memref<4x128xi32, #tpu.memory_space<vmem>> -> memref<1x128xi32, #tpu.memory_space<vmem>>
    %dma_start3A_89 = tpu.memref_squeeze %dma_start3A_88 : memref<1x128xi32, #tpu.memory_space<vmem>> -> memref<128xi32, #tpu.memory_space<vmem>>
    %dma_start3A_90 = arith.constant 0 : i32
    %dma_start3A_91 = arith.constant 0 : i32
    %dma_start3A_92 = tpu.memref_slice %arg5[%dma_start3A_90, %dma_start3A_91] : memref<2048x256xf32, #tpu.memory_space<hbm>> -> memref<2048x256xf32, #tpu.memory_space<hbm>>
    tpu.enqueue_indirect_dma source(%dma_start3A_92 : memref<2048x256xf32, #tpu.memory_space<hbm>>) target(%dma_start3A_86 : memref<128x256xf32, #tpu.memory_space<vmem>>) offsets(%dma_start3A_89 : memref<128xi32, #tpu.memory_space<vmem>>) semaphore(%arg10 : memref<!tpu.dma_semaphore, #tpu.memory_space<semaphore_mem>>)
    %dma_start3A_93 = arith.constant 3 : i32
    %dma_start3A_94 = arith.constant 128 : i32
    %dma_start3A_95 = arith.constant 0 : i32
    %dma_start3A_96 = tpu.memref_slice %arg9[%dma_start3A_94, %dma_start3A_95] : memref<256x256xf32, #tpu.memory_space<vmem>> -> memref<128x256xf32, #tpu.memory_space<vmem>>
    %dma_start3A_97 = arith.constant 0 : i32
    %dma_start3A_98 = tpu.memref_slice %arg8[%dma_start3A_93, %dma_start3A_97] : memref<4x128xi32, #tpu.memory_space<vmem>> -> memref<1x128xi32, #tpu.memory_space<vmem>>
    %dma_start3A_99 = tpu.memref_squeeze %dma_start3A_98 : memref<1x128xi32, #tpu.memory_space<vmem>> -> memref<128xi32, #tpu.memory_space<vmem>>
    %dma_start3A_100 = arith.constant 0 : i32
    %dma_start3A_101 = arith.constant 0 : i32
    %dma_start3A_102 = tpu.memref_slice %arg5[%dma_start3A_100, %dma_start3A_101] : memref<2048x256xf32, #tpu.memory_space<hbm>> -> memref<2048x256xf32, #tpu.memory_space<hbm>>
    tpu.enqueue_indirect_dma source(%dma_start3A_102 : memref<2048x256xf32, #tpu.memory_space<hbm>>) target(%dma_start3A_96 : memref<128x256xf32, #tpu.memory_space<vmem>>) offsets(%dma_start3A_99 : memref<128xi32, #tpu.memory_space<vmem>>) semaphore(%arg10 : memref<!tpu.dma_semaphore, #tpu.memory_space<semaphore_mem>>)
    %dma_wait3A_103 = arith.constant 2 : i32
    %dma_wait3A_104 = arith.constant 0 : i32
    %dma_wait3A_105 = arith.constant 0 : i32
    %dma_wait3A_106 = tpu.memref_slice %arg9[%dma_wait3A_104, %dma_wait3A_105] : memref<256x256xf32, #tpu.memory_space<vmem>> -> memref<128x256xf32, #tpu.memory_space<vmem>>
    %dma_wait3A_107 = arith.constant 0 : i32
    %dma_wait3A_108 = tpu.memref_slice %arg8[%dma_wait3A_103, %dma_wait3A_107] : memref<4x128xi32, #tpu.memory_space<vmem>> -> memref<1x128xi32, #tpu.memory_space<vmem>>
    %dma_wait3A_109 = tpu.memref_squeeze %dma_wait3A_108 : memref<1x128xi32, #tpu.memory_space<vmem>> -> memref<128xi32, #tpu.memory_space<vmem>>
    %dma_wait3A_110 = arith.constant 0 : i32
    %dma_wait3A_111 = arith.constant 0 : i32
    %dma_wait3A_112 = tpu.memref_slice %arg5[%dma_wait3A_110, %dma_wait3A_111] : memref<2048x256xf32, #tpu.memory_space<hbm>> -> memref<2048x256xf32, #tpu.memory_space<hbm>>
    tpu.wait_indirect_dma semaphore(%arg10 : memref<!tpu.dma_semaphore, #tpu.memory_space<semaphore_mem>>) src(%dma_wait3A_112 : memref<2048x256xf32, #tpu.memory_space<hbm>>) dst(%dma_wait3A_106 : memref<128x256xf32, #tpu.memory_space<vmem>>)
    %add3A = arith.constant 0 : i32
    %add3A_113 = arith.addi %mul3A_2, %add3A : i32
    %dma_start3A_114 = arith.constant 0 : i32
    %dma_start3A_115 = arith.constant 0 : i32
    %dma_start3A_116 = tpu.memref_slice %arg9[%dma_start3A_114, %dma_start3A_115] : memref<256x256xf32, #tpu.memory_space<vmem>> -> memref<128x256xf32, #tpu.memory_space<vmem>>
    %dma_start3A_117 = arith.constant 0 : i32
    %dma_start3A_118 = tpu.memref_slice %arg6[%add3A_113, %dma_start3A_117] : memref<4096x256xf32, #tpu.memory_space<hbm>> -> memref<128x256xf32, #tpu.memory_space<hbm>>
    %dma_start3A_119 = arith.constant 0 : i32
    %dma_start3A_120 = tpu.memref_slice %arg6[%add3A_113, %dma_start3A_119] : memref<4096x256xf32, #tpu.memory_space<hbm>> -> memref<128x256xf32, #tpu.memory_space<hbm>>
    %dma_start3A_121 = arith.constant 0 : i32
    %dma_start3A_122 = arith.constant 0 : i32
    %dma_start3A_123 = tpu.memref_slice %arg9[%dma_start3A_121, %dma_start3A_122] : memref<256x256xf32, #tpu.memory_space<vmem>> -> memref<128x256xf32, #tpu.memory_space<vmem>>
    tpu.enqueue_dma source(%dma_start3A_123 : memref<128x256xf32, #tpu.memory_space<vmem>>) target(%dma_start3A_120 : memref<128x256xf32, #tpu.memory_space<hbm>>) target_semaphore(%arg10 : memref<!tpu.dma_semaphore, #tpu.memory_space<semaphore_mem>>)
    %dma_wait3A_124 = arith.constant 3 : i32
    %dma_wait3A_125 = arith.constant 128 : i32
    %dma_wait3A_126 = arith.constant 0 : i32
    %dma_wait3A_127 = tpu.memref_slice %arg9[%dma_wait3A_125, %dma_wait3A_126] : memref<256x256xf32, #tpu.memory_space<vmem>> -> memref<128x256xf32, #tpu.memory_space<vmem>>
    %dma_wait3A_128 = arith.constant 0 : i32
    %dma_wait3A_129 = tpu.memref_slice %arg8[%dma_wait3A_124, %dma_wait3A_128] : memref<4x128xi32, #tpu.memory_space<vmem>> -> memref<1x128xi32, #tpu.memory_space<vmem>>
    %dma_wait3A_130 = tpu.memref_squeeze %dma_wait3A_129 : memref<1x128xi32, #tpu.memory_space<vmem>> -> memref<128xi32, #tpu.memory_space<vmem>>
    %dma_wait3A_131 = arith.constant 0 : i32
    %dma_wait3A_132 = arith.constant 0 : i32
    %dma_wait3A_133 = tpu.memref_slice %arg5[%dma_wait3A_131, %dma_wait3A_132] : memref<2048x256xf32, #tpu.memory_space<hbm>> -> memref<2048x256xf32, #tpu.memory_space<hbm>>
    tpu.wait_indirect_dma semaphore(%arg10 : memref<!tpu.dma_semaphore, #tpu.memory_space<semaphore_mem>>) src(%dma_wait3A_133 : memref<2048x256xf32, #tpu.memory_space<hbm>>) dst(%dma_wait3A_127 : memref<128x256xf32, #tpu.memory_space<vmem>>)
    %add3A_134 = arith.constant 128 : i32
    %add3A_135 = arith.addi %mul3A_2, %add3A_134 : i32
    %dma_start3A_136 = arith.constant 128 : i32
    %dma_start3A_137 = arith.constant 0 : i32
    %dma_start3A_138 = tpu.memref_slice %arg9[%dma_start3A_136, %dma_start3A_137] : memref<256x256xf32, #tpu.memory_space<vmem>> -> memref<128x256xf32, #tpu.memory_space<vmem>>
    %dma_start3A_139 = arith.constant 0 : i32
    %dma_start3A_140 = tpu.memref_slice %arg6[%add3A_135, %dma_start3A_139] : memref<4096x256xf32, #tpu.memory_space<hbm>> -> memref<128x256xf32, #tpu.memory_space<hbm>>
    %dma_start3A_141 = arith.constant 0 : i32
    %dma_start3A_142 = tpu.memref_slice %arg6[%add3A_135, %dma_start3A_141] : memref<4096x256xf32, #tpu.memory_space<hbm>> -> memref<128x256xf32, #tpu.memory_space<hbm>>
    %dma_start3A_143 = arith.constant 128 : i32
    %dma_start3A_144 = arith.constant 0 : i32
    %dma_start3A_145 = tpu.memref_slice %arg9[%dma_start3A_143, %dma_start3A_144] : memref<256x256xf32, #tpu.memory_space<vmem>> -> memref<128x256xf32, #tpu.memory_space<vmem>>
    tpu.enqueue_dma source(%dma_start3A_145 : memref<128x256xf32, #tpu.memory_space<vmem>>) target(%dma_start3A_142 : memref<128x256xf32, #tpu.memory_space<hbm>>) target_semaphore(%arg10 : memref<!tpu.dma_semaphore, #tpu.memory_space<semaphore_mem>>)
    %dma_wait3A_146 = arith.constant 0 : i32
    %dma_wait3A_147 = arith.constant 0 : i32
    %dma_wait3A_148 = tpu.memref_slice %arg9[%dma_wait3A_146, %dma_wait3A_147] : memref<256x256xf32, #tpu.memory_space<vmem>> -> memref<128x256xf32, #tpu.memory_space<vmem>>
    %dma_wait3A_149 = arith.constant 0 : i32
    %dma_wait3A_150 = tpu.memref_slice %arg6[%add3A_113, %dma_wait3A_149] : memref<4096x256xf32, #tpu.memory_space<hbm>> -> memref<128x256xf32, #tpu.memory_space<hbm>>
    %dma_wait3A_151 = arith.constant 0 : i32
    %dma_wait3A_152 = tpu.memref_slice %arg6[%add3A_113, %dma_wait3A_151] : memref<4096x256xf32, #tpu.memory_space<hbm>> -> memref<128x256xf32, #tpu.memory_space<hbm>>
    %dma_wait3A_153 = arith.constant 0 : i32
    %dma_wait3A_154 = arith.constant 0 : i32
    %dma_wait3A_155 = tpu.memref_slice %arg9[%dma_wait3A_153, %dma_wait3A_154] : memref<256x256xf32, #tpu.memory_space<vmem>> -> memref<128x256xf32, #tpu.memory_space<vmem>>
    tpu.wait_dma2 semaphore(%arg10 : memref<!tpu.dma_semaphore, #tpu.memory_space<semaphore_mem>>) src(%dma_wait3A_155 : memref<128x256xf32, #tpu.memory_space<vmem>>) dst(%dma_wait3A_152 : memref<128x256xf32, #tpu.memory_space<hbm>>)
    %dma_wait3A_156 = arith.constant 128 : i32
    %dma_wait3A_157 = arith.constant 0 : i32
    %dma_wait3A_158 = tpu.memref_slice %arg9[%dma_wait3A_156, %dma_wait3A_157] : memref<256x256xf32, #tpu.memory_space<vmem>> -> memref<128x256xf32, #tpu.memory_space<vmem>>
    %dma_wait3A_159 = arith.constant 0 : i32
    %dma_wait3A_160 = tpu.memref_slice %arg6[%add3A_135, %dma_wait3A_159] : memref<4096x256xf32, #tpu.memory_space<hbm>> -> memref<128x256xf32, #tpu.memory_space<hbm>>
    %dma_wait3A_161 = arith.constant 0 : i32
    %dma_wait3A_162 = tpu.memref_slice %arg6[%add3A_135, %dma_wait3A_161] : memref<4096x256xf32, #tpu.memory_space<hbm>> -> memref<128x256xf32, #tpu.memory_space<hbm>>
    %dma_wait3A_163 = arith.constant 128 : i32
    %dma_wait3A_164 = arith.constant 0 : i32
    %dma_wait3A_165 = tpu.memref_slice %arg9[%dma_wait3A_163, %dma_wait3A_164] : memref<256x256xf32, #tpu.memory_space<vmem>> -> memref<128x256xf32, #tpu.memory_space<vmem>>
    tpu.wait_dma2 semaphore(%arg10 : memref<!tpu.dma_semaphore, #tpu.memory_space<semaphore_mem>>) src(%dma_wait3A_165 : memref<128x256xf32, #tpu.memory_space<vmem>>) dst(%dma_wait3A_162 : memref<128x256xf32, #tpu.memory_space<hbm>>)
    return
  }
}

#map = affine_map<(d0, d1) -> (0, 0)>
#map1 = affine_map<(d0, d1) -> (0, 0, 0)>
module attributes {stable_mosaic.version = 14 : i64} {
  func.func @k(%arg0: i32, %arg1: i32, %arg2: memref<4096x32xf32, #tpu.memory_space<hbm>>, %arg3: memref<16x4x128xi32, #tpu.memory_space<hbm>>, %arg4: memref<2048x32xf32, #tpu.memory_space<hbm>>, %arg5: memref<2048x32xf32, #tpu.memory_space<hbm>>, %arg6: memref<4096x32xf32, #tpu.memory_space<hbm>>, %arg7: memref<2048x32xf32, #tpu.memory_space<vmem_shared>>, %arg8: memref<4x128xi32, #tpu.memory_space<vmem>>, %arg9: memref<256x32xf32, #tpu.memory_space<vmem>>, %arg10: memref<!tpu.dma_semaphore, #tpu.memory_space<semaphore_mem>>) attributes {dimension_semantics = [#tpu.dimension_semantics<core_parallel>, #tpu.dimension_semantics<subcore_parallel>], iteration_bounds = array<i64: 1, 16>, scalar_prefetch = 0 : i64, scratch_operands = 4 : i64, tpu.core_type = #tpu.core_type<sc_vector_subcore>, window_params = [{transform_indices = #map}, {transform_indices = #map1}, {transform_indices = #map}, {transform_indices = #map}, {transform_indices = #map}]} {
    %mul3A = arith.constant 128 : i32
    %mul3A_0 = arith.muli %arg1, %mul3A : i32
    %mul3A_1 = arith.constant 256 : i32
    %mul3A_2 = arith.muli %arg1, %mul3A_1 : i32
    %dma_start3A = arith.constant 0 : i32
    %dma_start3A_3 = tpu.memref_slice %arg7[%mul3A_0, %dma_start3A] : memref<2048x32xf32, #tpu.memory_space<vmem_shared>> -> memref<128x32xf32, #tpu.memory_space<vmem_shared>>
    %dma_start3A_4 = arith.constant 0 : i32
    %dma_start3A_5 = tpu.memref_slice %arg4[%mul3A_0, %dma_start3A_4] : memref<2048x32xf32, #tpu.memory_space<hbm>> -> memref<128x32xf32, #tpu.memory_space<hbm>>
    tpu.enqueue_dma source(%dma_start3A_5 : memref<128x32xf32, #tpu.memory_space<hbm>>) target(%dma_start3A_3 : memref<128x32xf32, #tpu.memory_space<vmem_shared>>) target_semaphore(%arg10 : memref<!tpu.dma_semaphore, #tpu.memory_space<semaphore_mem>>)
    %dma_start3A_6 = arith.constant 0 : i32
    %dma_start3A_7 = arith.constant 0 : i32
    %dma_start3A_8 = tpu.memref_slice %arg3[%arg1, %dma_start3A_6, %dma_start3A_7] : memref<16x4x128xi32, #tpu.memory_space<hbm>> -> memref<1x4x128xi32, #tpu.memory_space<hbm>>
    %dma_start3A_9 = tpu.memref_squeeze %dma_start3A_8 : memref<1x4x128xi32, #tpu.memory_space<hbm>> -> memref<4x128xi32, #tpu.memory_space<hbm>>
    %dma_start3A_10 = arith.constant 0 : i32
    %dma_start3A_11 = arith.constant 0 : i32
    %dma_start3A_12 = tpu.memref_slice %arg3[%arg1, %dma_start3A_10, %dma_start3A_11] : memref<16x4x128xi32, #tpu.memory_space<hbm>> -> memref<1x4x128xi32, #tpu.memory_space<hbm>>
    %dma_start3A_13 = tpu.memref_squeeze %dma_start3A_12 : memref<1x4x128xi32, #tpu.memory_space<hbm>> -> memref<4x128xi32, #tpu.memory_space<hbm>>
    tpu.enqueue_dma source(%dma_start3A_13 : memref<4x128xi32, #tpu.memory_space<hbm>>) target(%arg8 : memref<4x128xi32, #tpu.memory_space<vmem>>) target_semaphore(%arg10 : memref<!tpu.dma_semaphore, #tpu.memory_space<semaphore_mem>>)
    %dma_start3A_14 = arith.constant 0 : i32
    %dma_start3A_15 = tpu.memref_slice %arg2[%mul3A_2, %dma_start3A_14] : memref<4096x32xf32, #tpu.memory_space<hbm>> -> memref<256x32xf32, #tpu.memory_space<hbm>>
    %dma_start3A_16 = arith.constant 0 : i32
    %dma_start3A_17 = tpu.memref_slice %arg2[%mul3A_2, %dma_start3A_16] : memref<4096x32xf32, #tpu.memory_space<hbm>> -> memref<256x32xf32, #tpu.memory_space<hbm>>
    tpu.enqueue_dma source(%dma_start3A_17 : memref<256x32xf32, #tpu.memory_space<hbm>>) target(%arg9 : memref<256x32xf32, #tpu.memory_space<vmem>>) target_semaphore(%arg10 : memref<!tpu.dma_semaphore, #tpu.memory_space<semaphore_mem>>)
    %dma_wait3A = arith.constant 0 : i32
    %dma_wait3A_18 = tpu.memref_slice %arg7[%mul3A_0, %dma_wait3A] : memref<2048x32xf32, #tpu.memory_space<vmem_shared>> -> memref<128x32xf32, #tpu.memory_space<vmem_shared>>
    %dma_wait3A_19 = arith.constant 0 : i32
    %dma_wait3A_20 = tpu.memref_slice %arg4[%mul3A_0, %dma_wait3A_19] : memref<2048x32xf32, #tpu.memory_space<hbm>> -> memref<128x32xf32, #tpu.memory_space<hbm>>
    tpu.wait_dma2 semaphore(%arg10 : memref<!tpu.dma_semaphore, #tpu.memory_space<semaphore_mem>>) src(%dma_wait3A_20 : memref<128x32xf32, #tpu.memory_space<hbm>>) dst(%dma_wait3A_18 : memref<128x32xf32, #tpu.memory_space<vmem_shared>>)
    %dma_wait3A_21 = arith.constant 0 : i32
    %dma_wait3A_22 = arith.constant 0 : i32
    %dma_wait3A_23 = tpu.memref_slice %arg3[%arg1, %dma_wait3A_21, %dma_wait3A_22] : memref<16x4x128xi32, #tpu.memory_space<hbm>> -> memref<1x4x128xi32, #tpu.memory_space<hbm>>
    %dma_wait3A_24 = tpu.memref_squeeze %dma_wait3A_23 : memref<1x4x128xi32, #tpu.memory_space<hbm>> -> memref<4x128xi32, #tpu.memory_space<hbm>>
    %dma_wait3A_25 = arith.constant 0 : i32
    %dma_wait3A_26 = arith.constant 0 : i32
    %dma_wait3A_27 = tpu.memref_slice %arg3[%arg1, %dma_wait3A_25, %dma_wait3A_26] : memref<16x4x128xi32, #tpu.memory_space<hbm>> -> memref<1x4x128xi32, #tpu.memory_space<hbm>>
    %dma_wait3A_28 = tpu.memref_squeeze %dma_wait3A_27 : memref<1x4x128xi32, #tpu.memory_space<hbm>> -> memref<4x128xi32, #tpu.memory_space<hbm>>
    tpu.wait_dma2 semaphore(%arg10 : memref<!tpu.dma_semaphore, #tpu.memory_space<semaphore_mem>>) src(%dma_wait3A_28 : memref<4x128xi32, #tpu.memory_space<hbm>>) dst(%arg8 : memref<4x128xi32, #tpu.memory_space<vmem>>)
    %dma_wait3A_29 = arith.constant 0 : i32
    %dma_wait3A_30 = tpu.memref_slice %arg2[%mul3A_2, %dma_wait3A_29] : memref<4096x32xf32, #tpu.memory_space<hbm>> -> memref<256x32xf32, #tpu.memory_space<hbm>>
    %dma_wait3A_31 = arith.constant 0 : i32
    %dma_wait3A_32 = tpu.memref_slice %arg2[%mul3A_2, %dma_wait3A_31] : memref<4096x32xf32, #tpu.memory_space<hbm>> -> memref<256x32xf32, #tpu.memory_space<hbm>>
    tpu.wait_dma2 semaphore(%arg10 : memref<!tpu.dma_semaphore, #tpu.memory_space<semaphore_mem>>) src(%dma_wait3A_32 : memref<256x32xf32, #tpu.memory_space<hbm>>) dst(%arg9 : memref<256x32xf32, #tpu.memory_space<vmem>>)
    %barrier3A = arith.constant 0 : index
    tpu.barrier barrier_id(%barrier3A)
    %dma_start3A_33 = arith.constant 0 : i32
    %dma_start3A_34 = arith.constant 0 : i32
    %dma_start3A_35 = arith.constant 0 : i32
    %dma_start3A_36 = tpu.memref_slice %arg9[%dma_start3A_34, %dma_start3A_35] : memref<256x32xf32, #tpu.memory_space<vmem>> -> memref<128x32xf32, #tpu.memory_space<vmem>>
    %dma_start3A_37 = arith.constant 0 : i32
    %dma_start3A_38 = tpu.memref_slice %arg8[%dma_start3A_33, %dma_start3A_37] : memref<4x128xi32, #tpu.memory_space<vmem>> -> memref<1x128xi32, #tpu.memory_space<vmem>>
    %dma_start3A_39 = tpu.memref_squeeze %dma_start3A_38 : memref<1x128xi32, #tpu.memory_space<vmem>> -> memref<128xi32, #tpu.memory_space<vmem>>
    %dma_start3A_40 = arith.constant 0 : i32
    %dma_start3A_41 = arith.constant 0 : i32
    %dma_start3A_42 = tpu.memref_slice %arg7[%dma_start3A_40, %dma_start3A_41] : memref<2048x32xf32, #tpu.memory_space<vmem_shared>> -> memref<2048x32xf32, #tpu.memory_space<vmem_shared>>
    tpu.enqueue_indirect_dma source(%dma_start3A_36 : memref<128x32xf32, #tpu.memory_space<vmem>>) target(%dma_start3A_42 : memref<2048x32xf32, #tpu.memory_space<vmem_shared>>) offsets(%dma_start3A_39 : memref<128xi32, #tpu.memory_space<vmem>>) semaphore(%arg10 : memref<!tpu.dma_semaphore, #tpu.memory_space<semaphore_mem>>) {add = true}
    %dma_start3A_43 = arith.constant 1 : i32
    %dma_start3A_44 = arith.constant 128 : i32
    %dma_start3A_45 = arith.constant 0 : i32
    %dma_start3A_46 = tpu.memref_slice %arg9[%dma_start3A_44, %dma_start3A_45] : memref<256x32xf32, #tpu.memory_space<vmem>> -> memref<128x32xf32, #tpu.memory_space<vmem>>
    %dma_start3A_47 = arith.constant 0 : i32
    %dma_start3A_48 = tpu.memref_slice %arg8[%dma_start3A_43, %dma_start3A_47] : memref<4x128xi32, #tpu.memory_space<vmem>> -> memref<1x128xi32, #tpu.memory_space<vmem>>
    %dma_start3A_49 = tpu.memref_squeeze %dma_start3A_48 : memref<1x128xi32, #tpu.memory_space<vmem>> -> memref<128xi32, #tpu.memory_space<vmem>>
    %dma_start3A_50 = arith.constant 0 : i32
    %dma_start3A_51 = arith.constant 0 : i32
    %dma_start3A_52 = tpu.memref_slice %arg7[%dma_start3A_50, %dma_start3A_51] : memref<2048x32xf32, #tpu.memory_space<vmem_shared>> -> memref<2048x32xf32, #tpu.memory_space<vmem_shared>>
    tpu.enqueue_indirect_dma source(%dma_start3A_46 : memref<128x32xf32, #tpu.memory_space<vmem>>) target(%dma_start3A_52 : memref<2048x32xf32, #tpu.memory_space<vmem_shared>>) offsets(%dma_start3A_49 : memref<128xi32, #tpu.memory_space<vmem>>) semaphore(%arg10 : memref<!tpu.dma_semaphore, #tpu.memory_space<semaphore_mem>>) {add = true}
    %dma_wait3A_53 = arith.constant 0 : i32
    %dma_wait3A_54 = arith.constant 0 : i32
    %dma_wait3A_55 = arith.constant 0 : i32
    %dma_wait3A_56 = tpu.memref_slice %arg9[%dma_wait3A_54, %dma_wait3A_55] : memref<256x32xf32, #tpu.memory_space<vmem>> -> memref<128x32xf32, #tpu.memory_space<vmem>>
    %dma_wait3A_57 = arith.constant 0 : i32
    %dma_wait3A_58 = tpu.memref_slice %arg8[%dma_wait3A_53, %dma_wait3A_57] : memref<4x128xi32, #tpu.memory_space<vmem>> -> memref<1x128xi32, #tpu.memory_space<vmem>>
    %dma_wait3A_59 = tpu.memref_squeeze %dma_wait3A_58 : memref<1x128xi32, #tpu.memory_space<vmem>> -> memref<128xi32, #tpu.memory_space<vmem>>
    %dma_wait3A_60 = arith.constant 0 : i32
    %dma_wait3A_61 = arith.constant 0 : i32
    %dma_wait3A_62 = tpu.memref_slice %arg7[%dma_wait3A_60, %dma_wait3A_61] : memref<2048x32xf32, #tpu.memory_space<vmem_shared>> -> memref<2048x32xf32, #tpu.memory_space<vmem_shared>>
    tpu.wait_indirect_dma semaphore(%arg10 : memref<!tpu.dma_semaphore, #tpu.memory_space<semaphore_mem>>) src(%dma_wait3A_56 : memref<128x32xf32, #tpu.memory_space<vmem>>) dst(%dma_wait3A_62 : memref<2048x32xf32, #tpu.memory_space<vmem_shared>>)
    %dma_wait3A_63 = arith.constant 1 : i32
    %dma_wait3A_64 = arith.constant 128 : i32
    %dma_wait3A_65 = arith.constant 0 : i32
    %dma_wait3A_66 = tpu.memref_slice %arg9[%dma_wait3A_64, %dma_wait3A_65] : memref<256x32xf32, #tpu.memory_space<vmem>> -> memref<128x32xf32, #tpu.memory_space<vmem>>
    %dma_wait3A_67 = arith.constant 0 : i32
    %dma_wait3A_68 = tpu.memref_slice %arg8[%dma_wait3A_63, %dma_wait3A_67] : memref<4x128xi32, #tpu.memory_space<vmem>> -> memref<1x128xi32, #tpu.memory_space<vmem>>
    %dma_wait3A_69 = tpu.memref_squeeze %dma_wait3A_68 : memref<1x128xi32, #tpu.memory_space<vmem>> -> memref<128xi32, #tpu.memory_space<vmem>>
    %dma_wait3A_70 = arith.constant 0 : i32
    %dma_wait3A_71 = arith.constant 0 : i32
    %dma_wait3A_72 = tpu.memref_slice %arg7[%dma_wait3A_70, %dma_wait3A_71] : memref<2048x32xf32, #tpu.memory_space<vmem_shared>> -> memref<2048x32xf32, #tpu.memory_space<vmem_shared>>
    tpu.wait_indirect_dma semaphore(%arg10 : memref<!tpu.dma_semaphore, #tpu.memory_space<semaphore_mem>>) src(%dma_wait3A_66 : memref<128x32xf32, #tpu.memory_space<vmem>>) dst(%dma_wait3A_72 : memref<2048x32xf32, #tpu.memory_space<vmem_shared>>)
    %barrier3A_73 = arith.constant 0 : index
    tpu.barrier barrier_id(%barrier3A_73)
    %dma_start3A_74 = arith.constant 0 : i32
    %dma_start3A_75 = tpu.memref_slice %arg5[%mul3A_0, %dma_start3A_74] : memref<2048x32xf32, #tpu.memory_space<hbm>> -> memref<128x32xf32, #tpu.memory_space<hbm>>
    %dma_start3A_76 = arith.constant 0 : i32
    %dma_start3A_77 = tpu.memref_slice %arg7[%mul3A_0, %dma_start3A_76] : memref<2048x32xf32, #tpu.memory_space<vmem_shared>> -> memref<128x32xf32, #tpu.memory_space<vmem_shared>>
    tpu.enqueue_dma source(%dma_start3A_77 : memref<128x32xf32, #tpu.memory_space<vmem_shared>>) target(%dma_start3A_75 : memref<128x32xf32, #tpu.memory_space<hbm>>) target_semaphore(%arg10 : memref<!tpu.dma_semaphore, #tpu.memory_space<semaphore_mem>>)
    %dma_wait3A_78 = arith.constant 0 : i32
    %dma_wait3A_79 = tpu.memref_slice %arg5[%mul3A_0, %dma_wait3A_78] : memref<2048x32xf32, #tpu.memory_space<hbm>> -> memref<128x32xf32, #tpu.memory_space<hbm>>
    %dma_wait3A_80 = arith.constant 0 : i32
    %dma_wait3A_81 = tpu.memref_slice %arg7[%mul3A_0, %dma_wait3A_80] : memref<2048x32xf32, #tpu.memory_space<vmem_shared>> -> memref<128x32xf32, #tpu.memory_space<vmem_shared>>
    tpu.wait_dma2 semaphore(%arg10 : memref<!tpu.dma_semaphore, #tpu.memory_space<semaphore_mem>>) src(%dma_wait3A_81 : memref<128x32xf32, #tpu.memory_space<vmem_shared>>) dst(%dma_wait3A_79 : memref<128x32xf32, #tpu.memory_space<hbm>>)
    %barrier3A_82 = arith.constant 0 : index
    tpu.barrier barrier_id(%barrier3A_82)
    %dma_start3A_83 = arith.constant 2 : i32
    %dma_start3A_84 = arith.constant 0 : i32
    %dma_start3A_85 = arith.constant 0 : i32
    %dma_start3A_86 = tpu.memref_slice %arg9[%dma_start3A_84, %dma_start3A_85] : memref<256x32xf32, #tpu.memory_space<vmem>> -> memref<128x32xf32, #tpu.memory_space<vmem>>
    %dma_start3A_87 = arith.constant 0 : i32
    %dma_start3A_88 = tpu.memref_slice %arg8[%dma_start3A_83, %dma_start3A_87] : memref<4x128xi32, #tpu.memory_space<vmem>> -> memref<1x128xi32, #tpu.memory_space<vmem>>
    %dma_start3A_89 = tpu.memref_squeeze %dma_start3A_88 : memref<1x128xi32, #tpu.memory_space<vmem>> -> memref<128xi32, #tpu.memory_space<vmem>>
    %dma_start3A_90 = arith.constant 0 : i32
    %dma_start3A_91 = arith.constant 0 : i32
    %dma_start3A_92 = tpu.memref_slice %arg5[%dma_start3A_90, %dma_start3A_91] : memref<2048x32xf32, #tpu.memory_space<hbm>> -> memref<2048x32xf32, #tpu.memory_space<hbm>>
    tpu.enqueue_indirect_dma source(%dma_start3A_92 : memref<2048x32xf32, #tpu.memory_space<hbm>>) target(%dma_start3A_86 : memref<128x32xf32, #tpu.memory_space<vmem>>) offsets(%dma_start3A_89 : memref<128xi32, #tpu.memory_space<vmem>>) semaphore(%arg10 : memref<!tpu.dma_semaphore, #tpu.memory_space<semaphore_mem>>)
    %dma_start3A_93 = arith.constant 3 : i32
    %dma_start3A_94 = arith.constant 128 : i32
    %dma_start3A_95 = arith.constant 0 : i32
    %dma_start3A_96 = tpu.memref_slice %arg9[%dma_start3A_94, %dma_start3A_95] : memref<256x32xf32, #tpu.memory_space<vmem>> -> memref<128x32xf32, #tpu.memory_space<vmem>>
    %dma_start3A_97 = arith.constant 0 : i32
    %dma_start3A_98 = tpu.memref_slice %arg8[%dma_start3A_93, %dma_start3A_97] : memref<4x128xi32, #tpu.memory_space<vmem>> -> memref<1x128xi32, #tpu.memory_space<vmem>>
    %dma_start3A_99 = tpu.memref_squeeze %dma_start3A_98 : memref<1x128xi32, #tpu.memory_space<vmem>> -> memref<128xi32, #tpu.memory_space<vmem>>
    %dma_start3A_100 = arith.constant 0 : i32
    %dma_start3A_101 = arith.constant 0 : i32
    %dma_start3A_102 = tpu.memref_slice %arg5[%dma_start3A_100, %dma_start3A_101] : memref<2048x32xf32, #tpu.memory_space<hbm>> -> memref<2048x32xf32, #tpu.memory_space<hbm>>
    tpu.enqueue_indirect_dma source(%dma_start3A_102 : memref<2048x32xf32, #tpu.memory_space<hbm>>) target(%dma_start3A_96 : memref<128x32xf32, #tpu.memory_space<vmem>>) offsets(%dma_start3A_99 : memref<128xi32, #tpu.memory_space<vmem>>) semaphore(%arg10 : memref<!tpu.dma_semaphore, #tpu.memory_space<semaphore_mem>>)
    %dma_wait3A_103 = arith.constant 2 : i32
    %dma_wait3A_104 = arith.constant 0 : i32
    %dma_wait3A_105 = arith.constant 0 : i32
    %dma_wait3A_106 = tpu.memref_slice %arg9[%dma_wait3A_104, %dma_wait3A_105] : memref<256x32xf32, #tpu.memory_space<vmem>> -> memref<128x32xf32, #tpu.memory_space<vmem>>
    %dma_wait3A_107 = arith.constant 0 : i32
    %dma_wait3A_108 = tpu.memref_slice %arg8[%dma_wait3A_103, %dma_wait3A_107] : memref<4x128xi32, #tpu.memory_space<vmem>> -> memref<1x128xi32, #tpu.memory_space<vmem>>
    %dma_wait3A_109 = tpu.memref_squeeze %dma_wait3A_108 : memref<1x128xi32, #tpu.memory_space<vmem>> -> memref<128xi32, #tpu.memory_space<vmem>>
    %dma_wait3A_110 = arith.constant 0 : i32
    %dma_wait3A_111 = arith.constant 0 : i32
    %dma_wait3A_112 = tpu.memref_slice %arg5[%dma_wait3A_110, %dma_wait3A_111] : memref<2048x32xf32, #tpu.memory_space<hbm>> -> memref<2048x32xf32, #tpu.memory_space<hbm>>
    tpu.wait_indirect_dma semaphore(%arg10 : memref<!tpu.dma_semaphore, #tpu.memory_space<semaphore_mem>>) src(%dma_wait3A_112 : memref<2048x32xf32, #tpu.memory_space<hbm>>) dst(%dma_wait3A_106 : memref<128x32xf32, #tpu.memory_space<vmem>>)
    %add3A = arith.constant 0 : i32
    %add3A_113 = arith.addi %mul3A_2, %add3A : i32
    %dma_start3A_114 = arith.constant 0 : i32
    %dma_start3A_115 = arith.constant 0 : i32
    %dma_start3A_116 = tpu.memref_slice %arg9[%dma_start3A_114, %dma_start3A_115] : memref<256x32xf32, #tpu.memory_space<vmem>> -> memref<128x32xf32, #tpu.memory_space<vmem>>
    %dma_start3A_117 = arith.constant 0 : i32
    %dma_start3A_118 = tpu.memref_slice %arg6[%add3A_113, %dma_start3A_117] : memref<4096x32xf32, #tpu.memory_space<hbm>> -> memref<128x32xf32, #tpu.memory_space<hbm>>
    %dma_start3A_119 = arith.constant 0 : i32
    %dma_start3A_120 = tpu.memref_slice %arg6[%add3A_113, %dma_start3A_119] : memref<4096x32xf32, #tpu.memory_space<hbm>> -> memref<128x32xf32, #tpu.memory_space<hbm>>
    %dma_start3A_121 = arith.constant 0 : i32
    %dma_start3A_122 = arith.constant 0 : i32
    %dma_start3A_123 = tpu.memref_slice %arg9[%dma_start3A_121, %dma_start3A_122] : memref<256x32xf32, #tpu.memory_space<vmem>> -> memref<128x32xf32, #tpu.memory_space<vmem>>
    tpu.enqueue_dma source(%dma_start3A_123 : memref<128x32xf32, #tpu.memory_space<vmem>>) target(%dma_start3A_120 : memref<128x32xf32, #tpu.memory_space<hbm>>) target_semaphore(%arg10 : memref<!tpu.dma_semaphore, #tpu.memory_space<semaphore_mem>>)
    %dma_wait3A_124 = arith.constant 3 : i32
    %dma_wait3A_125 = arith.constant 128 : i32
    %dma_wait3A_126 = arith.constant 0 : i32
    %dma_wait3A_127 = tpu.memref_slice %arg9[%dma_wait3A_125, %dma_wait3A_126] : memref<256x32xf32, #tpu.memory_space<vmem>> -> memref<128x32xf32, #tpu.memory_space<vmem>>
    %dma_wait3A_128 = arith.constant 0 : i32
    %dma_wait3A_129 = tpu.memref_slice %arg8[%dma_wait3A_124, %dma_wait3A_128] : memref<4x128xi32, #tpu.memory_space<vmem>> -> memref<1x128xi32, #tpu.memory_space<vmem>>
    %dma_wait3A_130 = tpu.memref_squeeze %dma_wait3A_129 : memref<1x128xi32, #tpu.memory_space<vmem>> -> memref<128xi32, #tpu.memory_space<vmem>>
    %dma_wait3A_131 = arith.constant 0 : i32
    %dma_wait3A_132 = arith.constant 0 : i32
    %dma_wait3A_133 = tpu.memref_slice %arg5[%dma_wait3A_131, %dma_wait3A_132] : memref<2048x32xf32, #tpu.memory_space<hbm>> -> memref<2048x32xf32, #tpu.memory_space<hbm>>
    tpu.wait_indirect_dma semaphore(%arg10 : memref<!tpu.dma_semaphore, #tpu.memory_space<semaphore_mem>>) src(%dma_wait3A_133 : memref<2048x32xf32, #tpu.memory_space<hbm>>) dst(%dma_wait3A_127 : memref<128x32xf32, #tpu.memory_space<vmem>>)
    %add3A_134 = arith.constant 128 : i32
    %add3A_135 = arith.addi %mul3A_2, %add3A_134 : i32
    %dma_start3A_136 = arith.constant 128 : i32
    %dma_start3A_137 = arith.constant 0 : i32
    %dma_start3A_138 = tpu.memref_slice %arg9[%dma_start3A_136, %dma_start3A_137] : memref<256x32xf32, #tpu.memory_space<vmem>> -> memref<128x32xf32, #tpu.memory_space<vmem>>
    %dma_start3A_139 = arith.constant 0 : i32
    %dma_start3A_140 = tpu.memref_slice %arg6[%add3A_135, %dma_start3A_139] : memref<4096x32xf32, #tpu.memory_space<hbm>> -> memref<128x32xf32, #tpu.memory_space<hbm>>
    %dma_start3A_141 = arith.constant 0 : i32
    %dma_start3A_142 = tpu.memref_slice %arg6[%add3A_135, %dma_start3A_141] : memref<4096x32xf32, #tpu.memory_space<hbm>> -> memref<128x32xf32, #tpu.memory_space<hbm>>
    %dma_start3A_143 = arith.constant 128 : i32
    %dma_start3A_144 = arith.constant 0 : i32
    %dma_start3A_145 = tpu.memref_slice %arg9[%dma_start3A_143, %dma_start3A_144] : memref<256x32xf32, #tpu.memory_space<vmem>> -> memref<128x32xf32, #tpu.memory_space<vmem>>
    tpu.enqueue_dma source(%dma_start3A_145 : memref<128x32xf32, #tpu.memory_space<vmem>>) target(%dma_start3A_142 : memref<128x32xf32, #tpu.memory_space<hbm>>) target_semaphore(%arg10 : memref<!tpu.dma_semaphore, #tpu.memory_space<semaphore_mem>>)
    %dma_wait3A_146 = arith.constant 0 : i32
    %dma_wait3A_147 = arith.constant 0 : i32
    %dma_wait3A_148 = tpu.memref_slice %arg9[%dma_wait3A_146, %dma_wait3A_147] : memref<256x32xf32, #tpu.memory_space<vmem>> -> memref<128x32xf32, #tpu.memory_space<vmem>>
    %dma_wait3A_149 = arith.constant 0 : i32
    %dma_wait3A_150 = tpu.memref_slice %arg6[%add3A_113, %dma_wait3A_149] : memref<4096x32xf32, #tpu.memory_space<hbm>> -> memref<128x32xf32, #tpu.memory_space<hbm>>
    %dma_wait3A_151 = arith.constant 0 : i32
    %dma_wait3A_152 = tpu.memref_slice %arg6[%add3A_113, %dma_wait3A_151] : memref<4096x32xf32, #tpu.memory_space<hbm>> -> memref<128x32xf32, #tpu.memory_space<hbm>>
    %dma_wait3A_153 = arith.constant 0 : i32
    %dma_wait3A_154 = arith.constant 0 : i32
    %dma_wait3A_155 = tpu.memref_slice %arg9[%dma_wait3A_153, %dma_wait3A_154] : memref<256x32xf32, #tpu.memory_space<vmem>> -> memref<128x32xf32, #tpu.memory_space<vmem>>
    tpu.wait_dma2 semaphore(%arg10 : memref<!tpu.dma_semaphore, #tpu.memory_space<semaphore_mem>>) src(%dma_wait3A_155 : memref<128x32xf32, #tpu.memory_space<vmem>>) dst(%dma_wait3A_152 : memref<128x32xf32, #tpu.memory_space<hbm>>)
    %dma_wait3A_156 = arith.constant 128 : i32
    %dma_wait3A_157 = arith.constant 0 : i32
    %dma_wait3A_158 = tpu.memref_slice %arg9[%dma_wait3A_156, %dma_wait3A_157] : memref<256x32xf32, #tpu.memory_space<vmem>> -> memref<128x32xf32, #tpu.memory_space<vmem>>
    %dma_wait3A_159 = arith.constant 0 : i32
    %dma_wait3A_160 = tpu.memref_slice %arg6[%add3A_135, %dma_wait3A_159] : memref<4096x32xf32, #tpu.memory_space<hbm>> -> memref<128x32xf32, #tpu.memory_space<hbm>>
    %dma_wait3A_161 = arith.constant 0 : i32
    %dma_wait3A_162 = tpu.memref_slice %arg6[%add3A_135, %dma_wait3A_161] : memref<4096x32xf32, #tpu.memory_space<hbm>> -> memref<128x32xf32, #tpu.memory_space<hbm>>
    %dma_wait3A_163 = arith.constant 128 : i32
    %dma_wait3A_164 = arith.constant 0 : i32
    %dma_wait3A_165 = tpu.memref_slice %arg9[%dma_wait3A_163, %dma_wait3A_164] : memref<256x32xf32, #tpu.memory_space<vmem>> -> memref<128x32xf32, #tpu.memory_space<vmem>>
    tpu.wait_dma2 semaphore(%arg10 : memref<!tpu.dma_semaphore, #tpu.memory_space<semaphore_mem>>) src(%dma_wait3A_165 : memref<128x32xf32, #tpu.memory_space<vmem>>) dst(%dma_wait3A_162 : memref<128x32xf32, #tpu.memory_space<hbm>>)
    return
  }
}

module attributes {stable_mosaic.version = 14 : i64} {
  func.func @body(%arg0: memref<4096x32xf32, #tpu.memory_space<vmem>>, %arg1: memref<2048x32xf32, #tpu.memory_space<vmem>>, %arg2: memref<4096x5xf32, #tpu.memory_space<vmem>>, %arg3: memref<5x32x256xf32, #tpu.memory_space<vmem>>, %arg4: memref<32x256xf32, #tpu.memory_space<vmem>>, %arg5: memref<1x256xf32, #tpu.memory_space<vmem>>, %arg6: memref<4096x256xf32, #tpu.memory_space<vmem>>, %arg7: memref<2048x256xf32, #tpu.memory_space<vmem>>) attributes {dimension_semantics = [], scalar_prefetch = 0 : i64, scratch_operands = 0 : i64, tpu.core_type = #tpu.core_type<tc>} {
    %get3A = arith.constant 0 : index
    %get3A_0 = arith.constant 0 : index
    %get3A_1 = vector.load %arg0[%get3A, %get3A_0] : memref<4096x32xf32, #tpu.memory_space<vmem>>, vector<4096x32xf32>
    %get3A_2 = arith.constant 0 : index
    %get3A_3 = arith.constant 0 : index
    %get3A_4 = vector.load %arg1[%get3A_2, %get3A_3] : memref<2048x32xf32, #tpu.memory_space<vmem>>, vector<2048x32xf32>
    %get3A_5 = arith.constant 0 : index
    %get3A_6 = arith.constant 0 : index
    %get3A_7 = vector.load %arg2[%get3A_5, %get3A_6] : memref<4096x5xf32, #tpu.memory_space<vmem>>, vector<4096x1xf32>
    %get3A_8 = arith.constant 0 : index
    %get3A_9 = arith.constant 0 : index
    %get3A_10 = arith.constant 0 : index
    %get3A_11 = vector.load %arg3[%get3A_8, %get3A_9, %get3A_10] : memref<5x32x256xf32, #tpu.memory_space<vmem>>, vector<1x32x256xf32>
    %get3A_12 = vector.shape_cast %get3A_11 : vector<1x32x256xf32> to vector<32x256xf32>
    %dot_general3A = arith.constant dense<0.000000e+00> : vector<4096x256xf32>
    %dot_general3A_13 = tpu.matmul %get3A_1, %get3A_12, %dot_general3A {dimension_numbers = #tpu.dot_dimension_numbers<[1], [0], [0], [1], [0, 0, 1, 1], [], []>, transpose_lhs_hint = false} : vector<4096x32xf32>, vector<32x256xf32>, vector<4096x256xf32> -> vector<4096x256xf32>
    %mul3A = vector.broadcast %get3A_7 : vector<4096x1xf32> to vector<4096x256xf32>
    %mul3A_14 = arith.mulf %mul3A, %dot_general3A_13 : vector<4096x256xf32>
    %get3A_15 = arith.constant 0 : index
    %get3A_16 = arith.constant 1 : index
    %get3A_17 = vector.load %arg2[%get3A_15, %get3A_16] : memref<4096x5xf32, #tpu.memory_space<vmem>>, vector<4096x1xf32>
    %get3A_18 = arith.constant 1 : index
    %get3A_19 = arith.constant 0 : index
    %get3A_20 = arith.constant 0 : index
    %get3A_21 = vector.load %arg3[%get3A_18, %get3A_19, %get3A_20] : memref<5x32x256xf32, #tpu.memory_space<vmem>>, vector<1x32x256xf32>
    %get3A_22 = vector.shape_cast %get3A_21 : vector<1x32x256xf32> to vector<32x256xf32>
    %dot_general3A_23 = arith.constant dense<0.000000e+00> : vector<4096x256xf32>
    %dot_general3A_24 = tpu.matmul %get3A_1, %get3A_22, %dot_general3A_23 {dimension_numbers = #tpu.dot_dimension_numbers<[1], [0], [0], [1], [0, 0, 1, 1], [], []>, transpose_lhs_hint = false} : vector<4096x32xf32>, vector<32x256xf32>, vector<4096x256xf32> -> vector<4096x256xf32>
    %mul3A_25 = vector.broadcast %get3A_17 : vector<4096x1xf32> to vector<4096x256xf32>
    %mul3A_26 = arith.mulf %mul3A_25, %dot_general3A_24 : vector<4096x256xf32>
    %add3A = arith.addf %mul3A_14, %mul3A_26 : vector<4096x256xf32>
    %get3A_27 = arith.constant 0 : index
    %get3A_28 = arith.constant 2 : index
    %get3A_29 = vector.load %arg2[%get3A_27, %get3A_28] : memref<4096x5xf32, #tpu.memory_space<vmem>>, vector<4096x1xf32>
    %get3A_30 = arith.constant 2 : index
    %get3A_31 = arith.constant 0 : index
    %get3A_32 = arith.constant 0 : index
    %get3A_33 = vector.load %arg3[%get3A_30, %get3A_31, %get3A_32] : memref<5x32x256xf32, #tpu.memory_space<vmem>>, vector<1x32x256xf32>
    %get3A_34 = vector.shape_cast %get3A_33 : vector<1x32x256xf32> to vector<32x256xf32>
    %dot_general3A_35 = arith.constant dense<0.000000e+00> : vector<4096x256xf32>
    %dot_general3A_36 = tpu.matmul %get3A_1, %get3A_34, %dot_general3A_35 {dimension_numbers = #tpu.dot_dimension_numbers<[1], [0], [0], [1], [0, 0, 1, 1], [], []>, transpose_lhs_hint = false} : vector<4096x32xf32>, vector<32x256xf32>, vector<4096x256xf32> -> vector<4096x256xf32>
    %mul3A_37 = vector.broadcast %get3A_29 : vector<4096x1xf32> to vector<4096x256xf32>
    %mul3A_38 = arith.mulf %mul3A_37, %dot_general3A_36 : vector<4096x256xf32>
    %add3A_39 = arith.addf %add3A, %mul3A_38 : vector<4096x256xf32>
    %get3A_40 = arith.constant 0 : index
    %get3A_41 = arith.constant 3 : index
    %get3A_42 = vector.load %arg2[%get3A_40, %get3A_41] : memref<4096x5xf32, #tpu.memory_space<vmem>>, vector<4096x1xf32>
    %get3A_43 = arith.constant 3 : index
    %get3A_44 = arith.constant 0 : index
    %get3A_45 = arith.constant 0 : index
    %get3A_46 = vector.load %arg3[%get3A_43, %get3A_44, %get3A_45] : memref<5x32x256xf32, #tpu.memory_space<vmem>>, vector<1x32x256xf32>
    %get3A_47 = vector.shape_cast %get3A_46 : vector<1x32x256xf32> to vector<32x256xf32>
    %dot_general3A_48 = arith.constant dense<0.000000e+00> : vector<4096x256xf32>
    %dot_general3A_49 = tpu.matmul %get3A_1, %get3A_47, %dot_general3A_48 {dimension_numbers = #tpu.dot_dimension_numbers<[1], [0], [0], [1], [0, 0, 1, 1], [], []>, transpose_lhs_hint = false} : vector<4096x32xf32>, vector<32x256xf32>, vector<4096x256xf32> -> vector<4096x256xf32>
    %mul3A_50 = vector.broadcast %get3A_42 : vector<4096x1xf32> to vector<4096x256xf32>
    %mul3A_51 = arith.mulf %mul3A_50, %dot_general3A_49 : vector<4096x256xf32>
    %add3A_52 = arith.addf %add3A_39, %mul3A_51 : vector<4096x256xf32>
    %get3A_53 = arith.constant 0 : index
    %get3A_54 = arith.constant 4 : index
    %get3A_55 = vector.load %arg2[%get3A_53, %get3A_54] : memref<4096x5xf32, #tpu.memory_space<vmem>>, vector<4096x1xf32>
    %get3A_56 = arith.constant 4 : index
    %get3A_57 = arith.constant 0 : index
    %get3A_58 = arith.constant 0 : index
    %get3A_59 = vector.load %arg3[%get3A_56, %get3A_57, %get3A_58] : memref<5x32x256xf32, #tpu.memory_space<vmem>>, vector<1x32x256xf32>
    %get3A_60 = vector.shape_cast %get3A_59 : vector<1x32x256xf32> to vector<32x256xf32>
    %dot_general3A_61 = arith.constant dense<0.000000e+00> : vector<4096x256xf32>
    %dot_general3A_62 = tpu.matmul %get3A_1, %get3A_60, %dot_general3A_61 {dimension_numbers = #tpu.dot_dimension_numbers<[1], [0], [0], [1], [0, 0, 1, 1], [], []>, transpose_lhs_hint = false} : vector<4096x32xf32>, vector<32x256xf32>, vector<4096x256xf32> -> vector<4096x256xf32>
    %mul3A_63 = vector.broadcast %get3A_55 : vector<4096x1xf32> to vector<4096x256xf32>
    %mul3A_64 = arith.mulf %mul3A_63, %dot_general3A_62 : vector<4096x256xf32>
    %add3A_65 = arith.addf %add3A_52, %mul3A_64 : vector<4096x256xf32>
    %swap3A = arith.constant 0 : index
    %swap3A_66 = arith.constant 0 : index
    %swap3A_67 = vector.load %arg6[%swap3A, %swap3A_66] : memref<4096x256xf32, #tpu.memory_space<vmem>>, vector<4096x256xf32>
    tpu.vector_store %arg6[%swap3A, %swap3A_66], %add3A_65 {strides = array<i32>} : memref<4096x256xf32, #tpu.memory_space<vmem>>, vector<4096x256xf32>,
    %get3A_68 = arith.constant 0 : index
    %get3A_69 = arith.constant 0 : index
    %get3A_70 = vector.load %arg4[%get3A_68, %get3A_69] : memref<32x256xf32, #tpu.memory_space<vmem>>, vector<32x256xf32>
    %dot_general3A_71 = arith.constant dense<0.000000e+00> : vector<2048x256xf32>
    %dot_general3A_72 = tpu.matmul %get3A_4, %get3A_70, %dot_general3A_71 {dimension_numbers = #tpu.dot_dimension_numbers<[1], [0], [0], [1], [0, 0, 1, 1], [], []>, transpose_lhs_hint = false} : vector<2048x32xf32>, vector<32x256xf32>, vector<2048x256xf32> -> vector<2048x256xf32>
    %get3A_73 = arith.constant 0 : index
    %get3A_74 = arith.constant 0 : index
    %get3A_75 = vector.load %arg5[%get3A_73, %get3A_74] : memref<1x256xf32, #tpu.memory_space<vmem>>, vector<1x256xf32>
    %add3A_76 = vector.broadcast %get3A_75 : vector<1x256xf32> to vector<2048x256xf32>
    %add3A_77 = arith.addf %dot_general3A_72, %add3A_76 : vector<2048x256xf32>
    %swap3A_78 = arith.constant 0 : index
    %swap3A_79 = arith.constant 0 : index
    %swap3A_80 = vector.load %arg7[%swap3A_78, %swap3A_79] : memref<2048x256xf32, #tpu.memory_space<vmem>>, vector<2048x256xf32>
    tpu.vector_store %arg7[%swap3A_78, %swap3A_79], %add3A_77 {strides = array<i32>} : memref<2048x256xf32, #tpu.memory_space<vmem>>, vector<2048x256xf32>,
    return
  }
}

module attributes {stable_mosaic.version = 14 : i64} {
  func.func @body(%arg0: memref<4096x256xf32, #tpu.memory_space<vmem>>, %arg1: memref<2048x256xf32, #tpu.memory_space<vmem>>, %arg2: memref<4096x5xf32, #tpu.memory_space<vmem>>, %arg3: memref<5x256x128xf32, #tpu.memory_space<vmem>>, %arg4: memref<256x128xf32, #tpu.memory_space<vmem>>, %arg5: memref<1x128xf32, #tpu.memory_space<vmem>>, %arg6: memref<4096x128xf32, #tpu.memory_space<vmem>>, %arg7: memref<2048x128xf32, #tpu.memory_space<vmem>>) attributes {dimension_semantics = [], scalar_prefetch = 0 : i64, scratch_operands = 0 : i64, tpu.core_type = #tpu.core_type<tc>} {
    %get3A = arith.constant 0 : index
    %get3A_0 = arith.constant 0 : index
    %get3A_1 = vector.load %arg0[%get3A, %get3A_0] : memref<4096x256xf32, #tpu.memory_space<vmem>>, vector<4096x256xf32>
    %get3A_2 = arith.constant 0 : index
    %get3A_3 = arith.constant 0 : index
    %get3A_4 = vector.load %arg1[%get3A_2, %get3A_3] : memref<2048x256xf32, #tpu.memory_space<vmem>>, vector<2048x256xf32>
    %max3A = arith.constant 0.000000e+00 : f32
    %max3A_5 = vector.broadcast %max3A : f32 to vector<4096x256xf32>
    %max3A_6 = arith.maximumf %get3A_1, %max3A_5 : vector<4096x256xf32>
    %max3A_7 = arith.constant 0.000000e+00 : f32
    %max3A_8 = vector.broadcast %max3A_7 : f32 to vector<2048x256xf32>
    %max3A_9 = arith.maximumf %get3A_4, %max3A_8 : vector<2048x256xf32>
    %get3A_10 = arith.constant 0 : index
    %get3A_11 = arith.constant 0 : index
    %get3A_12 = vector.load %arg2[%get3A_10, %get3A_11] : memref<4096x5xf32, #tpu.memory_space<vmem>>, vector<4096x1xf32>
    %get3A_13 = arith.constant 0 : index
    %get3A_14 = arith.constant 0 : index
    %get3A_15 = arith.constant 0 : index
    %get3A_16 = vector.load %arg3[%get3A_13, %get3A_14, %get3A_15] : memref<5x256x128xf32, #tpu.memory_space<vmem>>, vector<1x256x128xf32>
    %get3A_17 = vector.shape_cast %get3A_16 : vector<1x256x128xf32> to vector<256x128xf32>
    %dot_general3A = arith.constant dense<0.000000e+00> : vector<4096x128xf32>
    %dot_general3A_18 = tpu.matmul %max3A_6, %get3A_17, %dot_general3A {dimension_numbers = #tpu.dot_dimension_numbers<[1], [0], [0], [1], [0, 0, 1, 1], [], []>, transpose_lhs_hint = false} : vector<4096x256xf32>, vector<256x128xf32>, vector<4096x128xf32> -> vector<4096x128xf32>
    %mul3A = vector.broadcast %get3A_12 : vector<4096x1xf32> to vector<4096x128xf32>
    %mul3A_19 = arith.mulf %mul3A, %dot_general3A_18 : vector<4096x128xf32>
    %get3A_20 = arith.constant 0 : index
    %get3A_21 = arith.constant 1 : index
    %get3A_22 = vector.load %arg2[%get3A_20, %get3A_21] : memref<4096x5xf32, #tpu.memory_space<vmem>>, vector<4096x1xf32>
    %get3A_23 = arith.constant 1 : index
    %get3A_24 = arith.constant 0 : index
    %get3A_25 = arith.constant 0 : index
    %get3A_26 = vector.load %arg3[%get3A_23, %get3A_24, %get3A_25] : memref<5x256x128xf32, #tpu.memory_space<vmem>>, vector<1x256x128xf32>
    %get3A_27 = vector.shape_cast %get3A_26 : vector<1x256x128xf32> to vector<256x128xf32>
    %dot_general3A_28 = arith.constant dense<0.000000e+00> : vector<4096x128xf32>
    %dot_general3A_29 = tpu.matmul %max3A_6, %get3A_27, %dot_general3A_28 {dimension_numbers = #tpu.dot_dimension_numbers<[1], [0], [0], [1], [0, 0, 1, 1], [], []>, transpose_lhs_hint = false} : vector<4096x256xf32>, vector<256x128xf32>, vector<4096x128xf32> -> vector<4096x128xf32>
    %mul3A_30 = vector.broadcast %get3A_22 : vector<4096x1xf32> to vector<4096x128xf32>
    %mul3A_31 = arith.mulf %mul3A_30, %dot_general3A_29 : vector<4096x128xf32>
    %add3A = arith.addf %mul3A_19, %mul3A_31 : vector<4096x128xf32>
    %get3A_32 = arith.constant 0 : index
    %get3A_33 = arith.constant 2 : index
    %get3A_34 = vector.load %arg2[%get3A_32, %get3A_33] : memref<4096x5xf32, #tpu.memory_space<vmem>>, vector<4096x1xf32>
    %get3A_35 = arith.constant 2 : index
    %get3A_36 = arith.constant 0 : index
    %get3A_37 = arith.constant 0 : index
    %get3A_38 = vector.load %arg3[%get3A_35, %get3A_36, %get3A_37] : memref<5x256x128xf32, #tpu.memory_space<vmem>>, vector<1x256x128xf32>
    %get3A_39 = vector.shape_cast %get3A_38 : vector<1x256x128xf32> to vector<256x128xf32>
    %dot_general3A_40 = arith.constant dense<0.000000e+00> : vector<4096x128xf32>
    %dot_general3A_41 = tpu.matmul %max3A_6, %get3A_39, %dot_general3A_40 {dimension_numbers = #tpu.dot_dimension_numbers<[1], [0], [0], [1], [0, 0, 1, 1], [], []>, transpose_lhs_hint = false} : vector<4096x256xf32>, vector<256x128xf32>, vector<4096x128xf32> -> vector<4096x128xf32>
    %mul3A_42 = vector.broadcast %get3A_34 : vector<4096x1xf32> to vector<4096x128xf32>
    %mul3A_43 = arith.mulf %mul3A_42, %dot_general3A_41 : vector<4096x128xf32>
    %add3A_44 = arith.addf %add3A, %mul3A_43 : vector<4096x128xf32>
    %get3A_45 = arith.constant 0 : index
    %get3A_46 = arith.constant 3 : index
    %get3A_47 = vector.load %arg2[%get3A_45, %get3A_46] : memref<4096x5xf32, #tpu.memory_space<vmem>>, vector<4096x1xf32>
    %get3A_48 = arith.constant 3 : index
    %get3A_49 = arith.constant 0 : index
    %get3A_50 = arith.constant 0 : index
    %get3A_51 = vector.load %arg3[%get3A_48, %get3A_49, %get3A_50] : memref<5x256x128xf32, #tpu.memory_space<vmem>>, vector<1x256x128xf32>
    %get3A_52 = vector.shape_cast %get3A_51 : vector<1x256x128xf32> to vector<256x128xf32>
    %dot_general3A_53 = arith.constant dense<0.000000e+00> : vector<4096x128xf32>
    %dot_general3A_54 = tpu.matmul %max3A_6, %get3A_52, %dot_general3A_53 {dimension_numbers = #tpu.dot_dimension_numbers<[1], [0], [0], [1], [0, 0, 1, 1], [], []>, transpose_lhs_hint = false} : vector<4096x256xf32>, vector<256x128xf32>, vector<4096x128xf32> -> vector<4096x128xf32>
    %mul3A_55 = vector.broadcast %get3A_47 : vector<4096x1xf32> to vector<4096x128xf32>
    %mul3A_56 = arith.mulf %mul3A_55, %dot_general3A_54 : vector<4096x128xf32>
    %add3A_57 = arith.addf %add3A_44, %mul3A_56 : vector<4096x128xf32>
    %get3A_58 = arith.constant 0 : index
    %get3A_59 = arith.constant 4 : index
    %get3A_60 = vector.load %arg2[%get3A_58, %get3A_59] : memref<4096x5xf32, #tpu.memory_space<vmem>>, vector<4096x1xf32>
    %get3A_61 = arith.constant 4 : index
    %get3A_62 = arith.constant 0 : index
    %get3A_63 = arith.constant 0 : index
    %get3A_64 = vector.load %arg3[%get3A_61, %get3A_62, %get3A_63] : memref<5x256x128xf32, #tpu.memory_space<vmem>>, vector<1x256x128xf32>
    %get3A_65 = vector.shape_cast %get3A_64 : vector<1x256x128xf32> to vector<256x128xf32>
    %dot_general3A_66 = arith.constant dense<0.000000e+00> : vector<4096x128xf32>
    %dot_general3A_67 = tpu.matmul %max3A_6, %get3A_65, %dot_general3A_66 {dimension_numbers = #tpu.dot_dimension_numbers<[1], [0], [0], [1], [0, 0, 1, 1], [], []>, transpose_lhs_hint = false} : vector<4096x256xf32>, vector<256x128xf32>, vector<4096x128xf32> -> vector<4096x128xf32>
    %mul3A_68 = vector.broadcast %get3A_60 : vector<4096x1xf32> to vector<4096x128xf32>
    %mul3A_69 = arith.mulf %mul3A_68, %dot_general3A_67 : vector<4096x128xf32>
    %add3A_70 = arith.addf %add3A_57, %mul3A_69 : vector<4096x128xf32>
    %swap3A = arith.constant 0 : index
    %swap3A_71 = arith.constant 0 : index
    %swap3A_72 = vector.load %arg6[%swap3A, %swap3A_71] : memref<4096x128xf32, #tpu.memory_space<vmem>>, vector<4096x128xf32>
    tpu.vector_store %arg6[%swap3A, %swap3A_71], %add3A_70 {strides = array<i32>} : memref<4096x128xf32, #tpu.memory_space<vmem>>, vector<4096x128xf32>,
    %get3A_73 = arith.constant 0 : index
    %get3A_74 = arith.constant 0 : index
    %get3A_75 = vector.load %arg4[%get3A_73, %get3A_74] : memref<256x128xf32, #tpu.memory_space<vmem>>, vector<256x128xf32>
    %dot_general3A_76 = arith.constant dense<0.000000e+00> : vector<2048x128xf32>
    %dot_general3A_77 = tpu.matmul %max3A_9, %get3A_75, %dot_general3A_76 {dimension_numbers = #tpu.dot_dimension_numbers<[1], [0], [0], [1], [0, 0, 1, 1], [], []>, transpose_lhs_hint = false} : vector<2048x256xf32>, vector<256x128xf32>, vector<2048x128xf32> -> vector<2048x128xf32>
    %get3A_78 = arith.constant 0 : index
    %get3A_79 = arith.constant 0 : index
    %get3A_80 = vector.load %arg5[%get3A_78, %get3A_79] : memref<1x128xf32, #tpu.memory_space<vmem>>, vector<1x128xf32>
    %add3A_81 = vector.broadcast %get3A_80 : vector<1x128xf32> to vector<2048x128xf32>
    %add3A_82 = arith.addf %dot_general3A_77, %add3A_81 : vector<2048x128xf32>
    %swap3A_83 = arith.constant 0 : index
    %swap3A_84 = arith.constant 0 : index
    %swap3A_85 = vector.load %arg7[%swap3A_83, %swap3A_84] : memref<2048x128xf32, #tpu.memory_space<vmem>>, vector<2048x128xf32>
    tpu.vector_store %arg7[%swap3A_83, %swap3A_84], %add3A_82 {strides = array<i32>} : memref<2048x128xf32, #tpu.memory_space<vmem>>, vector<2048x128xf32>,
    return
  }
}

module attributes {stable_mosaic.version = 14 : i64} {
  func.func @body(%arg0: memref<4096x128xf32, #tpu.memory_space<vmem>>, %arg1: memref<2048x128xf32, #tpu.memory_space<vmem>>, %arg2: memref<4096x5xf32, #tpu.memory_space<vmem>>, %arg3: memref<5x128x64xf32, #tpu.memory_space<vmem>>, %arg4: memref<128x64xf32, #tpu.memory_space<vmem>>, %arg5: memref<1x64xf32, #tpu.memory_space<vmem>>, %arg6: memref<4096x64xf32, #tpu.memory_space<vmem>>, %arg7: memref<2048x64xf32, #tpu.memory_space<vmem>>) attributes {dimension_semantics = [], scalar_prefetch = 0 : i64, scratch_operands = 0 : i64, tpu.core_type = #tpu.core_type<tc>} {
    %get3A = arith.constant 0 : index
    %get3A_0 = arith.constant 0 : index
    %get3A_1 = vector.load %arg0[%get3A, %get3A_0] : memref<4096x128xf32, #tpu.memory_space<vmem>>, vector<4096x128xf32>
    %get3A_2 = arith.constant 0 : index
    %get3A_3 = arith.constant 0 : index
    %get3A_4 = vector.load %arg1[%get3A_2, %get3A_3] : memref<2048x128xf32, #tpu.memory_space<vmem>>, vector<2048x128xf32>
    %max3A = arith.constant 0.000000e+00 : f32
    %max3A_5 = vector.broadcast %max3A : f32 to vector<4096x128xf32>
    %max3A_6 = arith.maximumf %get3A_1, %max3A_5 : vector<4096x128xf32>
    %max3A_7 = arith.constant 0.000000e+00 : f32
    %max3A_8 = vector.broadcast %max3A_7 : f32 to vector<2048x128xf32>
    %max3A_9 = arith.maximumf %get3A_4, %max3A_8 : vector<2048x128xf32>
    %get3A_10 = arith.constant 0 : index
    %get3A_11 = arith.constant 0 : index
    %get3A_12 = vector.load %arg2[%get3A_10, %get3A_11] : memref<4096x5xf32, #tpu.memory_space<vmem>>, vector<4096x1xf32>
    %get3A_13 = arith.constant 0 : index
    %get3A_14 = arith.constant 0 : index
    %get3A_15 = arith.constant 0 : index
    %get3A_16 = vector.load %arg3[%get3A_13, %get3A_14, %get3A_15] : memref<5x128x64xf32, #tpu.memory_space<vmem>>, vector<1x128x64xf32>
    %get3A_17 = vector.shape_cast %get3A_16 : vector<1x128x64xf32> to vector<128x64xf32>
    %dot_general3A = arith.constant dense<0.000000e+00> : vector<4096x64xf32>
    %dot_general3A_18 = tpu.matmul %max3A_6, %get3A_17, %dot_general3A {dimension_numbers = #tpu.dot_dimension_numbers<[1], [0], [0], [1], [0, 0, 1, 1], [], []>, transpose_lhs_hint = false} : vector<4096x128xf32>, vector<128x64xf32>, vector<4096x64xf32> -> vector<4096x64xf32>
    %mul3A = vector.broadcast %get3A_12 : vector<4096x1xf32> to vector<4096x64xf32>
    %mul3A_19 = arith.mulf %mul3A, %dot_general3A_18 : vector<4096x64xf32>
    %get3A_20 = arith.constant 0 : index
    %get3A_21 = arith.constant 1 : index
    %get3A_22 = vector.load %arg2[%get3A_20, %get3A_21] : memref<4096x5xf32, #tpu.memory_space<vmem>>, vector<4096x1xf32>
    %get3A_23 = arith.constant 1 : index
    %get3A_24 = arith.constant 0 : index
    %get3A_25 = arith.constant 0 : index
    %get3A_26 = vector.load %arg3[%get3A_23, %get3A_24, %get3A_25] : memref<5x128x64xf32, #tpu.memory_space<vmem>>, vector<1x128x64xf32>
    %get3A_27 = vector.shape_cast %get3A_26 : vector<1x128x64xf32> to vector<128x64xf32>
    %dot_general3A_28 = arith.constant dense<0.000000e+00> : vector<4096x64xf32>
    %dot_general3A_29 = tpu.matmul %max3A_6, %get3A_27, %dot_general3A_28 {dimension_numbers = #tpu.dot_dimension_numbers<[1], [0], [0], [1], [0, 0, 1, 1], [], []>, transpose_lhs_hint = false} : vector<4096x128xf32>, vector<128x64xf32>, vector<4096x64xf32> -> vector<4096x64xf32>
    %mul3A_30 = vector.broadcast %get3A_22 : vector<4096x1xf32> to vector<4096x64xf32>
    %mul3A_31 = arith.mulf %mul3A_30, %dot_general3A_29 : vector<4096x64xf32>
    %add3A = arith.addf %mul3A_19, %mul3A_31 : vector<4096x64xf32>
    %get3A_32 = arith.constant 0 : index
    %get3A_33 = arith.constant 2 : index
    %get3A_34 = vector.load %arg2[%get3A_32, %get3A_33] : memref<4096x5xf32, #tpu.memory_space<vmem>>, vector<4096x1xf32>
    %get3A_35 = arith.constant 2 : index
    %get3A_36 = arith.constant 0 : index
    %get3A_37 = arith.constant 0 : index
    %get3A_38 = vector.load %arg3[%get3A_35, %get3A_36, %get3A_37] : memref<5x128x64xf32, #tpu.memory_space<vmem>>, vector<1x128x64xf32>
    %get3A_39 = vector.shape_cast %get3A_38 : vector<1x128x64xf32> to vector<128x64xf32>
    %dot_general3A_40 = arith.constant dense<0.000000e+00> : vector<4096x64xf32>
    %dot_general3A_41 = tpu.matmul %max3A_6, %get3A_39, %dot_general3A_40 {dimension_numbers = #tpu.dot_dimension_numbers<[1], [0], [0], [1], [0, 0, 1, 1], [], []>, transpose_lhs_hint = false} : vector<4096x128xf32>, vector<128x64xf32>, vector<4096x64xf32> -> vector<4096x64xf32>
    %mul3A_42 = vector.broadcast %get3A_34 : vector<4096x1xf32> to vector<4096x64xf32>
    %mul3A_43 = arith.mulf %mul3A_42, %dot_general3A_41 : vector<4096x64xf32>
    %add3A_44 = arith.addf %add3A, %mul3A_43 : vector<4096x64xf32>
    %get3A_45 = arith.constant 0 : index
    %get3A_46 = arith.constant 3 : index
    %get3A_47 = vector.load %arg2[%get3A_45, %get3A_46] : memref<4096x5xf32, #tpu.memory_space<vmem>>, vector<4096x1xf32>
    %get3A_48 = arith.constant 3 : index
    %get3A_49 = arith.constant 0 : index
    %get3A_50 = arith.constant 0 : index
    %get3A_51 = vector.load %arg3[%get3A_48, %get3A_49, %get3A_50] : memref<5x128x64xf32, #tpu.memory_space<vmem>>, vector<1x128x64xf32>
    %get3A_52 = vector.shape_cast %get3A_51 : vector<1x128x64xf32> to vector<128x64xf32>
    %dot_general3A_53 = arith.constant dense<0.000000e+00> : vector<4096x64xf32>
    %dot_general3A_54 = tpu.matmul %max3A_6, %get3A_52, %dot_general3A_53 {dimension_numbers = #tpu.dot_dimension_numbers<[1], [0], [0], [1], [0, 0, 1, 1], [], []>, transpose_lhs_hint = false} : vector<4096x128xf32>, vector<128x64xf32>, vector<4096x64xf32> -> vector<4096x64xf32>
    %mul3A_55 = vector.broadcast %get3A_47 : vector<4096x1xf32> to vector<4096x64xf32>
    %mul3A_56 = arith.mulf %mul3A_55, %dot_general3A_54 : vector<4096x64xf32>
    %add3A_57 = arith.addf %add3A_44, %mul3A_56 : vector<4096x64xf32>
    %get3A_58 = arith.constant 0 : index
    %get3A_59 = arith.constant 4 : index
    %get3A_60 = vector.load %arg2[%get3A_58, %get3A_59] : memref<4096x5xf32, #tpu.memory_space<vmem>>, vector<4096x1xf32>
    %get3A_61 = arith.constant 4 : index
    %get3A_62 = arith.constant 0 : index
    %get3A_63 = arith.constant 0 : index
    %get3A_64 = vector.load %arg3[%get3A_61, %get3A_62, %get3A_63] : memref<5x128x64xf32, #tpu.memory_space<vmem>>, vector<1x128x64xf32>
    %get3A_65 = vector.shape_cast %get3A_64 : vector<1x128x64xf32> to vector<128x64xf32>
    %dot_general3A_66 = arith.constant dense<0.000000e+00> : vector<4096x64xf32>
    %dot_general3A_67 = tpu.matmul %max3A_6, %get3A_65, %dot_general3A_66 {dimension_numbers = #tpu.dot_dimension_numbers<[1], [0], [0], [1], [0, 0, 1, 1], [], []>, transpose_lhs_hint = false} : vector<4096x128xf32>, vector<128x64xf32>, vector<4096x64xf32> -> vector<4096x64xf32>
    %mul3A_68 = vector.broadcast %get3A_60 : vector<4096x1xf32> to vector<4096x64xf32>
    %mul3A_69 = arith.mulf %mul3A_68, %dot_general3A_67 : vector<4096x64xf32>
    %add3A_70 = arith.addf %add3A_57, %mul3A_69 : vector<4096x64xf32>
    %swap3A = arith.constant 0 : index
    %swap3A_71 = arith.constant 0 : index
    %swap3A_72 = vector.load %arg6[%swap3A, %swap3A_71] : memref<4096x64xf32, #tpu.memory_space<vmem>>, vector<4096x64xf32>
    tpu.vector_store %arg6[%swap3A, %swap3A_71], %add3A_70 {strides = array<i32>} : memref<4096x64xf32, #tpu.memory_space<vmem>>, vector<4096x64xf32>,
    %get3A_73 = arith.constant 0 : index
    %get3A_74 = arith.constant 0 : index
    %get3A_75 = vector.load %arg4[%get3A_73, %get3A_74] : memref<128x64xf32, #tpu.memory_space<vmem>>, vector<128x64xf32>
    %dot_general3A_76 = arith.constant dense<0.000000e+00> : vector<2048x64xf32>
    %dot_general3A_77 = tpu.matmul %max3A_9, %get3A_75, %dot_general3A_76 {dimension_numbers = #tpu.dot_dimension_numbers<[1], [0], [0], [1], [0, 0, 1, 1], [], []>, transpose_lhs_hint = false} : vector<2048x128xf32>, vector<128x64xf32>, vector<2048x64xf32> -> vector<2048x64xf32>
    %get3A_78 = arith.constant 0 : index
    %get3A_79 = arith.constant 0 : index
    %get3A_80 = vector.load %arg5[%get3A_78, %get3A_79] : memref<1x64xf32, #tpu.memory_space<vmem>>, vector<1x64xf32>
    %add3A_81 = vector.broadcast %get3A_80 : vector<1x64xf32> to vector<2048x64xf32>
    %add3A_82 = arith.addf %dot_general3A_77, %add3A_81 : vector<2048x64xf32>
    %swap3A_83 = arith.constant 0 : index
    %swap3A_84 = arith.constant 0 : index
    %swap3A_85 = vector.load %arg7[%swap3A_83, %swap3A_84] : memref<2048x64xf32, #tpu.memory_space<vmem>>, vector<2048x64xf32>
    tpu.vector_store %arg7[%swap3A_83, %swap3A_84], %add3A_82 {strides = array<i32>} : memref<2048x64xf32, #tpu.memory_space<vmem>>, vector<2048x64xf32>,
    return
  }
}

module attributes {stable_mosaic.version = 14 : i64} {
  func.func @body(%arg0: memref<4096x64xf32, #tpu.memory_space<vmem>>, %arg1: memref<2048x64xf32, #tpu.memory_space<vmem>>, %arg2: memref<4096x5xf32, #tpu.memory_space<vmem>>, %arg3: memref<5x64x32xf32, #tpu.memory_space<vmem>>, %arg4: memref<64x32xf32, #tpu.memory_space<vmem>>, %arg5: memref<1x32xf32, #tpu.memory_space<vmem>>, %arg6: memref<4096x32xf32, #tpu.memory_space<vmem>>, %arg7: memref<2048x32xf32, #tpu.memory_space<vmem>>) attributes {dimension_semantics = [], scalar_prefetch = 0 : i64, scratch_operands = 0 : i64, tpu.core_type = #tpu.core_type<tc>} {
    %get3A = arith.constant 0 : index
    %get3A_0 = arith.constant 0 : index
    %get3A_1 = vector.load %arg0[%get3A, %get3A_0] : memref<4096x64xf32, #tpu.memory_space<vmem>>, vector<4096x64xf32>
    %get3A_2 = arith.constant 0 : index
    %get3A_3 = arith.constant 0 : index
    %get3A_4 = vector.load %arg1[%get3A_2, %get3A_3] : memref<2048x64xf32, #tpu.memory_space<vmem>>, vector<2048x64xf32>
    %max3A = arith.constant 0.000000e+00 : f32
    %max3A_5 = vector.broadcast %max3A : f32 to vector<4096x64xf32>
    %max3A_6 = arith.maximumf %get3A_1, %max3A_5 : vector<4096x64xf32>
    %max3A_7 = arith.constant 0.000000e+00 : f32
    %max3A_8 = vector.broadcast %max3A_7 : f32 to vector<2048x64xf32>
    %max3A_9 = arith.maximumf %get3A_4, %max3A_8 : vector<2048x64xf32>
    %get3A_10 = arith.constant 0 : index
    %get3A_11 = arith.constant 0 : index
    %get3A_12 = vector.load %arg2[%get3A_10, %get3A_11] : memref<4096x5xf32, #tpu.memory_space<vmem>>, vector<4096x1xf32>
    %get3A_13 = arith.constant 0 : index
    %get3A_14 = arith.constant 0 : index
    %get3A_15 = arith.constant 0 : index
    %get3A_16 = vector.load %arg3[%get3A_13, %get3A_14, %get3A_15] : memref<5x64x32xf32, #tpu.memory_space<vmem>>, vector<1x64x32xf32>
    %get3A_17 = vector.shape_cast %get3A_16 : vector<1x64x32xf32> to vector<64x32xf32>
    %dot_general3A = arith.constant dense<0.000000e+00> : vector<4096x32xf32>
    %dot_general3A_18 = tpu.matmul %max3A_6, %get3A_17, %dot_general3A {dimension_numbers = #tpu.dot_dimension_numbers<[1], [0], [0], [1], [0, 0, 1, 1], [], []>, transpose_lhs_hint = false} : vector<4096x64xf32>, vector<64x32xf32>, vector<4096x32xf32> -> vector<4096x32xf32>
    %mul3A = vector.broadcast %get3A_12 : vector<4096x1xf32> to vector<4096x32xf32>
    %mul3A_19 = arith.mulf %mul3A, %dot_general3A_18 : vector<4096x32xf32>
    %get3A_20 = arith.constant 0 : index
    %get3A_21 = arith.constant 1 : index
    %get3A_22 = vector.load %arg2[%get3A_20, %get3A_21] : memref<4096x5xf32, #tpu.memory_space<vmem>>, vector<4096x1xf32>
    %get3A_23 = arith.constant 1 : index
    %get3A_24 = arith.constant 0 : index
    %get3A_25 = arith.constant 0 : index
    %get3A_26 = vector.load %arg3[%get3A_23, %get3A_24, %get3A_25] : memref<5x64x32xf32, #tpu.memory_space<vmem>>, vector<1x64x32xf32>
    %get3A_27 = vector.shape_cast %get3A_26 : vector<1x64x32xf32> to vector<64x32xf32>
    %dot_general3A_28 = arith.constant dense<0.000000e+00> : vector<4096x32xf32>
    %dot_general3A_29 = tpu.matmul %max3A_6, %get3A_27, %dot_general3A_28 {dimension_numbers = #tpu.dot_dimension_numbers<[1], [0], [0], [1], [0, 0, 1, 1], [], []>, transpose_lhs_hint = false} : vector<4096x64xf32>, vector<64x32xf32>, vector<4096x32xf32> -> vector<4096x32xf32>
    %mul3A_30 = vector.broadcast %get3A_22 : vector<4096x1xf32> to vector<4096x32xf32>
    %mul3A_31 = arith.mulf %mul3A_30, %dot_general3A_29 : vector<4096x32xf32>
    %add3A = arith.addf %mul3A_19, %mul3A_31 : vector<4096x32xf32>
    %get3A_32 = arith.constant 0 : index
    %get3A_33 = arith.constant 2 : index
    %get3A_34 = vector.load %arg2[%get3A_32, %get3A_33] : memref<4096x5xf32, #tpu.memory_space<vmem>>, vector<4096x1xf32>
    %get3A_35 = arith.constant 2 : index
    %get3A_36 = arith.constant 0 : index
    %get3A_37 = arith.constant 0 : index
    %get3A_38 = vector.load %arg3[%get3A_35, %get3A_36, %get3A_37] : memref<5x64x32xf32, #tpu.memory_space<vmem>>, vector<1x64x32xf32>
    %get3A_39 = vector.shape_cast %get3A_38 : vector<1x64x32xf32> to vector<64x32xf32>
    %dot_general3A_40 = arith.constant dense<0.000000e+00> : vector<4096x32xf32>
    %dot_general3A_41 = tpu.matmul %max3A_6, %get3A_39, %dot_general3A_40 {dimension_numbers = #tpu.dot_dimension_numbers<[1], [0], [0], [1], [0, 0, 1, 1], [], []>, transpose_lhs_hint = false} : vector<4096x64xf32>, vector<64x32xf32>, vector<4096x32xf32> -> vector<4096x32xf32>
    %mul3A_42 = vector.broadcast %get3A_34 : vector<4096x1xf32> to vector<4096x32xf32>
    %mul3A_43 = arith.mulf %mul3A_42, %dot_general3A_41 : vector<4096x32xf32>
    %add3A_44 = arith.addf %add3A, %mul3A_43 : vector<4096x32xf32>
    %get3A_45 = arith.constant 0 : index
    %get3A_46 = arith.constant 3 : index
    %get3A_47 = vector.load %arg2[%get3A_45, %get3A_46] : memref<4096x5xf32, #tpu.memory_space<vmem>>, vector<4096x1xf32>
    %get3A_48 = arith.constant 3 : index
    %get3A_49 = arith.constant 0 : index
    %get3A_50 = arith.constant 0 : index
    %get3A_51 = vector.load %arg3[%get3A_48, %get3A_49, %get3A_50] : memref<5x64x32xf32, #tpu.memory_space<vmem>>, vector<1x64x32xf32>
    %get3A_52 = vector.shape_cast %get3A_51 : vector<1x64x32xf32> to vector<64x32xf32>
    %dot_general3A_53 = arith.constant dense<0.000000e+00> : vector<4096x32xf32>
    %dot_general3A_54 = tpu.matmul %max3A_6, %get3A_52, %dot_general3A_53 {dimension_numbers = #tpu.dot_dimension_numbers<[1], [0], [0], [1], [0, 0, 1, 1], [], []>, transpose_lhs_hint = false} : vector<4096x64xf32>, vector<64x32xf32>, vector<4096x32xf32> -> vector<4096x32xf32>
    %mul3A_55 = vector.broadcast %get3A_47 : vector<4096x1xf32> to vector<4096x32xf32>
    %mul3A_56 = arith.mulf %mul3A_55, %dot_general3A_54 : vector<4096x32xf32>
    %add3A_57 = arith.addf %add3A_44, %mul3A_56 : vector<4096x32xf32>
    %get3A_58 = arith.constant 0 : index
    %get3A_59 = arith.constant 4 : index
    %get3A_60 = vector.load %arg2[%get3A_58, %get3A_59] : memref<4096x5xf32, #tpu.memory_space<vmem>>, vector<4096x1xf32>
    %get3A_61 = arith.constant 4 : index
    %get3A_62 = arith.constant 0 : index
    %get3A_63 = arith.constant 0 : index
    %get3A_64 = vector.load %arg3[%get3A_61, %get3A_62, %get3A_63] : memref<5x64x32xf32, #tpu.memory_space<vmem>>, vector<1x64x32xf32>
    %get3A_65 = vector.shape_cast %get3A_64 : vector<1x64x32xf32> to vector<64x32xf32>
    %dot_general3A_66 = arith.constant dense<0.000000e+00> : vector<4096x32xf32>
    %dot_general3A_67 = tpu.matmul %max3A_6, %get3A_65, %dot_general3A_66 {dimension_numbers = #tpu.dot_dimension_numbers<[1], [0], [0], [1], [0, 0, 1, 1], [], []>, transpose_lhs_hint = false} : vector<4096x64xf32>, vector<64x32xf32>, vector<4096x32xf32> -> vector<4096x32xf32>
    %mul3A_68 = vector.broadcast %get3A_60 : vector<4096x1xf32> to vector<4096x32xf32>
    %mul3A_69 = arith.mulf %mul3A_68, %dot_general3A_67 : vector<4096x32xf32>
    %add3A_70 = arith.addf %add3A_57, %mul3A_69 : vector<4096x32xf32>
    %swap3A = arith.constant 0 : index
    %swap3A_71 = arith.constant 0 : index
    %swap3A_72 = vector.load %arg6[%swap3A, %swap3A_71] : memref<4096x32xf32, #tpu.memory_space<vmem>>, vector<4096x32xf32>
    tpu.vector_store %arg6[%swap3A, %swap3A_71], %add3A_70 {strides = array<i32>} : memref<4096x32xf32, #tpu.memory_space<vmem>>, vector<4096x32xf32>,
    %get3A_73 = arith.constant 0 : index
    %get3A_74 = arith.constant 0 : index
    %get3A_75 = vector.load %arg4[%get3A_73, %get3A_74] : memref<64x32xf32, #tpu.memory_space<vmem>>, vector<64x32xf32>
    %dot_general3A_76 = arith.constant dense<0.000000e+00> : vector<2048x32xf32>
    %dot_general3A_77 = tpu.matmul %max3A_9, %get3A_75, %dot_general3A_76 {dimension_numbers = #tpu.dot_dimension_numbers<[1], [0], [0], [1], [0, 0, 1, 1], [], []>, transpose_lhs_hint = false} : vector<2048x64xf32>, vector<64x32xf32>, vector<2048x32xf32> -> vector<2048x32xf32>
    %get3A_78 = arith.constant 0 : index
    %get3A_79 = arith.constant 0 : index
    %get3A_80 = vector.load %arg5[%get3A_78, %get3A_79] : memref<1x32xf32, #tpu.memory_space<vmem>>, vector<1x32xf32>
    %add3A_81 = vector.broadcast %get3A_80 : vector<1x32xf32> to vector<2048x32xf32>
    %add3A_82 = arith.addf %dot_general3A_77, %add3A_81 : vector<2048x32xf32>
    %swap3A_83 = arith.constant 0 : index
    %swap3A_84 = arith.constant 0 : index
    %swap3A_85 = vector.load %arg7[%swap3A_83, %swap3A_84] : memref<2048x32xf32, #tpu.memory_space<vmem>>, vector<2048x32xf32>
    tpu.vector_store %arg7[%swap3A_83, %swap3A_84], %add3A_82 {strides = array<i32>} : memref<2048x32xf32, #tpu.memory_space<vmem>>, vector<2048x32xf32>,
    return
  }
}

module attributes {stable_mosaic.version = 14 : i64} {
  func.func @body(%arg0: memref<4096x32xf32, #tpu.memory_space<vmem>>, %arg1: memref<2048x32xf32, #tpu.memory_space<vmem>>, %arg2: memref<4096x5xf32, #tpu.memory_space<vmem>>, %arg3: memref<5x32x16xf32, #tpu.memory_space<vmem>>, %arg4: memref<32x16xf32, #tpu.memory_space<vmem>>, %arg5: memref<1x16xf32, #tpu.memory_space<vmem>>, %arg6: memref<1x4096xi32, #tpu.memory_space<vmem>>, %arg7: memref<1024x1xi32, #tpu.memory_space<vmem>>, %arg8: memref<1024x1xi32, #tpu.memory_space<vmem>>, %arg9: memref<16x8xf32, #tpu.memory_space<vmem>>, %arg10: memref<1x8xf32, #tpu.memory_space<vmem>>, %arg11: memref<1024x8xf32, #tpu.memory_space<vmem>>) attributes {dimension_semantics = [], scalar_prefetch = 0 : i64, scratch_operands = 0 : i64, tpu.core_type = #tpu.core_type<tc>} {
    %get3A = arith.constant 0 : index
    %get3A_0 = arith.constant 0 : index
    %get3A_1 = vector.load %arg0[%get3A, %get3A_0] : memref<4096x32xf32, #tpu.memory_space<vmem>>, vector<4096x32xf32>
    %max3A = arith.constant 0.000000e+00 : f32
    %max3A_2 = vector.broadcast %max3A : f32 to vector<4096x32xf32>
    %max3A_3 = arith.maximumf %get3A_1, %max3A_2 : vector<4096x32xf32>
    %get3A_4 = arith.constant 0 : index
    %get3A_5 = arith.constant 0 : index
    %get3A_6 = vector.load %arg1[%get3A_4, %get3A_5] : memref<2048x32xf32, #tpu.memory_space<vmem>>, vector<2048x32xf32>
    %max3A_7 = arith.constant 0.000000e+00 : f32
    %max3A_8 = vector.broadcast %max3A_7 : f32 to vector<2048x32xf32>
    %max3A_9 = arith.maximumf %get3A_6, %max3A_8 : vector<2048x32xf32>
    %get3A_10 = arith.constant 0 : index
    %get3A_11 = arith.constant 0 : index
    %get3A_12 = vector.load %arg2[%get3A_10, %get3A_11] : memref<4096x5xf32, #tpu.memory_space<vmem>>, vector<4096x1xf32>
    %get3A_13 = arith.constant 0 : index
    %get3A_14 = arith.constant 0 : index
    %get3A_15 = arith.constant 0 : index
    %get3A_16 = vector.load %arg3[%get3A_13, %get3A_14, %get3A_15] : memref<5x32x16xf32, #tpu.memory_space<vmem>>, vector<1x32x16xf32>
    %get3A_17 = vector.shape_cast %get3A_16 : vector<1x32x16xf32> to vector<32x16xf32>
    %dot_general3A = arith.constant dense<0.000000e+00> : vector<4096x16xf32>
    %dot_general3A_18 = tpu.matmul %max3A_3, %get3A_17, %dot_general3A {dimension_numbers = #tpu.dot_dimension_numbers<[1], [0], [0], [1], [0, 0, 1, 1], [], []>, transpose_lhs_hint = false} : vector<4096x32xf32>, vector<32x16xf32>, vector<4096x16xf32> -> vector<4096x16xf32>
    %mul3A = vector.broadcast %get3A_12 : vector<4096x1xf32> to vector<4096x16xf32>
    %mul3A_19 = arith.mulf %mul3A, %dot_general3A_18 : vector<4096x16xf32>
    %get3A_20 = arith.constant 0 : index
    %get3A_21 = arith.constant 1 : index
    %get3A_22 = vector.load %arg2[%get3A_20, %get3A_21] : memref<4096x5xf32, #tpu.memory_space<vmem>>, vector<4096x1xf32>
    %get3A_23 = arith.constant 1 : index
    %get3A_24 = arith.constant 0 : index
    %get3A_25 = arith.constant 0 : index
    %get3A_26 = vector.load %arg3[%get3A_23, %get3A_24, %get3A_25] : memref<5x32x16xf32, #tpu.memory_space<vmem>>, vector<1x32x16xf32>
    %get3A_27 = vector.shape_cast %get3A_26 : vector<1x32x16xf32> to vector<32x16xf32>
    %dot_general3A_28 = arith.constant dense<0.000000e+00> : vector<4096x16xf32>
    %dot_general3A_29 = tpu.matmul %max3A_3, %get3A_27, %dot_general3A_28 {dimension_numbers = #tpu.dot_dimension_numbers<[1], [0], [0], [1], [0, 0, 1, 1], [], []>, transpose_lhs_hint = false} : vector<4096x32xf32>, vector<32x16xf32>, vector<4096x16xf32> -> vector<4096x16xf32>
    %mul3A_30 = vector.broadcast %get3A_22 : vector<4096x1xf32> to vector<4096x16xf32>
    %mul3A_31 = arith.mulf %mul3A_30, %dot_general3A_29 : vector<4096x16xf32>
    %add3A = arith.addf %mul3A_19, %mul3A_31 : vector<4096x16xf32>
    %get3A_32 = arith.constant 0 : index
    %get3A_33 = arith.constant 2 : index
    %get3A_34 = vector.load %arg2[%get3A_32, %get3A_33] : memref<4096x5xf32, #tpu.memory_space<vmem>>, vector<4096x1xf32>
    %get3A_35 = arith.constant 2 : index
    %get3A_36 = arith.constant 0 : index
    %get3A_37 = arith.constant 0 : index
    %get3A_38 = vector.load %arg3[%get3A_35, %get3A_36, %get3A_37] : memref<5x32x16xf32, #tpu.memory_space<vmem>>, vector<1x32x16xf32>
    %get3A_39 = vector.shape_cast %get3A_38 : vector<1x32x16xf32> to vector<32x16xf32>
    %dot_general3A_40 = arith.constant dense<0.000000e+00> : vector<4096x16xf32>
    %dot_general3A_41 = tpu.matmul %max3A_3, %get3A_39, %dot_general3A_40 {dimension_numbers = #tpu.dot_dimension_numbers<[1], [0], [0], [1], [0, 0, 1, 1], [], []>, transpose_lhs_hint = false} : vector<4096x32xf32>, vector<32x16xf32>, vector<4096x16xf32> -> vector<4096x16xf32>
    %mul3A_42 = vector.broadcast %get3A_34 : vector<4096x1xf32> to vector<4096x16xf32>
    %mul3A_43 = arith.mulf %mul3A_42, %dot_general3A_41 : vector<4096x16xf32>
    %add3A_44 = arith.addf %add3A, %mul3A_43 : vector<4096x16xf32>
    %get3A_45 = arith.constant 0 : index
    %get3A_46 = arith.constant 3 : index
    %get3A_47 = vector.load %arg2[%get3A_45, %get3A_46] : memref<4096x5xf32, #tpu.memory_space<vmem>>, vector<4096x1xf32>
    %get3A_48 = arith.constant 3 : index
    %get3A_49 = arith.constant 0 : index
    %get3A_50 = arith.constant 0 : index
    %get3A_51 = vector.load %arg3[%get3A_48, %get3A_49, %get3A_50] : memref<5x32x16xf32, #tpu.memory_space<vmem>>, vector<1x32x16xf32>
    %get3A_52 = vector.shape_cast %get3A_51 : vector<1x32x16xf32> to vector<32x16xf32>
    %dot_general3A_53 = arith.constant dense<0.000000e+00> : vector<4096x16xf32>
    %dot_general3A_54 = tpu.matmul %max3A_3, %get3A_52, %dot_general3A_53 {dimension_numbers = #tpu.dot_dimension_numbers<[1], [0], [0], [1], [0, 0, 1, 1], [], []>, transpose_lhs_hint = false} : vector<4096x32xf32>, vector<32x16xf32>, vector<4096x16xf32> -> vector<4096x16xf32>
    %mul3A_55 = vector.broadcast %get3A_47 : vector<4096x1xf32> to vector<4096x16xf32>
    %mul3A_56 = arith.mulf %mul3A_55, %dot_general3A_54 : vector<4096x16xf32>
    %add3A_57 = arith.addf %add3A_44, %mul3A_56 : vector<4096x16xf32>
    %get3A_58 = arith.constant 0 : index
    %get3A_59 = arith.constant 4 : index
    %get3A_60 = vector.load %arg2[%get3A_58, %get3A_59] : memref<4096x5xf32, #tpu.memory_space<vmem>>, vector<4096x1xf32>
    %get3A_61 = arith.constant 4 : index
    %get3A_62 = arith.constant 0 : index
    %get3A_63 = arith.constant 0 : index
    %get3A_64 = vector.load %arg3[%get3A_61, %get3A_62, %get3A_63] : memref<5x32x16xf32, #tpu.memory_space<vmem>>, vector<1x32x16xf32>
    %get3A_65 = vector.shape_cast %get3A_64 : vector<1x32x16xf32> to vector<32x16xf32>
    %dot_general3A_66 = arith.constant dense<0.000000e+00> : vector<4096x16xf32>
    %dot_general3A_67 = tpu.matmul %max3A_3, %get3A_65, %dot_general3A_66 {dimension_numbers = #tpu.dot_dimension_numbers<[1], [0], [0], [1], [0, 0, 1, 1], [], []>, transpose_lhs_hint = false} : vector<4096x32xf32>, vector<32x16xf32>, vector<4096x16xf32> -> vector<4096x16xf32>
    %mul3A_68 = vector.broadcast %get3A_60 : vector<4096x1xf32> to vector<4096x16xf32>
    %mul3A_69 = arith.mulf %mul3A_68, %dot_general3A_67 : vector<4096x16xf32>
    %add3A_70 = arith.addf %add3A_57, %mul3A_69 : vector<4096x16xf32>
    %get3A_71 = arith.constant 0 : index
    %get3A_72 = arith.constant 0 : index
    %get3A_73 = vector.load %arg4[%get3A_71, %get3A_72] : memref<32x16xf32, #tpu.memory_space<vmem>>, vector<32x16xf32>
    %dot_general3A_74 = arith.constant dense<0.000000e+00> : vector<2048x16xf32>
    %dot_general3A_75 = tpu.matmul %max3A_9, %get3A_73, %dot_general3A_74 {dimension_numbers = #tpu.dot_dimension_numbers<[1], [0], [0], [1], [0, 0, 1, 1], [], []>, transpose_lhs_hint = false} : vector<2048x32xf32>, vector<32x16xf32>, vector<2048x16xf32> -> vector<2048x16xf32>
    %get3A_76 = arith.constant 0 : index
    %get3A_77 = arith.constant 0 : index
    %get3A_78 = vector.load %arg5[%get3A_76, %get3A_77] : memref<1x16xf32, #tpu.memory_space<vmem>>, vector<1x16xf32>
    %add3A_79 = vector.broadcast %get3A_78 : vector<1x16xf32> to vector<2048x16xf32>
    %add3A_80 = arith.addf %dot_general3A_75, %add3A_79 : vector<2048x16xf32>
    %iota3A = tpu.iota {dimensions = array<i32: 0>} : vector<2048x4096xi32>
    %get3A_81 = arith.constant 0 : index
    %get3A_82 = arith.constant 0 : index
    %get3A_83 = vector.load %arg6[%get3A_81, %get3A_82] : memref<1x4096xi32, #tpu.memory_space<vmem>>, vector<1x4096xi32>
    %eq3A = vector.broadcast %get3A_83 : vector<1x4096xi32> to vector<2048x4096xi32>
    %eq3A_84 = arith.cmpi eq, %eq3A, %iota3A : vector<2048x4096xi32>
    %jit3A = arith.constant 1.000000e+00 : f32
    %jit3A_85 = arith.constant 0.000000e+00 : f32
    %broadcast_in_dim3A = vector.broadcast %jit3A : f32 to vector<2048x4096xf32>
    %broadcast_in_dim3A_86 = vector.broadcast %jit3A_85 : f32 to vector<2048x4096xf32>
    %select_n3A = arith.select %eq3A_84, %broadcast_in_dim3A, %broadcast_in_dim3A_86 : vector<2048x4096xi1>, vector<2048x4096xf32>
    %dot_general3A_87 = arith.constant dense<0.000000e+00> : vector<2048x16xf32>
    %dot_general3A_88 = tpu.matmul %select_n3A, %add3A_70, %dot_general3A_87 {dimension_numbers = #tpu.dot_dimension_numbers<[1], [0], [0], [1], [0, 0, 1, 1], [], []>, transpose_lhs_hint = false} : vector<2048x4096xf32>, vector<4096x16xf32>, vector<2048x16xf32> -> vector<2048x16xf32>
    %add3A_89 = arith.addf %dot_general3A_88, %add3A_80 : vector<2048x16xf32>
    %max3A_90 = arith.constant 0.000000e+00 : f32
    %max3A_91 = vector.broadcast %max3A_90 : f32 to vector<2048x16xf32>
    %max3A_92 = arith.maximumf %add3A_89, %max3A_91 : vector<2048x16xf32>
    %get3A_93 = arith.constant 0 : index
    %get3A_94 = arith.constant 0 : index
    %get3A_95 = vector.load %arg9[%get3A_93, %get3A_94] : memref<16x8xf32, #tpu.memory_space<vmem>>, vector<16x8xf32>
    %dot_general3A_96 = arith.constant dense<0.000000e+00> : vector<2048x8xf32>
    %dot_general3A_97 = tpu.matmul %max3A_92, %get3A_95, %dot_general3A_96 {dimension_numbers = #tpu.dot_dimension_numbers<[1], [0], [0], [1], [0, 0, 1, 1], [], []>, transpose_lhs_hint = false} : vector<2048x16xf32>, vector<16x8xf32>, vector<2048x8xf32> -> vector<2048x8xf32>
    %get3A_98 = arith.constant 0 : index
    %get3A_99 = arith.constant 0 : index
    %get3A_100 = vector.load %arg10[%get3A_98, %get3A_99] : memref<1x8xf32, #tpu.memory_space<vmem>>, vector<1x8xf32>
    %add3A_101 = vector.broadcast %get3A_100 : vector<1x8xf32> to vector<2048x8xf32>
    %add3A_102 = arith.addf %dot_general3A_97, %add3A_101 : vector<2048x8xf32>
    %max3A_103 = arith.constant 0.000000e+00 : f32
    %max3A_104 = vector.broadcast %max3A_103 : f32 to vector<2048x8xf32>
    %max3A_105 = arith.maximumf %add3A_102, %max3A_104 : vector<2048x8xf32>
    %iota3A_106 = tpu.iota {dimensions = array<i32: 1>} : vector<1024x2048xi32>
    %get3A_107 = arith.constant 0 : index
    %get3A_108 = arith.constant 0 : index
    %get3A_109 = vector.load %arg8[%get3A_107, %get3A_108] : memref<1024x1xi32, #tpu.memory_space<vmem>>, vector<1024x1xi32>
    %eq3A_110 = vector.broadcast %get3A_109 : vector<1024x1xi32> to vector<1024x2048xi32>
    %eq3A_111 = arith.cmpi eq, %eq3A_110, %iota3A_106 : vector<1024x2048xi32>
    %jit3A_112 = arith.constant 1.000000e+00 : f32
    %jit3A_113 = arith.constant 0.000000e+00 : f32
    %broadcast_in_dim3A_114 = vector.broadcast %jit3A_112 : f32 to vector<1024x2048xf32>
    %broadcast_in_dim3A_115 = vector.broadcast %jit3A_113 : f32 to vector<1024x2048xf32>
    %select_n3A_116 = arith.select %eq3A_111, %broadcast_in_dim3A_114, %broadcast_in_dim3A_115 : vector<1024x2048xi1>, vector<1024x2048xf32>
    %get3A_117 = arith.constant 0 : index
    %get3A_118 = arith.constant 0 : index
    %get3A_119 = vector.load %arg7[%get3A_117, %get3A_118] : memref<1024x1xi32, #tpu.memory_space<vmem>>, vector<1024x1xi32>
    %eq3A_120 = vector.broadcast %get3A_119 : vector<1024x1xi32> to vector<1024x2048xi32>
    %eq3A_121 = arith.cmpi eq, %eq3A_120, %iota3A_106 : vector<1024x2048xi32>
    %jit3A_122 = arith.constant 1.000000e+00 : f32
    %jit3A_123 = arith.constant 0.000000e+00 : f32
    %broadcast_in_dim3A_124 = vector.broadcast %jit3A_122 : f32 to vector<1024x2048xf32>
    %broadcast_in_dim3A_125 = vector.broadcast %jit3A_123 : f32 to vector<1024x2048xf32>
    %select_n3A_126 = arith.select %eq3A_121, %broadcast_in_dim3A_124, %broadcast_in_dim3A_125 : vector<1024x2048xi1>, vector<1024x2048xf32>
    %sub3A = arith.subf %select_n3A_116, %select_n3A_126 : vector<1024x2048xf32>
    %dot_general3A_127 = arith.constant dense<0.000000e+00> : vector<1024x8xf32>
    %dot_general3A_128 = tpu.matmul %sub3A, %max3A_105, %dot_general3A_127 {dimension_numbers = #tpu.dot_dimension_numbers<[1], [0], [0], [1], [0, 0, 1, 1], [], []>, transpose_lhs_hint = false} : vector<1024x2048xf32>, vector<2048x8xf32>, vector<1024x8xf32> -> vector<1024x8xf32>
    %swap3A = arith.constant 0 : index
    %swap3A_129 = arith.constant 0 : index
    %swap3A_130 = vector.load %arg11[%swap3A, %swap3A_129] : memref<1024x8xf32, #tpu.memory_space<vmem>>, vector<1024x8xf32>
    tpu.vector_store %arg11[%swap3A, %swap3A_129], %dot_general3A_128 {strides = array<i32>} : memref<1024x8xf32, #tpu.memory_space<vmem>>, vector<1024x8xf32>,
    return
  }
}

</mosaic_0001>

<sc_bundles>
// kernel: kernel.12.cloned.1.call-start
scs
__scs_entry_jumppad:
0x0: {  	(pc) =	sbr.rel $0x88, $3  }
0x1: {  	(tag) =	ssettag $0x0;
	lr =	simm.s32 $0x1  }
0x2: {  	[smem:$0x3F86] =	sst lr;
	_ =	strace $0xD0000000  }
0x3: {  	_ = 	snop  }
0x4: {  	_ = 	snop  }
0x5: {  	_ = 	snop  }
0x6: {  	_ = 	snop  }
0x7: {  	_ = 	snop  }
__scs_overlays_trampoline_lowered:
0x8: {  	[smem:$0x3F95] =	sst s0  }
0x9: {  	[smem:$0x3F96] =	sst s1  }
0xa: {  	[smem:$0x3F97] =	sst s2  }
0xb: {  	[smem:$0x3F98] =	sst s3  }
0xc: {  	[smem:$0x3F99] =	sst s4  }
0xd: {  	[smem:$0x3F9A] =	sst s5  }
0xe: {  	[smem:$0x3F9B] =	sst s6  }
0xf: {  	[smem:$0x3F9C] =	sst s7  }
0x10: {  	[smem:$0x3F9D] =	sst s8  }
0x11: {  	[smem:$0x3F9E] =	sst s9;
	s0 =	simm.s32 @!p0 $0x0  }
0x12: {  	s1 =	sld [smem:$0x3F84];
	s0 =	simm.s32 @p0 $0x1  }
0x13: {  	[smem:$0x3F9F] =	sst s0;
	s0 =	simm.s32 @!p1 $0x0  }
0x14: {  	s2 =	sld [smem:$0x3F83];
	s0 =	simm.s32 @p1 $0x1  }
0x15: {  	[smem:$0x3FA0] =	sst s0;
	s0 =	simm.s32 @!p2 $0x0  }
0x16: {  	s3 =	sld [smem:$0x3FDB];
	s0 =	simm.s32 @p2 $0x1  }
0x17: {  	s4 =	simm.s32 $0x1BF5;
	[smem:$0x3FA2] =	sst s0  }
0x18: {  	s0 =	sld [smem:$0x3F85];
	_ =	swait.ge [sflag:s4], $0x0  }
0x19: {  	s7 =	sld [smem:$0x3F86]  }
0x1a: {  	s8 =	sadd.s32 $0xFFFFE003, lr  }
0x1b: {  	s9 =	sadd.s32 $0xFFFFFEF7, lr;
	s5 =	simm.s32 $0xFFFFFFFF;
	p2 =	slt.u32 s8, $0xFFFFF086  }
0x1c: {  	p1 =	slt.u32 s9, $0xF7A;
	s5 =	simm.s32 @!p2 $0x0  }
0x1d: {  	s5 =	simm.s32 @p1 $0x1;
	p0 =	seq.s32 s7, s2  }
0x1e: {  	s7 =	smul.u32 @!p0 $0xF7A, s2;
	p2 =	seq.s32 @!p0 s5, $0x0  }
0x1f: {  	s9 =	smul.u32 $0xF7A, s1;
	s8 =	simm.s32 @!p0 $0x1BF5;
	p2 =	por !p2, p0  }
0x20: {  	[sflag:s8] =	ssyncset.s32 @!p0 $0xFFFFF086;
	s6 =	sadd.s32 @!p0 s3, s7;
	s7 =	simm.s32 @!p0 $0x108  }
0x21: {  	s3 =	sadd.s32 s3, s9;
	s6 =	sadd.s32 @!p0 $0x88, s6;
	s7 =	simm.s32 @p2 $0x1082  }
0x22: {  	[simem:s7], [sflag:s8] =	dma.local @!p0 [hbm:s6], $0xF7A  }
0x23: {  	s9 =	sor.u32 $0xD0000000, s2;
	s6 =	simm.s32 $0x108;
	_ =	swait.ge @!p0 [sflag:s8], $0x0  }
0x24: {  	s3 =	sadd.s32 $0x88, s3;
	s6 =	simm.s32 @!p1 $0x1082;
	[sflag:s4] =	ssyncset.s32 $0xFFFFF086  }
0x25: {  	[simem:s6], [sflag:s4] =	dma.local [hbm:s3], $0xF7A  }
0x26: {  	[smem:$0x3F86] =	sst s1;
	(tag) =	ssettag s2;
	_ =	strace s9  }
0x27: {  	s1 =	sld [smem:$0x3F96]  }
0x28: {  	s2 =	sld [smem:$0x3F97]  }
0x29: {  	s4 =	sld [smem:$0x3F99]  }
0x2a: {  	p0 =	seq.s32 s5, $0x0;
	s5 =	sld [smem:$0x3F9A]  }
0x2b: {  	s6 =	sld [smem:$0x3F9B]  }
0x2c: {  	s7 =	sld [smem:$0x3F9C]  }
0x2d: {  	s3 =	simm.s32 $0x108;
	s8 =	sld [smem:$0x3F9D]  }
0x2e: {  	s3 =	simm.s32 @!p0 $0x1082;
	s9 =	sld [smem:$0x3F9E]  }
0x2f: {  	lr =	sadd.s32 s0, s3;
	s0 =	sld [smem:$0x3F95]  }
0x30: {  	s3 =	sld [smem:$0x3F98]  }
0x31: {  	[smem:$0x3FA1] =	sst s10  }
0x32: {  	s10 =	sld [smem:$0x3F9F];
	_ =	sdelay $0x3  }
0x33: {  	p0 =	seq.s32 s10, $0x1;
	s10 =	sld [smem:$0x3FA1];
	_ =	sdelay $0x3  }
0x34: {  	[smem:$0x3FA1] =	sst s10  }
0x35: {  	s10 =	sld [smem:$0x3FA0];
	_ =	sdelay $0x3  }
0x36: {  	p1 =	seq.s32 s10, $0x1;
	s10 =	sld [smem:$0x3FA1];
	_ =	sdelay $0x3  }
0x37: {  	[smem:$0x3FA1] =	sst s10  }
0x38: {  	s10 =	sld [smem:$0x3FA2]  }
0x39: {  	_ = 	snop;
	(pc) =	sbr.ind lr, $3  }
0x3a: {  	_ = 	snop  }
0x3b: {  	_ = 	snop  }
0x3c: {  	p2 =	seq.s32 s10, $0x1;
	s10 =	sld [smem:$0x3FA1]  }
0x3d: {  	_ =	shalt  }
0x3e: {  	_ =	shalt  }
0x3f: {  	_ =	shalt  }
0x40: {  	_ =	shalt  }
0x41: {  	_ =	shalt  }
0x42: {  	_ =	shalt  }
0x43: {  	_ =	shalt  }
0x44: {  	_ =	shalt  }
0x45: {  	_ =	shalt  }
0x46: {  	_ =	shalt  }
0x47: {  	_ =	shalt  }
0x48: {  	_ =	shalt  }
0x49: {  	_ =	shalt  }
0x4a: {  	_ =	shalt  }
0x4b: {  	_ =	shalt  }
0x4c: {  	_ =	shalt  }
0x4d: {  	_ =	shalt  }
0x4e: {  	_ =	shalt  }
0x4f: {  	_ =	shalt  }
0x50: {  	_ =	shalt  }
0x51: {  	_ =	shalt  }
0x52: {  	_ =	shalt  }
0x53: {  	_ =	shalt  }
0x54: {  	_ =	shalt  }
0x55: {  	_ =	shalt  }
0x56: {  	_ =	shalt  }
0x57: {  	_ =	shalt  }
0x58: {  	_ =	shalt  }
0x59: {  	_ =	shalt  }
0x5a: {  	_ =	shalt  }
0x5b: {  	_ =	shalt  }
0x5c: {  	_ =	shalt  }
0x5d: {  	_ =	shalt  }
0x5e: {  	_ =	shalt  }
0x5f: {  	_ =	shalt  }
0x60: {  	_ =	shalt  }
0x61: {  	_ =	shalt  }
0x62: {  	_ =	shalt  }
0x63: {  	_ =	shalt  }
0x64: {  	_ =	shalt  }
0x65: {  	_ =	shalt  }
0x66: {  	_ =	shalt  }
0x67: {  	_ =	shalt  }
0x68: {  	_ =	shalt  }
0x69: {  	_ =	shalt  }
0x6a: {  	_ =	shalt  }
0x6b: {  	_ =	shalt  }
0x6c: {  	_ =	shalt  }
0x6d: {  	_ =	shalt  }
0x6e: {  	_ =	shalt  }
0x6f: {  	_ =	shalt  }
0x70: {  	_ =	shalt  }
0x71: {  	_ =	shalt  }
0x72: {  	_ =	shalt  }
0x73: {  	_ =	shalt  }
0x74: {  	_ =	shalt  }
0x75: {  	_ =	shalt  }
0x76: {  	_ =	shalt  }
0x77: {  	_ =	shalt  }
0x78: {  	_ =	shalt  }
0x79: {  	_ =	shalt  }
0x7a: {  	_ =	shalt  }
0x7b: {  	_ =	shalt  }
0x7c: {  	_ =	shalt  }
0x7d: {  	_ =	shalt  }
0x7e: {  	_ =	shalt  }
0x7f: {  	_ =	shalt  }
0x80: {  	_ =	shalt  }
0x81: {  	_ =	shalt  }
0x82: {  	_ =	shalt  }
0x83: {  	_ =	shalt  }
0x84: {  	_ =	shalt  }
0x85: {  	_ =	shalt  }
0x86: {  	_ =	shalt  }
0x87: {  	_ =	shalt  }
.Lfunc_end0:
.L_simem_size_0:
called_computation_lowered:
.L_overlay_start_0:
0x88: {  	s0 =	sld [smem:$0x3FD9]  }
0x89: {  	s1 =	sld [smem:$0x3FFE];
	_ =	sdelay $0x3  }
0x8a: {  	s0 =	sadd.s32 s1, s0  }
0x8b: {  	[smem:$0x3FAD] =	sst s0  }
0x8c: {  	_ = 	snop  }
0x8d: {  	(tm) =	ssettm $0x1  }
0x8e: {  	s15 =	sld [smem:$0x3FFB];
	_ =	sdelay $0x3  }
0x8f: {  	_ =	strace s15  }
0x90: {  	s0 =	sld [smem:$0x3FFC];
	_ =	sdelay $0x3  }
0x91: {  	_ =	strace s0  }
0x92: {  	s0 =	sld [smem:$0x3FFD];
	_ =	sdelay $0x3  }
0x93: {  	_ =	strace s0  }
0x94: {  	_ =	strace $0x8FFFFFFF  }
0x95: {  	s16 =	sld [smem:$0x3FDB];
	_ =	sdelay $0x1  }
0x96: {  	s17 =	simm.s32 $_scs_section_size  }
0x97: {  	s2 =	simm.s32 $_size__tile_overlayer_lowered;
	s3 =	simm.s32 $_tile_overlayer_lowered  }
0x98: {  	s20 =	simm.s32 $0x1BFF;
	s19 =	sshll.u32 s3, $0x1;
	s0 =	sadd.s32 s17, s16  }
0x99: {  	s4 =	simm.s32 $0x0;
	s18 =	sshll.u32 s2, $0x1;
	s2 =	sadd.s32 s19, s0  }
0x9a: {  	[timem:s4], [sflag:s20] =	dma.local [hbm:s2], s18  }
0x9b: {  	_ =	swait.ge [sflag:s20], s18  }
0x9c: {  	s1 =	ssub.s32 $0x0, s18;
	[sflag:s20] =	ssyncset.done $0x0  }
0x9d: {  	[sflag:s20] =	ssyncadd.s32 s1;
	_ =	sdelay $0x1  }
0x9e: {  	s21 =	simm.s32 $0x1B8B  }
0x9f: {  	_ =	swait.ge [sflag:s21], $0x1  }
0xa0: {  	[sflag:s21] =	ssyncset.done $0x0  }
0xa1: {  	s23 =	simm.s32 $0x1B8E;
	s22 =	sld [smem:$0x3FFE];
	[sflag:s21] =	ssyncadd.s32 $0xFFFFFFFF  }
0xa2: {  	s24 =	simm.s32 $execute0_lowered;
	[smem:$0x3FD2] =	sst s23  }
0xa3: {  	s2 =	sshll.u32 s24, $0x1;
	_ =	strace $0x80000046;
	[dreg:$0x1] =	wrdreg $0xFFFFFFFF  }
0xa4: {  	s25 =	simm.s32 $_size_execute0_lowered;
	s0 =	sadd.s32 s0, s2;
	[dreg:$0x0] =	wrdreg $0x0  }
0xa5: {  	s2 =	sshll.u32 s25, $0x1;
	[dreg:$0x2] =	wrdreg s0  }
0xa6: {  	[dreg:$0x3] =	wrdreg s2  }
0xa7: {  	[dreg:$0x4] =	wrdreg $0xC0  }
0xa8: {  	_ =	task [dreg:s4], $0x5FFFF  }
0xa9: {  	[dreg:$0x1] =	wrdreg $0xFFFFFFFF  }
0xaa: {  	[dreg:$0x0] =	wrdreg $0x60  }
0xab: {  	[dreg:$0x2] =	wrdreg s22  }
0xac: {  	[dreg:$0x3] =	wrdreg $0x9  }
0xad: {  	_ =	task.clear_ibuf [dreg:s4], $0x4FFFF;
	_ =	strace $0x90000046  }
0xae: {  	s26 =	simm.s32 $0x9;
	_ =	strace $0x80000048  }
0xaf: {  	_ =	swait.ge [sflag:s26], $0x1  }
0xb0: {  	[sflag:s26] =	ssyncadd.s32 $0xFFFFFFFF  }
0xb1: {  	_ =	strace $0x90000048  }
0xb2: {  	_ =	sfence  }
0xb3: {  	s28 =	sld [smem:$0x0];
	_ =	sdelay $0x1  }
0xb4: {  	s29 =	srdreg.scid  }
0xb5: {  	s30 =	sshll.u32 s29, $0xD;
	s31 =	sshrl.u32 s29, $0x2  }
0xb6: {  	s1 =	sand.u32 $0x1, s29;
	s2 =	sand.u32 $0x4000, s30;
	s0 =	sadd.s32 s31, s28  }
0xb7: {  	s1 =	sor.u32 s2, s1;
	s0 =	sshll.u32 s0, $0x11  }
0xb8: {  	s0 =	sor.u32 s0, s1  }
0xb9: {  	s0 =	sadd.s32 $0x8F2B, s0  }
0xba: {  	[sflag:s0] =	ssyncadd.remote.s32 $0x1  }
0xbb: {  	_ =	sfence.sel $0xFFFF  }
0xbc: {  	[dreg:$0x0] =	wrdreg $0xFFFFFFFF;
	(pc) =	sbr.abs _section_cstart, $3  }
0xbd: {  	[dreg:$0x1] =	wrdreg $0xFFFFFFFF  }
0xbe: {  	_ =	task.clear_ibuf [dreg:s4], $0x2FFFF;
	_ =	strace $0x9FFFFFFF  }
0xbf: {  	(tm) =	ssettm $0x7FFFFFFF  }
tec
execute0_lowered:
.L_overlay_start_1:
0x0: {  	(tag) =	ssettag $0x1  }
0x1: {  	s0 =	rddreg [dreg:$0x0];
	s1 =	stileid.u32  }
0x2: {  	s2 =	rddreg [dreg:$0x1];
	s3 =	simm.s32 $0x0;
	s4 =	sshll.u32 s1, $0x5  }
0x3: {  	[smem:$0x7FF] =	sst s3;
	s4 =	sadd.s32 s4, s0  }
0x4: {  	s29 =	simm.s32 $0x2;
	_ =	strace $0x80000047;
	s4 =	sadd.s32 $0x7000, s4  }
0x5: {  	[tilespmem:s3], [sflag:$0x2] =	stream.linear.gather [hbm4b:s4+s3], $0x100, $0x38;
	[tilespmem:$0x2100] =	vst v63  }
0x6: {  	_ =	swait.ge [sflag:s29], $0x100  }
0x7: {  	s6 =	simm.s32 $0x80;
	[sflag:s29] =	ssyncset.done $0x0  }
0x8: {  	s7 =	simm.s32 $0x100;
	s5 =	sadd.s32 $0x7200, s0;
	[sflag:s29] =	ssyncadd.s32 $0xFFFFFF00  }
0x9: {  	[tilespmem:s7], [sflag:$0x1] =	stream.indirect.gather [hbm4b:s5+s6], $0x20, s3, s6, $0xb8;
	[tilespmem:$0x2100] =	vst v63  }
0xa: {  	s8 =	simm.s32 $0x1100;
	s30 =	simm.s32 $0x1  }
0xb: {  	[tilespmem:s8], [sflag:$0x1] =	stream.indirect.gather [hbm4b:s5+s6], $0x20, s6, s6, $0xb8;
	[tilespmem:$0x2100] =	vst v63  }
0xc: {  	_ =	swait.ge [sflag:s30], $0x1000  }
0xd: {  	[sflag:s30] =	ssyncset.done $0x0  }
0xe: {  	[sflag:s30] =	ssyncadd.s32 $0xFFFFF000  }
0xf: {  	s31 =	sshll.u32 s1, $0xA;
	_ =	swait.ge [sflag:s30], $0x1000  }
0x10: {  	s0 =	sadd.s32 s31, s0;
	[sflag:s30] =	ssyncset.done $0x0  }
0x11: {  	s0 =	sadd.s32 $0x9200, s0;
	[sflag:s30] =	ssyncadd.s32 $0xFFFFF000  }
0x12: {  	[hbm4b:s0+s3] =	stream.linear.scatter [tilespmem:s7], [sflag:$0x2], $0x2000, $0x38;
	[tilespmem:$0x2100] =	vst v63  }
0x13: {  	_ =	swait.ge [sflag:s29], $0x2000  }
0x14: {  	[sflag:s29] =	ssyncset.done $0x0  }
0x15: {  	[sflag:s29] =	ssyncadd.s32 $0xFFFFE000  }
0x16: {  	_ =	sfence.sel $0x180000  }
0x17: {  	[bflag:$0x0] =	sbarrier.arrive $0xFFFF  }
0x18: {  	p0 =	sne.s32 s1, $0x0;
	_ =	strace $0x90000047  }
0x19: {  	s0 =	sadd.s32 @!p0 $0x100000, s2;
	[bflag:$0x2] =	sbarrier.arrive $0xFFFF  }
0x1a: {  	[sflag:s0] =	ssyncadd.tile.s32 @!p0 $0x1;
	_ =	shalt  }
.Lfunc_end2:
_tile_overlayer_lowered:
.L_overlay_start_2:
0x1b: {  	(tag) =	ssettag $0x2  }
0x1c: {  	s0 =	rddreg [dreg:$0x0];
	s2 =	stileid.u32  }
0x1d: {  	s1 =	rddreg [dreg:$0x1];
	p0 =	sne.s32 s2, $0x0  }
0x1e: {  	s3 =	rddreg [dreg:$0x2];
	[bflag:$0x3] =	sbarrier.arrive $0xFFFF;
	s2 =	simm.s32 @!p0 $0x1C02  }
0x1f: {  	[timem:s3], [sflag:s2] =	dma.local @!p0 [hbm:s0], s1  }
0x20: {  	s0 =	simm.s32 @!p0 $0x2  }
0x21: {  	_ =	swait.ge @!p0 [sflag:s0], s1  }
0x22: {  	s1 =	ssub.s32 @!p0 $0x0, s1;
	[sflag:s0] =	ssyncset.done @!p0 $0x0  }
0x23: {  	[sflag:s0] =	ssyncadd.s32 @!p0 s1  }
0x24: {  	[bflag:$0x3] =	sbarrier.arrive $0xFFFF  }
0x25: {  	_ =	shalt  }

// kernel: kernel.15.cloned.1.call-start
scs
__scs_entry_jumppad:
0x0: {  	(pc) =	sbr.rel $0x88, $3  }
0x1: {  	(tag) =	ssettag $0x0;
	lr =	simm.s32 $0x1  }
0x2: {  	[smem:$0x3F86] =	sst lr;
	_ =	strace $0xD0000000  }
0x3: {  	_ = 	snop  }
0x4: {  	_ = 	snop  }
0x5: {  	_ = 	snop  }
0x6: {  	_ = 	snop  }
0x7: {  	_ = 	snop  }
__scs_overlays_trampoline_lowered:
0x8: {  	[smem:$0x3F95] =	sst s0  }
0x9: {  	[smem:$0x3F96] =	sst s1  }
0xa: {  	[smem:$0x3F97] =	sst s2  }
0xb: {  	[smem:$0x3F98] =	sst s3  }
0xc: {  	[smem:$0x3F99] =	sst s4  }
0xd: {  	[smem:$0x3F9A] =	sst s5  }
0xe: {  	[smem:$0x3F9B] =	sst s6  }
0xf: {  	[smem:$0x3F9C] =	sst s7  }
0x10: {  	[smem:$0x3F9D] =	sst s8  }
0x11: {  	[smem:$0x3F9E] =	sst s9;
	s0 =	simm.s32 @!p0 $0x0  }
0x12: {  	s1 =	sld [smem:$0x3F84];
	s0 =	simm.s32 @p0 $0x1  }
0x13: {  	[smem:$0x3F9F] =	sst s0;
	s0 =	simm.s32 @!p1 $0x0  }
0x14: {  	s2 =	sld [smem:$0x3F83];
	s0 =	simm.s32 @p1 $0x1  }
0x15: {  	[smem:$0x3FA0] =	sst s0;
	s0 =	simm.s32 @!p2 $0x0  }
0x16: {  	s3 =	sld [smem:$0x3FDB];
	s0 =	simm.s32 @p2 $0x1  }
0x17: {  	s4 =	simm.s32 $0x1BF5;
	[smem:$0x3FA2] =	sst s0  }
0x18: {  	s0 =	sld [smem:$0x3F85];
	_ =	swait.ge [sflag:s4], $0x0  }
0x19: {  	s7 =	sld [smem:$0x3F86]  }
0x1a: {  	s8 =	sadd.s32 $0xFFFFE003, lr  }
0x1b: {  	s9 =	sadd.s32 $0xFFFFFEF7, lr;
	s5 =	simm.s32 $0xFFFFFFFF;
	p2 =	slt.u32 s8, $0xFFFFF086  }
0x1c: {  	p1 =	slt.u32 s9, $0xF7A;
	s5 =	simm.s32 @!p2 $0x0  }
0x1d: {  	s5 =	simm.s32 @p1 $0x1;
	p0 =	seq.s32 s7, s2  }
0x1e: {  	s7 =	smul.u32 @!p0 $0xF7A, s2;
	p2 =	seq.s32 @!p0 s5, $0x0  }
0x1f: {  	s9 =	smul.u32 $0xF7A, s1;
	s8 =	simm.s32 @!p0 $0x1BF5;
	p2 =	por !p2, p0  }
0x20: {  	[sflag:s8] =	ssyncset.s32 @!p0 $0xFFFFF086;
	s6 =	sadd.s32 @!p0 s3, s7;
	s7 =	simm.s32 @!p0 $0x108  }
0x21: {  	s3 =	sadd.s32 s3, s9;
	s6 =	sadd.s32 @!p0 $0x88, s6;
	s7 =	simm.s32 @p2 $0x1082  }
0x22: {  	[simem:s7], [sflag:s8] =	dma.local @!p0 [hbm:s6], $0xF7A  }
0x23: {  	s9 =	sor.u32 $0xD0000000, s2;
	s6 =	simm.s32 $0x108;
	_ =	swait.ge @!p0 [sflag:s8], $0x0  }
0x24: {  	s3 =	sadd.s32 $0x88, s3;
	s6 =	simm.s32 @!p1 $0x1082;
	[sflag:s4] =	ssyncset.s32 $0xFFFFF086  }
0x25: {  	[simem:s6], [sflag:s4] =	dma.local [hbm:s3], $0xF7A  }
0x26: {  	[smem:$0x3F86] =	sst s1;
	(tag) =	ssettag s2;
	_ =	strace s9  }
0x27: {  	s1 =	sld [smem:$0x3F96]  }
0x28: {  	s2 =	sld [smem:$0x3F97]  }
0x29: {  	s4 =	sld [smem:$0x3F99]  }
0x2a: {  	p0 =	seq.s32 s5, $0x0;
	s5 =	sld [smem:$0x3F9A]  }
0x2b: {  	s6 =	sld [smem:$0x3F9B]  }
0x2c: {  	s7 =	sld [smem:$0x3F9C]  }
0x2d: {  	s3 =	simm.s32 $0x108;
	s8 =	sld [smem:$0x3F9D]  }
0x2e: {  	s3 =	simm.s32 @!p0 $0x1082;
	s9 =	sld [smem:$0x3F9E]  }
0x2f: {  	lr =	sadd.s32 s0, s3;
	s0 =	sld [smem:$0x3F95]  }
0x30: {  	s3 =	sld [smem:$0x3F98]  }
0x31: {  	[smem:$0x3FA1] =	sst s10  }
0x32: {  	s10 =	sld [smem:$0x3F9F];
	_ =	sdelay $0x3  }
0x33: {  	p0 =	seq.s32 s10, $0x1;
	s10 =	sld [smem:$0x3FA1];
	_ =	sdelay $0x3  }
0x34: {  	[smem:$0x3FA1] =	sst s10  }
0x35: {  	s10 =	sld [smem:$0x3FA0];
	_ =	sdelay $0x3  }
0x36: {  	p1 =	seq.s32 s10, $0x1;
	s10 =	sld [smem:$0x3FA1];
	_ =	sdelay $0x3  }
0x37: {  	[smem:$0x3FA1] =	sst s10  }
0x38: {  	s10 =	sld [smem:$0x3FA2]  }
0x39: {  	_ = 	snop;
	(pc) =	sbr.ind lr, $3  }
0x3a: {  	_ = 	snop  }
0x3b: {  	_ = 	snop  }
0x3c: {  	p2 =	seq.s32 s10, $0x1;
	s10 =	sld [smem:$0x3FA1]  }
0x3d: {  	_ =	shalt  }
0x3e: {  	_ =	shalt  }
0x3f: {  	_ =	shalt  }
0x40: {  	_ =	shalt  }
0x41: {  	_ =	shalt  }
0x42: {  	_ =	shalt  }
0x43: {  	_ =	shalt  }
0x44: {  	_ =	shalt  }
0x45: {  	_ =	shalt  }
0x46: {  	_ =	shalt  }
0x47: {  	_ =	shalt  }
0x48: {  	_ =	shalt  }
0x49: {  	_ =	shalt  }
0x4a: {  	_ =	shalt  }
0x4b: {  	_ =	shalt  }
0x4c: {  	_ =	shalt  }
0x4d: {  	_ =	shalt  }
0x4e: {  	_ =	shalt  }
0x4f: {  	_ =	shalt  }
0x50: {  	_ =	shalt  }
0x51: {  	_ =	shalt  }
0x52: {  	_ =	shalt  }
0x53: {  	_ =	shalt  }
0x54: {  	_ =	shalt  }
0x55: {  	_ =	shalt  }
0x56: {  	_ =	shalt  }
0x57: {  	_ =	shalt  }
0x58: {  	_ =	shalt  }
0x59: {  	_ =	shalt  }
0x5a: {  	_ =	shalt  }
0x5b: {  	_ =	shalt  }
0x5c: {  	_ =	shalt  }
0x5d: {  	_ =	shalt  }
0x5e: {  	_ =	shalt  }
0x5f: {  	_ =	shalt  }
0x60: {  	_ =	shalt  }
0x61: {  	_ =	shalt  }
0x62: {  	_ =	shalt  }
0x63: {  	_ =	shalt  }
0x64: {  	_ =	shalt  }
0x65: {  	_ =	shalt  }
0x66: {  	_ =	shalt  }
0x67: {  	_ =	shalt  }
0x68: {  	_ =	shalt  }
0x69: {  	_ =	shalt  }
0x6a: {  	_ =	shalt  }
0x6b: {  	_ =	shalt  }
0x6c: {  	_ =	shalt  }
0x6d: {  	_ =	shalt  }
0x6e: {  	_ =	shalt  }
0x6f: {  	_ =	shalt  }
0x70: {  	_ =	shalt  }
0x71: {  	_ =	shalt  }
0x72: {  	_ =	shalt  }
0x73: {  	_ =	shalt  }
0x74: {  	_ =	shalt  }
0x75: {  	_ =	shalt  }
0x76: {  	_ =	shalt  }
0x77: {  	_ =	shalt  }
0x78: {  	_ =	shalt  }
0x79: {  	_ =	shalt  }
0x7a: {  	_ =	shalt  }
0x7b: {  	_ =	shalt  }
0x7c: {  	_ =	shalt  }
0x7d: {  	_ =	shalt  }
0x7e: {  	_ =	shalt  }
0x7f: {  	_ =	shalt  }
0x80: {  	_ =	shalt  }
0x81: {  	_ =	shalt  }
0x82: {  	_ =	shalt  }
0x83: {  	_ =	shalt  }
0x84: {  	_ =	shalt  }
0x85: {  	_ =	shalt  }
0x86: {  	_ =	shalt  }
0x87: {  	_ =	shalt  }
.Lfunc_end0:
.L_simem_size_0:
called_computation.1_lowered:
.L_overlay_start_0:
0x88: {  	s0 =	sld [smem:$0x3FD9]  }
0x89: {  	s1 =	sld [smem:$0x3FFE];
	_ =	sdelay $0x3  }
0x8a: {  	s0 =	sadd.s32 s1, s0  }
0x8b: {  	[smem:$0x3FAD] =	sst s0  }
0x8c: {  	_ = 	snop  }
0x8d: {  	s0 =	sld [smem:$0x3FD0];
	(tm) =	ssettm $0x1  }
0x8e: {  	s16 =	sld [smem:$0x3FFB];
	_ =	sdelay $0x3  }
0x8f: {  	_ =	strace s16  }
0x90: {  	s1 =	sld [smem:$0x3FFC];
	_ =	sdelay $0x3  }
0x91: {  	_ =	strace s1  }
0x92: {  	s1 =	sld [smem:$0x3FFD];
	_ =	sdelay $0x3  }
0x93: {  	_ =	strace s1  }
0x94: {  	_ =	strace $0x8FFFFFFF  }
0x95: {  	s17 =	sld [smem:$0x3FDB];
	_ =	sdelay $0x1  }
0x96: {  	s2 =	simm.s32 $_scs_section_size  }
0x97: {  	s3 =	simm.s32 $_size__tile_overlayer_lowered;
	s4 =	simm.s32 $_tile_overlayer_lowered  }
0x98: {  	s20 =	simm.s32 $0x1BFF;
	s19 =	sshll.u32 s4, $0x1;
	s1 =	sadd.s32 s2, s17  }
0x99: {  	s5 =	simm.s32 $0x0;
	s18 =	sshll.u32 s3, $0x1;
	s3 =	sadd.s32 s19, s1  }
0x9a: {  	[timem:s5], [sflag:s20] =	dma.local [hbm:s3], s18  }
0x9b: {  	_ =	swait.ge [sflag:s20], s18  }
0x9c: {  	s2 =	ssub.s32 $0x0, s18;
	[sflag:s20] =	ssyncset.done $0x0  }
0x9d: {  	[sflag:s20] =	ssyncadd.s32 s2;
	_ =	sdelay $0x1  }
0x9e: {  	s21 =	simm.s32 $0x1B8B  }
0x9f: {  	_ =	swait.ge [sflag:s21], $0x1  }
0xa0: {  	[sflag:s21] =	ssyncset.done $0x0  }
0xa1: {  	s23 =	simm.s32 $0x1B8E;
	s22 =	sld [smem:$0x3FFE];
	[sflag:s21] =	ssyncadd.s32 $0xFFFFFFFF  }
0xa2: {  	s24 =	simm.s32 $execute0_lowered;
	[smem:$0x3FD2] =	sst s23  }
0xa3: {  	s3 =	sshll.u32 s24, $0x1;
	_ =	strace $0x80000049;
	[dreg:$0x1] =	wrdreg $0xFFFFFFFF  }
0xa4: {  	s25 =	simm.s32 $_size_execute0_lowered;
	s1 =	sadd.s32 s1, s3;
	[dreg:$0x0] =	wrdreg $0x0  }
0xa5: {  	s3 =	sshll.u32 s25, $0x1;
	[dreg:$0x2] =	wrdreg s1  }
0xa6: {  	[dreg:$0x3] =	wrdreg s3  }
0xa7: {  	[dreg:$0x4] =	wrdreg $0xC0  }
0xa8: {  	_ =	task [dreg:s5], $0x5FFFF  }
0xa9: {  	[dreg:$0x1] =	wrdreg $0xFFFFFFFF  }
0xaa: {  	[dreg:$0x0] =	wrdreg $0x60  }
0xab: {  	[dreg:$0x2] =	wrdreg s22  }
0xac: {  	[dreg:$0x3] =	wrdreg s0  }
0xad: {  	[dreg:$0x4] =	wrdreg $0x0  }
0xae: {  	[dreg:$0x5] =	wrdreg $0x9  }
0xaf: {  	_ =	task.clear_ibuf [dreg:s5], $0x6FFFF;
	_ =	strace $0x90000049  }
0xb0: {  	s26 =	simm.s32 $0x9;
	_ =	strace $0x8000004B  }
0xb1: {  	_ =	swait.ge [sflag:s26], $0x1  }
0xb2: {  	[sflag:s26] =	ssyncadd.s32 $0xFFFFFFFF  }
0xb3: {  	_ =	strace $0x9000004B  }
0xb4: {  	_ =	sfence  }
0xb5: {  	s28 =	sld [smem:$0x0];
	_ =	sdelay $0x1  }
0xb6: {  	s29 =	srdreg.scid  }
0xb7: {  	s30 =	sshll.u32 s29, $0xD;
	s31 =	sshrl.u32 s29, $0x2  }
0xb8: {  	s2 =	sand.u32 $0x4000, s30;
	s1 =	sand.u32 $0x1, s29;
	s0 =	sadd.s32 s31, s28  }
0xb9: {  	s1 =	sor.u32 s2, s1;
	s0 =	sshll.u32 s0, $0x11  }
0xba: {  	s0 =	sor.u32 s0, s1  }
0xbb: {  	s0 =	sadd.s32 $0x8F2B, s0  }
0xbc: {  	[sflag:s0] =	ssyncadd.remote.s32 $0x1  }
0xbd: {  	_ =	sfence.sel $0xFFFF  }
0xbe: {  	[dreg:$0x0] =	wrdreg $0xFFFFFFFF;
	(pc) =	sbr.abs _section_cstart, $3  }
0xbf: {  	[dreg:$0x1] =	wrdreg $0xFFFFFFFF  }
0xc0: {  	_ =	task.clear_ibuf [dreg:s5], $0x2FFFF;
	_ =	strace $0x9FFFFFFF  }
0xc1: {  	(tm) =	ssettm $0x7FFFFFFF  }
tec
execute0_lowered:
.L_overlay_start_1:
0x0: {  	(tag) =	ssettag $0x1  }
0x1: {  	s3 =	rddreg [dreg:$0x0]  }
0x2: {  	s4 =	rddreg [dreg:$0x1]  }
0x3: {  	s5 =	rddreg [dreg:$0x2]  }
0x4: {  	s0 =	rddreg [dreg:$0x3];
	s2 =	simm.s32 $0x0  }
0x5: {  	s1 =	stileid.u32;
	s22 =	simm.s32 $0x8000;
	[smem:$0x7FF] =	sst s2  }
0x6: {  	s6 =	sshll.u32 s1, $0xC;
	s8 =	sshll.u32 s1, $0xF;
	s9 =	sshll.u32 s1, $0xD  }
0x7: {  	s10 =	sshll.u32 s1, $0x6;
	_ =	strace $0x8000004A;
	s7 =	sadd.s32 s6, s3  }
0x8: {  	s8 =	sadd.s32 s8, s5;
	s11 =	sor.u32 $0x1C01, s10;
	s21 =	sadd.s32 s9, s3  }
0x9: {  	s4 =	sadd.s32 s4, s10;
	s7 =	sadd.s32 $0x27000, s7;
	s8 =	sshrl.u32 s8, $0x3  }
0xa: {  	[spmem:s8], [sflag:s11] =	dma.local [hbm:s7], $0x1000  }
0xb: {  	[tilespmem:s22], [sflag:$0x1] =	stream.linear.gather [hbm4b:s4+s2], $0x200, $0x38;
	[tilespmem:$0x18200] =	vst v63  }
0xc: {  	s24 =	simm.s32 $0x8200;
	s25 =	simm.s32 $0x1;
	s23 =	sadd.s32 $0x7000, s21  }
0xd: {  	[tilespmem:s24], [sflag:$0x1] =	stream.linear.gather [hbm4b:s23+s2], $0x10000, $0x38;
	[tilespmem:$0x18200] =	vst v63  }
0xe: {  	_ =	swait.ge [sflag:s25], $0x1000  }
0xf: {  	[sflag:s25] =	ssyncset.done $0x0  }
0x10: {  	[sflag:s25] =	ssyncadd.s32 $0xFFFFF000  }
0x11: {  	_ =	swait.ge [sflag:s25], $0x200  }
0x12: {  	[sflag:s25] =	ssyncset.done $0x0  }
0x13: {  	[sflag:s25] =	ssyncadd.s32 $0xFFFFFE00  }
0x14: {  	_ =	swait.ge [sflag:s25], $0x10000  }
0x15: {  	[sflag:s25] =	ssyncset.done $0x0  }
0x16: {  	[sflag:s25] =	ssyncadd.s32 $0xFFFF0000  }
0x17: {  	s12 =	simm.s32 $0x80;
	[bflag:$0x0] =	sbarrier.arrive $0xFFFF  }
0x18: {  	[spmem:s5] =	stream.indirect.scatter.add.f32 [tilespmem:s24], [sflag:$0x1], $0x100, s22, s12, $0xb8;
	[tilespmem:$0x18200] =	vst v63  }
0x19: {  	s26 =	simm.s32 $0x8080;
	s13 =	simm.s32 $0x10200  }
0x1a: {  	[spmem:s5] =	stream.indirect.scatter.add.f32 [tilespmem:s13], [sflag:$0x1], $0x100, s26, s12, $0xb8;
	[tilespmem:$0x18200] =	vst v63  }
0x1b: {  	_ =	swait.ge [sflag:s25], $0x8000  }
0x1c: {  	[sflag:s25] =	ssyncset.done $0x0  }
0x1d: {  	[sflag:s25] =	ssyncadd.s32 $0xFFFF8000  }
0x1e: {  	_ =	swait.ge [sflag:s25], $0x8000  }
0x1f: {  	[sflag:s25] =	ssyncset.done $0x0  }
0x20: {  	s3 =	sadd.s32 $0x57000, s3;
	[sflag:s25] =	ssyncadd.s32 $0xFFFF8000  }
0x21: {  	s28 =	sadd.s32 s3, s6;
	[bflag:$0x0] =	sbarrier.arrive $0xFFFF  }
0x22: {  	[hbm:s28], [sflag:s11] =	dma.local [spmem:s8], $0x1000  }
0x23: {  	_ =	swait.ge [sflag:s25], $0x1000  }
0x24: {  	[sflag:s25] =	ssyncset.done $0x0  }
0x25: {  	[sflag:s25] =	ssyncadd.s32 $0xFFFFF000  }
0x26: {  	s29 =	simm.s32 $0x8100;
	[bflag:$0x0] =	sbarrier.arrive $0xFFFF  }
0x27: {  	[tilespmem:s24], [sflag:$0x1] =	stream.indirect.gather [hbm4b:s3+s12], $0x100, s29, s12, $0xb8;
	[tilespmem:$0x18200] =	vst v63  }
0x28: {  	s30 =	simm.s32 $0x8180  }
0x29: {  	[tilespmem:s13], [sflag:$0x1] =	stream.indirect.gather [hbm4b:s3+s12], $0x100, s30, s12, $0xb8;
	[tilespmem:$0x18200] =	vst v63  }
0x2a: {  	_ =	swait.ge [sflag:s25], $0x8000  }
0x2b: {  	[sflag:s25] =	ssyncset.done $0x0  }
0x2c: {  	s31 =	sadd.s32 $0x37000, s21;
	[sflag:s25] =	ssyncadd.s32 $0xFFFF8000  }
0x2d: {  	[hbm4b:s31+s2] =	stream.linear.scatter [tilespmem:s24], [sflag:$0x1], $0x8000, $0x38;
	[tilespmem:$0x18200] =	vst v63  }
0x2e: {  	_ =	swait.ge [sflag:s25], $0x8000  }
0x2f: {  	[sflag:s25] =	ssyncset.done $0x0  }
0x30: {  	s3 =	sadd.s32 $0x1000, s31;
	[sflag:s25] =	ssyncadd.s32 $0xFFFF8000  }
0x31: {  	[hbm4b:s3+s2] =	stream.linear.scatter [tilespmem:s13], [sflag:$0x1], $0x8000, $0x38;
	[tilespmem:$0x18200] =	vst v63  }
0x32: {  	_ =	swait.ge [sflag:s25], $0x8000  }
0x33: {  	[sflag:s25] =	ssyncset.done $0x0  }
0x34: {  	[sflag:s25] =	ssyncadd.s32 $0xFFFF8000  }
0x35: {  	_ =	swait.ge [sflag:s25], $0x8000  }
0x36: {  	[sflag:s25] =	ssyncset.done $0x0  }
0x37: {  	[sflag:s25] =	ssyncadd.s32 $0xFFFF8000  }
0x38: {  	_ =	sfence.sel $0x180000  }
0x39: {  	[bflag:$0x0] =	sbarrier.arrive $0xFFFF  }
0x3a: {  	p0 =	sne.s32 s1, $0x0;
	_ =	strace $0x9000004A  }
0x3b: {  	s0 =	sadd.s32 @!p0 $0x100000, s0;
	[bflag:$0x2] =	sbarrier.arrive $0xFFFF  }
0x3c: {  	[sflag:s0] =	ssyncadd.tile.s32 @!p0 $0x1;
	_ =	shalt  }
.Lfunc_end2:
_tile_overlayer_lowered:
.L_overlay_start_2:
0x3d: {  	(tag) =	ssettag $0x2  }
0x3e: {  	s0 =	rddreg [dreg:$0x0];
	s2 =	stileid.u32  }
0x3f: {  	s1 =	rddreg [dreg:$0x1];
	p0 =	sne.s32 s2, $0x0  }
0x40: {  	s3 =	rddreg [dreg:$0x2];
	[bflag:$0x3] =	sbarrier.arrive $0xFFFF;
	s2 =	simm.s32 @!p0 $0x1C02  }
0x41: {  	[timem:s3], [sflag:s2] =	dma.local @!p0 [hbm:s0], s1  }
0x42: {  	s0 =	simm.s32 @!p0 $0x2  }
0x43: {  	_ =	swait.ge @!p0 [sflag:s0], s1  }
0x44: {  	s1 =	ssub.s32 @!p0 $0x0, s1;
	[sflag:s0] =	ssyncset.done @!p0 $0x0  }
0x45: {  	[sflag:s0] =	ssyncadd.s32 @!p0 s1  }
0x46: {  	[bflag:$0x3] =	sbarrier.arrive $0xFFFF  }
0x47: {  	_ =	shalt  }

// kernel: kernel.18.cloned.1.call-start
scs
__scs_entry_jumppad:
0x0: {  	(pc) =	sbr.rel $0x88, $3  }
0x1: {  	(tag) =	ssettag $0x0;
	lr =	simm.s32 $0x1  }
0x2: {  	[smem:$0x3F86] =	sst lr;
	_ =	strace $0xD0000000  }
0x3: {  	_ = 	snop  }
0x4: {  	_ = 	snop  }
0x5: {  	_ = 	snop  }
0x6: {  	_ = 	snop  }
0x7: {  	_ = 	snop  }
__scs_overlays_trampoline_lowered:
0x8: {  	[smem:$0x3F95] =	sst s0  }
0x9: {  	[smem:$0x3F96] =	sst s1  }
0xa: {  	[smem:$0x3F97] =	sst s2  }
0xb: {  	[smem:$0x3F98] =	sst s3  }
0xc: {  	[smem:$0x3F99] =	sst s4  }
0xd: {  	[smem:$0x3F9A] =	sst s5  }
0xe: {  	[smem:$0x3F9B] =	sst s6  }
0xf: {  	[smem:$0x3F9C] =	sst s7  }
0x10: {  	[smem:$0x3F9D] =	sst s8  }
0x11: {  	[smem:$0x3F9E] =	sst s9;
	s0 =	simm.s32 @!p0 $0x0  }
0x12: {  	s1 =	sld [smem:$0x3F84];
	s0 =	simm.s32 @p0 $0x1  }
0x13: {  	[smem:$0x3F9F] =	sst s0;
	s0 =	simm.s32 @!p1 $0x0  }
0x14: {  	s2 =	sld [smem:$0x3F83];
	s0 =	simm.s32 @p1 $0x1  }
0x15: {  	[smem:$0x3FA0] =	sst s0;
	s0 =	simm.s32 @!p2 $0x0  }
0x16: {  	s3 =	sld [smem:$0x3FDB];
	s0 =	simm.s32 @p2 $0x1  }
0x17: {  	s4 =	simm.s32 $0x1BF5;
	[smem:$0x3FA2] =	sst s0  }
0x18: {  	s0 =	sld [smem:$0x3F85];
	_ =	swait.ge [sflag:s4], $0x0  }
0x19: {  	s7 =	sld [smem:$0x3F86]  }
0x1a: {  	s8 =	sadd.s32 $0xFFFFE003, lr  }
0x1b: {  	s9 =	sadd.s32 $0xFFFFFEF7, lr;
	s5 =	simm.s32 $0xFFFFFFFF;
	p2 =	slt.u32 s8, $0xFFFFF086  }
0x1c: {  	p1 =	slt.u32 s9, $0xF7A;
	s5 =	simm.s32 @!p2 $0x0  }
0x1d: {  	s5 =	simm.s32 @p1 $0x1;
	p0 =	seq.s32 s7, s2  }
0x1e: {  	s7 =	smul.u32 @!p0 $0xF7A, s2;
	p2 =	seq.s32 @!p0 s5, $0x0  }
0x1f: {  	s9 =	smul.u32 $0xF7A, s1;
	s8 =	simm.s32 @!p0 $0x1BF5;
	p2 =	por !p2, p0  }
0x20: {  	[sflag:s8] =	ssyncset.s32 @!p0 $0xFFFFF086;
	s6 =	sadd.s32 @!p0 s3, s7;
	s7 =	simm.s32 @!p0 $0x108  }
0x21: {  	s3 =	sadd.s32 s3, s9;
	s6 =	sadd.s32 @!p0 $0x88, s6;
	s7 =	simm.s32 @p2 $0x1082  }
0x22: {  	[simem:s7], [sflag:s8] =	dma.local @!p0 [hbm:s6], $0xF7A  }
0x23: {  	s9 =	sor.u32 $0xD0000000, s2;
	s6 =	simm.s32 $0x108;
	_ =	swait.ge @!p0 [sflag:s8], $0x0  }
0x24: {  	s3 =	sadd.s32 $0x88, s3;
	s6 =	simm.s32 @!p1 $0x1082;
	[sflag:s4] =	ssyncset.s32 $0xFFFFF086  }
0x25: {  	[simem:s6], [sflag:s4] =	dma.local [hbm:s3], $0xF7A  }
0x26: {  	[smem:$0x3F86] =	sst s1;
	(tag) =	ssettag s2;
	_ =	strace s9  }
0x27: {  	s1 =	sld [smem:$0x3F96]  }
0x28: {  	s2 =	sld [smem:$0x3F97]  }
0x29: {  	s4 =	sld [smem:$0x3F99]  }
0x2a: {  	p0 =	seq.s32 s5, $0x0;
	s5 =	sld [smem:$0x3F9A]  }
0x2b: {  	s6 =	sld [smem:$0x3F9B]  }
0x2c: {  	s7 =	sld [smem:$0x3F9C]  }
0x2d: {  	s3 =	simm.s32 $0x108;
	s8 =	sld [smem:$0x3F9D]  }
0x2e: {  	s3 =	simm.s32 @!p0 $0x1082;
	s9 =	sld [smem:$0x3F9E]  }
0x2f: {  	lr =	sadd.s32 s0, s3;
	s0 =	sld [smem:$0x3F95]  }
0x30: {  	s3 =	sld [smem:$0x3F98]  }
0x31: {  	[smem:$0x3FA1] =	sst s10  }
0x32: {  	s10 =	sld [smem:$0x3F9F];
	_ =	sdelay $0x3  }
0x33: {  	p0 =	seq.s32 s10, $0x1;
	s10 =	sld [smem:$0x3FA1];
	_ =	sdelay $0x3  }
0x34: {  	[smem:$0x3FA1] =	sst s10  }
0x35: {  	s10 =	sld [smem:$0x3FA0];
	_ =	sdelay $0x3  }
0x36: {  	p1 =	seq.s32 s10, $0x1;
	s10 =	sld [smem:$0x3FA1];
	_ =	sdelay $0x3  }
0x37: {  	[smem:$0x3FA1] =	sst s10  }
0x38: {  	s10 =	sld [smem:$0x3FA2]  }
0x39: {  	_ = 	snop;
	(pc) =	sbr.ind lr, $3  }
0x3a: {  	_ = 	snop  }
0x3b: {  	_ = 	snop  }
0x3c: {  	p2 =	seq.s32 s10, $0x1;
	s10 =	sld [smem:$0x3FA1]  }
0x3d: {  	_ =	shalt  }
0x3e: {  	_ =	shalt  }
0x3f: {  	_ =	shalt  }
0x40: {  	_ =	shalt  }
0x41: {  	_ =	shalt  }
0x42: {  	_ =	shalt  }
0x43: {  	_ =	shalt  }
0x44: {  	_ =	shalt  }
0x45: {  	_ =	shalt  }
0x46: {  	_ =	shalt  }
0x47: {  	_ =	shalt  }
0x48: {  	_ =	shalt  }
0x49: {  	_ =	shalt  }
0x4a: {  	_ =	shalt  }
0x4b: {  	_ =	shalt  }
0x4c: {  	_ =	shalt  }
0x4d: {  	_ =	shalt  }
0x4e: {  	_ =	shalt  }
0x4f: {  	_ =	shalt  }
0x50: {  	_ =	shalt  }
0x51: {  	_ =	shalt  }
0x52: {  	_ =	shalt  }
0x53: {  	_ =	shalt  }
0x54: {  	_ =	shalt  }
0x55: {  	_ =	shalt  }
0x56: {  	_ =	shalt  }
0x57: {  	_ =	shalt  }
0x58: {  	_ =	shalt  }
0x59: {  	_ =	shalt  }
0x5a: {  	_ =	shalt  }
0x5b: {  	_ =	shalt  }
0x5c: {  	_ =	shalt  }
0x5d: {  	_ =	shalt  }
0x5e: {  	_ =	shalt  }
0x5f: {  	_ =	shalt  }
0x60: {  	_ =	shalt  }
0x61: {  	_ =	shalt  }
0x62: {  	_ =	shalt  }
0x63: {  	_ =	shalt  }
0x64: {  	_ =	shalt  }
0x65: {  	_ =	shalt  }
0x66: {  	_ =	shalt  }
0x67: {  	_ =	shalt  }
0x68: {  	_ =	shalt  }
0x69: {  	_ =	shalt  }
0x6a: {  	_ =	shalt  }
0x6b: {  	_ =	shalt  }
0x6c: {  	_ =	shalt  }
0x6d: {  	_ =	shalt  }
0x6e: {  	_ =	shalt  }
0x6f: {  	_ =	shalt  }
0x70: {  	_ =	shalt  }
0x71: {  	_ =	shalt  }
0x72: {  	_ =	shalt  }
0x73: {  	_ =	shalt  }
0x74: {  	_ =	shalt  }
0x75: {  	_ =	shalt  }
0x76: {  	_ =	shalt  }
0x77: {  	_ =	shalt  }
0x78: {  	_ =	shalt  }
0x79: {  	_ =	shalt  }
0x7a: {  	_ =	shalt  }
0x7b: {  	_ =	shalt  }
0x7c: {  	_ =	shalt  }
0x7d: {  	_ =	shalt  }
0x7e: {  	_ =	shalt  }
0x7f: {  	_ =	shalt  }
0x80: {  	_ =	shalt  }
0x81: {  	_ =	shalt  }
0x82: {  	_ =	shalt  }
0x83: {  	_ =	shalt  }
0x84: {  	_ =	shalt  }
0x85: {  	_ =	shalt  }
0x86: {  	_ =	shalt  }
0x87: {  	_ =	shalt  }
.Lfunc_end0:
.L_simem_size_0:
called_computation.2_lowered:
.L_overlay_start_0:
0x88: {  	s0 =	sld [smem:$0x3FD9]  }
0x89: {  	s1 =	sld [smem:$0x3FFE];
	_ =	sdelay $0x3  }
0x8a: {  	s0 =	sadd.s32 s1, s0  }
0x8b: {  	[smem:$0x3FAD] =	sst s0  }
0x8c: {  	_ = 	snop  }
0x8d: {  	s0 =	sld [smem:$0x3FD0];
	(tm) =	ssettm $0x1  }
0x8e: {  	s16 =	sld [smem:$0x3FFB];
	_ =	sdelay $0x3  }
0x8f: {  	_ =	strace s16  }
0x90: {  	s1 =	sld [smem:$0x3FFC];
	_ =	sdelay $0x3  }
0x91: {  	_ =	strace s1  }
0x92: {  	s1 =	sld [smem:$0x3FFD];
	_ =	sdelay $0x3  }
0x93: {  	_ =	strace s1  }
0x94: {  	_ =	strace $0x8FFFFFFF  }
0x95: {  	s17 =	sld [smem:$0x3FDB];
	_ =	sdelay $0x1  }
0x96: {  	s2 =	simm.s32 $_scs_section_size  }
0x97: {  	s3 =	simm.s32 $_size__tile_overlayer_lowered;
	s4 =	simm.s32 $_tile_overlayer_lowered  }
0x98: {  	s20 =	simm.s32 $0x1BFF;
	s19 =	sshll.u32 s4, $0x1;
	s1 =	sadd.s32 s2, s17  }
0x99: {  	s5 =	simm.s32 $0x0;
	s18 =	sshll.u32 s3, $0x1;
	s3 =	sadd.s32 s19, s1  }
0x9a: {  	[timem:s5], [sflag:s20] =	dma.local [hbm:s3], s18  }
0x9b: {  	_ =	swait.ge [sflag:s20], s18  }
0x9c: {  	s2 =	ssub.s32 $0x0, s18;
	[sflag:s20] =	ssyncset.done $0x0  }
0x9d: {  	[sflag:s20] =	ssyncadd.s32 s2;
	_ =	sdelay $0x1  }
0x9e: {  	s21 =	simm.s32 $0x1B8B  }
0x9f: {  	_ =	swait.ge [sflag:s21], $0x1  }
0xa0: {  	[sflag:s21] =	ssyncset.done $0x0  }
0xa1: {  	s23 =	simm.s32 $0x1B8E;
	s22 =	sld [smem:$0x3FFE];
	[sflag:s21] =	ssyncadd.s32 $0xFFFFFFFF  }
0xa2: {  	s24 =	simm.s32 $execute0_lowered;
	[smem:$0x3FD2] =	sst s23  }
0xa3: {  	s3 =	sshll.u32 s24, $0x1;
	_ =	strace $0x8000004C;
	[dreg:$0x1] =	wrdreg $0xFFFFFFFF  }
0xa4: {  	s25 =	simm.s32 $_size_execute0_lowered;
	s1 =	sadd.s32 s1, s3;
	[dreg:$0x0] =	wrdreg $0x0  }
0xa5: {  	s3 =	sshll.u32 s25, $0x1;
	[dreg:$0x2] =	wrdreg s1  }
0xa6: {  	[dreg:$0x3] =	wrdreg s3  }
0xa7: {  	[dreg:$0x4] =	wrdreg $0xC0  }
0xa8: {  	_ =	task [dreg:s5], $0x5FFFF  }
0xa9: {  	[dreg:$0x1] =	wrdreg $0xFFFFFFFF  }
0xaa: {  	[dreg:$0x0] =	wrdreg $0x60  }
0xab: {  	[dreg:$0x2] =	wrdreg s22  }
0xac: {  	[dreg:$0x3] =	wrdreg s0  }
0xad: {  	[dreg:$0x4] =	wrdreg $0x0  }
0xae: {  	[dreg:$0x5] =	wrdreg $0x9  }
0xaf: {  	_ =	task.clear_ibuf [dreg:s5], $0x6FFFF;
	_ =	strace $0x9000004C  }
0xb0: {  	s26 =	simm.s32 $0x9;
	_ =	strace $0x8000004E  }
0xb1: {  	_ =	swait.ge [sflag:s26], $0x1  }
0xb2: {  	[sflag:s26] =	ssyncadd.s32 $0xFFFFFFFF  }
0xb3: {  	_ =	strace $0x9000004E  }
0xb4: {  	_ =	sfence  }
0xb5: {  	s28 =	sld [smem:$0x0];
	_ =	sdelay $0x1  }
0xb6: {  	s29 =	srdreg.scid  }
0xb7: {  	s30 =	sshll.u32 s29, $0xD;
	s31 =	sshrl.u32 s29, $0x2  }
0xb8: {  	s2 =	sand.u32 $0x4000, s30;
	s1 =	sand.u32 $0x1, s29;
	s0 =	sadd.s32 s31, s28  }
0xb9: {  	s1 =	sor.u32 s2, s1;
	s0 =	sshll.u32 s0, $0x11  }
0xba: {  	s0 =	sor.u32 s0, s1  }
0xbb: {  	s0 =	sadd.s32 $0x8F2B, s0  }
0xbc: {  	[sflag:s0] =	ssyncadd.remote.s32 $0x1  }
0xbd: {  	_ =	sfence.sel $0xFFFF  }
0xbe: {  	[dreg:$0x0] =	wrdreg $0xFFFFFFFF;
	(pc) =	sbr.abs _section_cstart, $3  }
0xbf: {  	[dreg:$0x1] =	wrdreg $0xFFFFFFFF  }
0xc0: {  	_ =	task.clear_ibuf [dreg:s5], $0x2FFFF;
	_ =	strace $0x9FFFFFFF  }
0xc1: {  	(tm) =	ssettm $0x7FFFFFFF  }
tec
execute0_lowered:
.L_overlay_start_1:
0x0: {  	(tag) =	ssettag $0x1  }
0x1: {  	s3 =	rddreg [dreg:$0x0]  }
0x2: {  	s4 =	rddreg [dreg:$0x1]  }
0x3: {  	s5 =	rddreg [dreg:$0x2]  }
0x4: {  	s0 =	rddreg [dreg:$0x3];
	s2 =	simm.s32 $0x0  }
0x5: {  	s1 =	stileid.u32;
	s22 =	simm.s32 $0x4000;
	[smem:$0x7FF] =	sst s2  }
0x6: {  	s6 =	sshll.u32 s1, $0xB;
	s8 =	sshll.u32 s1, $0xE;
	s9 =	sshll.u32 s1, $0xC  }
0x7: {  	s10 =	sshll.u32 s1, $0x6;
	_ =	strace $0x8000004D;
	s7 =	sadd.s32 s6, s3  }
0x8: {  	s8 =	sadd.s32 s8, s5;
	s11 =	sor.u32 $0x1C01, s10;
	s21 =	sadd.s32 s9, s3  }
0x9: {  	s4 =	sadd.s32 s4, s10;
	s7 =	sadd.s32 $0x17000, s7;
	s8 =	sshrl.u32 s8, $0x3  }
0xa: {  	[spmem:s8], [sflag:s11] =	dma.local [hbm:s7], $0x800  }
0xb: {  	[tilespmem:s22], [sflag:$0x1] =	stream.linear.gather [hbm4b:s4+s2], $0x200, $0x38;
	[tilespmem:$0xC200] =	vst v63  }
0xc: {  	s24 =	simm.s32 $0x4200;
	s25 =	simm.s32 $0x1;
	s23 =	sadd.s32 $0x7000, s21  }
0xd: {  	[tilespmem:s24], [sflag:$0x1] =	stream.linear.gather [hbm4b:s23+s2], $0x8000, $0x38;
	[tilespmem:$0xC200] =	vst v63  }
0xe: {  	_ =	swait.ge [sflag:s25], $0x800  }
0xf: {  	[sflag:s25] =	ssyncset.done $0x0  }
0x10: {  	[sflag:s25] =	ssyncadd.s32 $0xFFFFF800  }
0x11: {  	_ =	swait.ge [sflag:s25], $0x200  }
0x12: {  	[sflag:s25] =	ssyncset.done $0x0  }
0x13: {  	[sflag:s25] =	ssyncadd.s32 $0xFFFFFE00  }
0x14: {  	_ =	swait.ge [sflag:s25], $0x8000  }
0x15: {  	[sflag:s25] =	ssyncset.done $0x0  }
0x16: {  	[sflag:s25] =	ssyncadd.s32 $0xFFFF8000  }
0x17: {  	s12 =	simm.s32 $0x80;
	[bflag:$0x0] =	sbarrier.arrive $0xFFFF  }
0x18: {  	[spmem:s5] =	stream.indirect.scatter.add.f32 [tilespmem:s24], [sflag:$0x1], $0x80, s22, s12, $0xb8;
	[tilespmem:$0xC200] =	vst v63  }
0x19: {  	s26 =	simm.s32 $0x4080;
	s13 =	simm.s32 $0x8200  }
0x1a: {  	[spmem:s5] =	stream.indirect.scatter.add.f32 [tilespmem:s13], [sflag:$0x1], $0x80, s26, s12, $0xb8;
	[tilespmem:$0xC200] =	vst v63  }
0x1b: {  	_ =	swait.ge [sflag:s25], $0x4000  }
0x1c: {  	[sflag:s25] =	ssyncset.done $0x0  }
0x1d: {  	[sflag:s25] =	ssyncadd.s32 $0xFFFFC000  }
0x1e: {  	_ =	swait.ge [sflag:s25], $0x4000  }
0x1f: {  	[sflag:s25] =	ssyncset.done $0x0  }
0x20: {  	s3 =	sadd.s32 $0x2F000, s3;
	[sflag:s25] =	ssyncadd.s32 $0xFFFFC000  }
0x21: {  	s28 =	sadd.s32 s3, s6;
	[bflag:$0x0] =	sbarrier.arrive $0xFFFF  }
0x22: {  	[hbm:s28], [sflag:s11] =	dma.local [spmem:s8], $0x800  }
0x23: {  	_ =	swait.ge [sflag:s25], $0x800  }
0x24: {  	[sflag:s25] =	ssyncset.done $0x0  }
0x25: {  	[sflag:s25] =	ssyncadd.s32 $0xFFFFF800  }
0x26: {  	s29 =	simm.s32 $0x4100;
	[bflag:$0x0] =	sbarrier.arrive $0xFFFF  }
0x27: {  	[tilespmem:s24], [sflag:$0x1] =	stream.indirect.gather [hbm4b:s3+s12], $0x80, s29, s12, $0xb8;
	[tilespmem:$0xC200] =	vst v63  }
0x28: {  	s30 =	simm.s32 $0x4180  }
0x29: {  	[tilespmem:s13], [sflag:$0x1] =	stream.indirect.gather [hbm4b:s3+s12], $0x80, s30, s12, $0xb8;
	[tilespmem:$0xC200] =	vst v63  }
0x2a: {  	_ =	swait.ge [sflag:s25], $0x4000  }
0x2b: {  	[sflag:s25] =	ssyncset.done $0x0  }
0x2c: {  	s31 =	sadd.s32 $0x1F000, s21;
	[sflag:s25] =	ssyncadd.s32 $0xFFFFC000  }
0x2d: {  	[hbm4b:s31+s2] =	stream.linear.scatter [tilespmem:s24], [sflag:$0x1], $0x4000, $0x38;
	[tilespmem:$0xC200] =	vst v63  }
0x2e: {  	_ =	swait.ge [sflag:s25], $0x4000  }
0x2f: {  	[sflag:s25] =	ssyncset.done $0x0  }
0x30: {  	s3 =	sadd.s32 $0x800, s31;
	[sflag:s25] =	ssyncadd.s32 $0xFFFFC000  }
0x31: {  	[hbm4b:s3+s2] =	stream.linear.scatter [tilespmem:s13], [sflag:$0x1], $0x4000, $0x38;
	[tilespmem:$0xC200] =	vst v63  }
0x32: {  	_ =	swait.ge [sflag:s25], $0x4000  }
0x33: {  	[sflag:s25] =	ssyncset.done $0x0  }
0x34: {  	[sflag:s25] =	ssyncadd.s32 $0xFFFFC000  }
0x35: {  	_ =	swait.ge [sflag:s25], $0x4000  }
0x36: {  	[sflag:s25] =	ssyncset.done $0x0  }
0x37: {  	[sflag:s25] =	ssyncadd.s32 $0xFFFFC000  }
0x38: {  	_ =	sfence.sel $0x180000  }
0x39: {  	[bflag:$0x0] =	sbarrier.arrive $0xFFFF  }
0x3a: {  	p0 =	sne.s32 s1, $0x0;
	_ =	strace $0x9000004D  }
0x3b: {  	s0 =	sadd.s32 @!p0 $0x100000, s0;
	[bflag:$0x2] =	sbarrier.arrive $0xFFFF  }
0x3c: {  	[sflag:s0] =	ssyncadd.tile.s32 @!p0 $0x1;
	_ =	shalt  }
.Lfunc_end2:
_tile_overlayer_lowered:
.L_overlay_start_2:
0x3d: {  	(tag) =	ssettag $0x2  }
0x3e: {  	s0 =	rddreg [dreg:$0x0];
	s2 =	stileid.u32  }
0x3f: {  	s1 =	rddreg [dreg:$0x1];
	p0 =	sne.s32 s2, $0x0  }
0x40: {  	s3 =	rddreg [dreg:$0x2];
	[bflag:$0x3] =	sbarrier.arrive $0xFFFF;
	s2 =	simm.s32 @!p0 $0x1C02  }
0x41: {  	[timem:s3], [sflag:s2] =	dma.local @!p0 [hbm:s0], s1  }
0x42: {  	s0 =	simm.s32 @!p0 $0x2  }
0x43: {  	_ =	swait.ge @!p0 [sflag:s0], s1  }
0x44: {  	s1 =	ssub.s32 @!p0 $0x0, s1;
	[sflag:s0] =	ssyncset.done @!p0 $0x0  }
0x45: {  	[sflag:s0] =	ssyncadd.s32 @!p0 s1  }
0x46: {  	[bflag:$0x3] =	sbarrier.arrive $0xFFFF  }
0x47: {  	_ =	shalt  }

// kernel: kernel.21.cloned.1.call-start
scs
__scs_entry_jumppad:
0x0: {  	(pc) =	sbr.rel $0x88, $3  }
0x1: {  	(tag) =	ssettag $0x0;
	lr =	simm.s32 $0x1  }
0x2: {  	[smem:$0x3F86] =	sst lr;
	_ =	strace $0xD0000000  }
0x3: {  	_ = 	snop  }
0x4: {  	_ = 	snop  }
0x5: {  	_ = 	snop  }
0x6: {  	_ = 	snop  }
0x7: {  	_ = 	snop  }
__scs_overlays_trampoline_lowered:
0x8: {  	[smem:$0x3F95] =	sst s0  }
0x9: {  	[smem:$0x3F96] =	sst s1  }
0xa: {  	[smem:$0x3F97] =	sst s2  }
0xb: {  	[smem:$0x3F98] =	sst s3  }
0xc: {  	[smem:$0x3F99] =	sst s4  }
0xd: {  	[smem:$0x3F9A] =	sst s5  }
0xe: {  	[smem:$0x3F9B] =	sst s6  }
0xf: {  	[smem:$0x3F9C] =	sst s7  }
0x10: {  	[smem:$0x3F9D] =	sst s8  }
0x11: {  	[smem:$0x3F9E] =	sst s9;
	s0 =	simm.s32 @!p0 $0x0  }
0x12: {  	s1 =	sld [smem:$0x3F84];
	s0 =	simm.s32 @p0 $0x1  }
0x13: {  	[smem:$0x3F9F] =	sst s0;
	s0 =	simm.s32 @!p1 $0x0  }
0x14: {  	s2 =	sld [smem:$0x3F83];
	s0 =	simm.s32 @p1 $0x1  }
0x15: {  	[smem:$0x3FA0] =	sst s0;
	s0 =	simm.s32 @!p2 $0x0  }
0x16: {  	s3 =	sld [smem:$0x3FDB];
	s0 =	simm.s32 @p2 $0x1  }
0x17: {  	s4 =	simm.s32 $0x1BF5;
	[smem:$0x3FA2] =	sst s0  }
0x18: {  	s0 =	sld [smem:$0x3F85];
	_ =	swait.ge [sflag:s4], $0x0  }
0x19: {  	s7 =	sld [smem:$0x3F86]  }
0x1a: {  	s8 =	sadd.s32 $0xFFFFE003, lr  }
0x1b: {  	s9 =	sadd.s32 $0xFFFFFEF7, lr;
	s5 =	simm.s32 $0xFFFFFFFF;
	p2 =	slt.u32 s8, $0xFFFFF086  }
0x1c: {  	p1 =	slt.u32 s9, $0xF7A;
	s5 =	simm.s32 @!p2 $0x0  }
0x1d: {  	s5 =	simm.s32 @p1 $0x1;
	p0 =	seq.s32 s7, s2  }
0x1e: {  	s7 =	smul.u32 @!p0 $0xF7A, s2;
	p2 =	seq.s32 @!p0 s5, $0x0  }
0x1f: {  	s9 =	smul.u32 $0xF7A, s1;
	s8 =	simm.s32 @!p0 $0x1BF5;
	p2 =	por !p2, p0  }
0x20: {  	[sflag:s8] =	ssyncset.s32 @!p0 $0xFFFFF086;
	s6 =	sadd.s32 @!p0 s3, s7;
	s7 =	simm.s32 @!p0 $0x108  }
0x21: {  	s3 =	sadd.s32 s3, s9;
	s6 =	sadd.s32 @!p0 $0x88, s6;
	s7 =	simm.s32 @p2 $0x1082  }
0x22: {  	[simem:s7], [sflag:s8] =	dma.local @!p0 [hbm:s6], $0xF7A  }
0x23: {  	s9 =	sor.u32 $0xD0000000, s2;
	s6 =	simm.s32 $0x108;
	_ =	swait.ge @!p0 [sflag:s8], $0x0  }
0x24: {  	s3 =	sadd.s32 $0x88, s3;
	s6 =	simm.s32 @!p1 $0x1082;
	[sflag:s4] =	ssyncset.s32 $0xFFFFF086  }
0x25: {  	[simem:s6], [sflag:s4] =	dma.local [hbm:s3], $0xF7A  }
0x26: {  	[smem:$0x3F86] =	sst s1;
	(tag) =	ssettag s2;
	_ =	strace s9  }
0x27: {  	s1 =	sld [smem:$0x3F96]  }
0x28: {  	s2 =	sld [smem:$0x3F97]  }
0x29: {  	s4 =	sld [smem:$0x3F99]  }
0x2a: {  	p0 =	seq.s32 s5, $0x0;
	s5 =	sld [smem:$0x3F9A]  }
0x2b: {  	s6 =	sld [smem:$0x3F9B]  }
0x2c: {  	s7 =	sld [smem:$0x3F9C]  }
0x2d: {  	s3 =	simm.s32 $0x108;
	s8 =	sld [smem:$0x3F9D]  }
0x2e: {  	s3 =	simm.s32 @!p0 $0x1082;
	s9 =	sld [smem:$0x3F9E]  }
0x2f: {  	lr =	sadd.s32 s0, s3;
	s0 =	sld [smem:$0x3F95]  }
0x30: {  	s3 =	sld [smem:$0x3F98]  }
0x31: {  	[smem:$0x3FA1] =	sst s10  }
0x32: {  	s10 =	sld [smem:$0x3F9F];
	_ =	sdelay $0x3  }
0x33: {  	p0 =	seq.s32 s10, $0x1;
	s10 =	sld [smem:$0x3FA1];
	_ =	sdelay $0x3  }
0x34: {  	[smem:$0x3FA1] =	sst s10  }
0x35: {  	s10 =	sld [smem:$0x3FA0];
	_ =	sdelay $0x3  }
0x36: {  	p1 =	seq.s32 s10, $0x1;
	s10 =	sld [smem:$0x3FA1];
	_ =	sdelay $0x3  }
0x37: {  	[smem:$0x3FA1] =	sst s10  }
0x38: {  	s10 =	sld [smem:$0x3FA2]  }
0x39: {  	_ = 	snop;
	(pc) =	sbr.ind lr, $3  }
0x3a: {  	_ = 	snop  }
0x3b: {  	_ = 	snop  }
0x3c: {  	p2 =	seq.s32 s10, $0x1;
	s10 =	sld [smem:$0x3FA1]  }
0x3d: {  	_ =	shalt  }
0x3e: {  	_ =	shalt  }
0x3f: {  	_ =	shalt  }
0x40: {  	_ =	shalt  }
0x41: {  	_ =	shalt  }
0x42: {  	_ =	shalt  }
0x43: {  	_ =	shalt  }
0x44: {  	_ =	shalt  }
0x45: {  	_ =	shalt  }
0x46: {  	_ =	shalt  }
0x47: {  	_ =	shalt  }
0x48: {  	_ =	shalt  }
0x49: {  	_ =	shalt  }
0x4a: {  	_ =	shalt  }
0x4b: {  	_ =	shalt  }
0x4c: {  	_ =	shalt  }
0x4d: {  	_ =	shalt  }
0x4e: {  	_ =	shalt  }
0x4f: {  	_ =	shalt  }
0x50: {  	_ =	shalt  }
0x51: {  	_ =	shalt  }
0x52: {  	_ =	shalt  }
0x53: {  	_ =	shalt  }
0x54: {  	_ =	shalt  }
0x55: {  	_ =	shalt  }
0x56: {  	_ =	shalt  }
0x57: {  	_ =	shalt  }
0x58: {  	_ =	shalt  }
0x59: {  	_ =	shalt  }
0x5a: {  	_ =	shalt  }
0x5b: {  	_ =	shalt  }
0x5c: {  	_ =	shalt  }
0x5d: {  	_ =	shalt  }
0x5e: {  	_ =	shalt  }
0x5f: {  	_ =	shalt  }
0x60: {  	_ =	shalt  }
0x61: {  	_ =	shalt  }
0x62: {  	_ =	shalt  }
0x63: {  	_ =	shalt  }
0x64: {  	_ =	shalt  }
0x65: {  	_ =	shalt  }
0x66: {  	_ =	shalt  }
0x67: {  	_ =	shalt  }
0x68: {  	_ =	shalt  }
0x69: {  	_ =	shalt  }
0x6a: {  	_ =	shalt  }
0x6b: {  	_ =	shalt  }
0x6c: {  	_ =	shalt  }
0x6d: {  	_ =	shalt  }
0x6e: {  	_ =	shalt  }
0x6f: {  	_ =	shalt  }
0x70: {  	_ =	shalt  }
0x71: {  	_ =	shalt  }
0x72: {  	_ =	shalt  }
0x73: {  	_ =	shalt  }
0x74: {  	_ =	shalt  }
0x75: {  	_ =	shalt  }
0x76: {  	_ =	shalt  }
0x77: {  	_ =	shalt  }
0x78: {  	_ =	shalt  }
0x79: {  	_ =	shalt  }
0x7a: {  	_ =	shalt  }
0x7b: {  	_ =	shalt  }
0x7c: {  	_ =	shalt  }
0x7d: {  	_ =	shalt  }
0x7e: {  	_ =	shalt  }
0x7f: {  	_ =	shalt  }
0x80: {  	_ =	shalt  }
0x81: {  	_ =	shalt  }
0x82: {  	_ =	shalt  }
0x83: {  	_ =	shalt  }
0x84: {  	_ =	shalt  }
0x85: {  	_ =	shalt  }
0x86: {  	_ =	shalt  }
0x87: {  	_ =	shalt  }
.Lfunc_end0:
.L_simem_size_0:
called_computation.3_lowered:
.L_overlay_start_0:
0x88: {  	s0 =	sld [smem:$0x3FD9]  }
0x89: {  	s1 =	sld [smem:$0x3FFE];
	_ =	sdelay $0x3  }
0x8a: {  	s0 =	sadd.s32 s1, s0  }
0x8b: {  	[smem:$0x3FAD] =	sst s0  }
0x8c: {  	_ = 	snop  }
0x8d: {  	s0 =	sld [smem:$0x3FD0];
	(tm) =	ssettm $0x1  }
0x8e: {  	s16 =	sld [smem:$0x3FFB];
	_ =	sdelay $0x3  }
0x8f: {  	_ =	strace s16  }
0x90: {  	s1 =	sld [smem:$0x3FFC];
	_ =	sdelay $0x3  }
0x91: {  	_ =	strace s1  }
0x92: {  	s1 =	sld [smem:$0x3FFD];
	_ =	sdelay $0x3  }
0x93: {  	_ =	strace s1  }
0x94: {  	_ =	strace $0x8FFFFFFF  }
0x95: {  	s17 =	sld [smem:$0x3FDB];
	_ =	sdelay $0x1  }
0x96: {  	s2 =	simm.s32 $_scs_section_size  }
0x97: {  	s3 =	simm.s32 $_size__tile_overlayer_lowered;
	s4 =	simm.s32 $_tile_overlayer_lowered  }
0x98: {  	s20 =	simm.s32 $0x1BFF;
	s19 =	sshll.u32 s4, $0x1;
	s1 =	sadd.s32 s2, s17  }
0x99: {  	s5 =	simm.s32 $0x0;
	s18 =	sshll.u32 s3, $0x1;
	s3 =	sadd.s32 s19, s1  }
0x9a: {  	[timem:s5], [sflag:s20] =	dma.local [hbm:s3], s18  }
0x9b: {  	_ =	swait.ge [sflag:s20], s18  }
0x9c: {  	s2 =	ssub.s32 $0x0, s18;
	[sflag:s20] =	ssyncset.done $0x0  }
0x9d: {  	[sflag:s20] =	ssyncadd.s32 s2;
	_ =	sdelay $0x1  }
0x9e: {  	s21 =	simm.s32 $0x1B8B  }
0x9f: {  	_ =	swait.ge [sflag:s21], $0x1  }
0xa0: {  	[sflag:s21] =	ssyncset.done $0x0  }
0xa1: {  	s23 =	simm.s32 $0x1B8E;
	s22 =	sld [smem:$0x3FFE];
	[sflag:s21] =	ssyncadd.s32 $0xFFFFFFFF  }
0xa2: {  	s24 =	simm.s32 $execute0_lowered;
	[smem:$0x3FD2] =	sst s23  }
0xa3: {  	s3 =	sshll.u32 s24, $0x1;
	_ =	strace $0x8000004F;
	[dreg:$0x1] =	wrdreg $0xFFFFFFFF  }
0xa4: {  	s25 =	simm.s32 $_size_execute0_lowered;
	s1 =	sadd.s32 s1, s3;
	[dreg:$0x0] =	wrdreg $0x0  }
0xa5: {  	s3 =	sshll.u32 s25, $0x1;
	[dreg:$0x2] =	wrdreg s1  }
0xa6: {  	[dreg:$0x3] =	wrdreg s3  }
0xa7: {  	[dreg:$0x4] =	wrdreg $0xC0  }
0xa8: {  	_ =	task [dreg:s5], $0x5FFFF  }
0xa9: {  	[dreg:$0x1] =	wrdreg $0xFFFFFFFF  }
0xaa: {  	[dreg:$0x0] =	wrdreg $0x60  }
0xab: {  	[dreg:$0x2] =	wrdreg s22  }
0xac: {  	[dreg:$0x3] =	wrdreg s0  }
0xad: {  	[dreg:$0x4] =	wrdreg $0x0  }
0xae: {  	[dreg:$0x5] =	wrdreg $0x9  }
0xaf: {  	_ =	task.clear_ibuf [dreg:s5], $0x6FFFF;
	_ =	strace $0x9000004F  }
0xb0: {  	s26 =	simm.s32 $0x9;
	_ =	strace $0x80000051  }
0xb1: {  	_ =	swait.ge [sflag:s26], $0x1  }
0xb2: {  	[sflag:s26] =	ssyncadd.s32 $0xFFFFFFFF  }
0xb3: {  	_ =	strace $0x90000051  }
0xb4: {  	_ =	sfence  }
0xb5: {  	s28 =	sld [smem:$0x0];
	_ =	sdelay $0x1  }
0xb6: {  	s29 =	srdreg.scid  }
0xb7: {  	s30 =	sshll.u32 s29, $0xD;
	s31 =	sshrl.u32 s29, $0x2  }
0xb8: {  	s2 =	sand.u32 $0x4000, s30;
	s1 =	sand.u32 $0x1, s29;
	s0 =	sadd.s32 s31, s28  }
0xb9: {  	s1 =	sor.u32 s2, s1;
	s0 =	sshll.u32 s0, $0x11  }
0xba: {  	s0 =	sor.u32 s0, s1  }
0xbb: {  	s0 =	sadd.s32 $0x8F2B, s0  }
0xbc: {  	[sflag:s0] =	ssyncadd.remote.s32 $0x1  }
0xbd: {  	_ =	sfence.sel $0xFFFF  }
0xbe: {  	[dreg:$0x0] =	wrdreg $0xFFFFFFFF;
	(pc) =	sbr.abs _section_cstart, $3  }
0xbf: {  	[dreg:$0x1] =	wrdreg $0xFFFFFFFF  }
0xc0: {  	_ =	task.clear_ibuf [dreg:s5], $0x2FFFF;
	_ =	strace $0x9FFFFFFF  }
0xc1: {  	(tm) =	ssettm $0x7FFFFFFF  }
tec
execute0_lowered:
.L_overlay_start_1:
0x0: {  	(tag) =	ssettag $0x1  }
0x1: {  	s3 =	rddreg [dreg:$0x0]  }
0x2: {  	s4 =	rddreg [dreg:$0x1]  }
0x3: {  	s5 =	rddreg [dreg:$0x2]  }
0x4: {  	s0 =	rddreg [dreg:$0x3];
	s2 =	simm.s32 $0x0  }
0x5: {  	s1 =	stileid.u32;
	s22 =	simm.s32 $0x2000;
	[smem:$0x7FF] =	sst s2  }
0x6: {  	s6 =	sshll.u32 s1, $0xA;
	s8 =	sshll.u32 s1, $0xD;
	s9 =	sshll.u32 s1, $0xB  }
0x7: {  	s10 =	sshll.u32 s1, $0x6;
	_ =	strace $0x80000050;
	s7 =	sadd.s32 s6, s3  }
0x8: {  	s8 =	sadd.s32 s8, s5;
	s11 =	sor.u32 $0x1C01, s10;
	s21 =	sadd.s32 s9, s3  }
0x9: {  	s4 =	sadd.s32 s4, s10;
	s7 =	sadd.s32 $0xF000, s7;
	s8 =	sshrl.u32 s8, $0x3  }
0xa: {  	[spmem:s8], [sflag:s11] =	dma.local [hbm:s7], $0x400  }
0xb: {  	[tilespmem:s22], [sflag:$0x1] =	stream.linear.gather [hbm4b:s4+s2], $0x200, $0x38;
	[tilespmem:$0x6200] =	vst v63  }
0xc: {  	s24 =	simm.s32 $0x2200;
	s25 =	simm.s32 $0x1;
	s23 =	sadd.s32 $0x7000, s21  }
0xd: {  	[tilespmem:s24], [sflag:$0x1] =	stream.linear.gather [hbm4b:s23+s2], $0x4000, $0x38;
	[tilespmem:$0x6200] =	vst v63  }
0xe: {  	_ =	swait.ge [sflag:s25], $0x400  }
0xf: {  	[sflag:s25] =	ssyncset.done $0x0  }
0x10: {  	[sflag:s25] =	ssyncadd.s32 $0xFFFFFC00  }
0x11: {  	_ =	swait.ge [sflag:s25], $0x200  }
0x12: {  	[sflag:s25] =	ssyncset.done $0x0  }
0x13: {  	[sflag:s25] =	ssyncadd.s32 $0xFFFFFE00  }
0x14: {  	_ =	swait.ge [sflag:s25], $0x4000  }
0x15: {  	[sflag:s25] =	ssyncset.done $0x0  }
0x16: {  	[sflag:s25] =	ssyncadd.s32 $0xFFFFC000  }
0x17: {  	s12 =	simm.s32 $0x80;
	[bflag:$0x0] =	sbarrier.arrive $0xFFFF  }
0x18: {  	[spmem:s5] =	stream.indirect.scatter.add.f32 [tilespmem:s24], [sflag:$0x1], $0x40, s22, s12, $0xb8;
	[tilespmem:$0x6200] =	vst v63  }
0x19: {  	s26 =	simm.s32 $0x2080;
	s13 =	simm.s32 $0x4200  }
0x1a: {  	[spmem:s5] =	stream.indirect.scatter.add.f32 [tilespmem:s13], [sflag:$0x1], $0x40, s26, s12, $0xb8;
	[tilespmem:$0x6200] =	vst v63  }
0x1b: {  	_ =	swait.ge [sflag:s25], $0x2000  }
0x1c: {  	[sflag:s25] =	ssyncset.done $0x0  }
0x1d: {  	[sflag:s25] =	ssyncadd.s32 $0xFFFFE000  }
0x1e: {  	_ =	swait.ge [sflag:s25], $0x2000  }
0x1f: {  	[sflag:s25] =	ssyncset.done $0x0  }
0x20: {  	s3 =	sadd.s32 $0x1B000, s3;
	[sflag:s25] =	ssyncadd.s32 $0xFFFFE000  }
0x21: {  	s28 =	sadd.s32 s3, s6;
	[bflag:$0x0] =	sbarrier.arrive $0xFFFF  }
0x22: {  	[hbm:s28], [sflag:s11] =	dma.local [spmem:s8], $0x400  }
0x23: {  	_ =	swait.ge [sflag:s25], $0x400  }
0x24: {  	[sflag:s25] =	ssyncset.done $0x0  }
0x25: {  	[sflag:s25] =	ssyncadd.s32 $0xFFFFFC00  }
0x26: {  	s29 =	simm.s32 $0x2100;
	[bflag:$0x0] =	sbarrier.arrive $0xFFFF  }
0x27: {  	[tilespmem:s24], [sflag:$0x1] =	stream.indirect.gather [hbm4b:s3+s12], $0x40, s29, s12, $0xb8;
	[tilespmem:$0x6200] =	vst v63  }
0x28: {  	s30 =	simm.s32 $0x2180  }
0x29: {  	[tilespmem:s13], [sflag:$0x1] =	stream.indirect.gather [hbm4b:s3+s12], $0x40, s30, s12, $0xb8;
	[tilespmem:$0x6200] =	vst v63  }
0x2a: {  	_ =	swait.ge [sflag:s25], $0x2000  }
0x2b: {  	[sflag:s25] =	ssyncset.done $0x0  }
0x2c: {  	s31 =	sadd.s32 $0x13000, s21;
	[sflag:s25] =	ssyncadd.s32 $0xFFFFE000  }
0x2d: {  	[hbm4b:s31+s2] =	stream.linear.scatter [tilespmem:s24], [sflag:$0x1], $0x2000, $0x38;
	[tilespmem:$0x6200] =	vst v63  }
0x2e: {  	_ =	swait.ge [sflag:s25], $0x2000  }
0x2f: {  	[sflag:s25] =	ssyncset.done $0x0  }
0x30: {  	s3 =	sadd.s32 $0x400, s31;
	[sflag:s25] =	ssyncadd.s32 $0xFFFFE000  }
0x31: {  	[hbm4b:s3+s2] =	stream.linear.scatter [tilespmem:s13], [sflag:$0x1], $0x2000, $0x38;
	[tilespmem:$0x6200] =	vst v63  }
0x32: {  	_ =	swait.ge [sflag:s25], $0x2000  }
0x33: {  	[sflag:s25] =	ssyncset.done $0x0  }
0x34: {  	[sflag:s25] =	ssyncadd.s32 $0xFFFFE000  }
0x35: {  	_ =	swait.ge [sflag:s25], $0x2000  }
0x36: {  	[sflag:s25] =	ssyncset.done $0x0  }
0x37: {  	[sflag:s25] =	ssyncadd.s32 $0xFFFFE000  }
0x38: {  	_ =	sfence.sel $0x180000  }
0x39: {  	[bflag:$0x0] =	sbarrier.arrive $0xFFFF  }
0x3a: {  	p0 =	sne.s32 s1, $0x0;
	_ =	strace $0x90000050  }
0x3b: {  	s0 =	sadd.s32 @!p0 $0x100000, s0;
	[bflag:$0x2] =	sbarrier.arrive $0xFFFF  }
0x3c: {  	[sflag:s0] =	ssyncadd.tile.s32 @!p0 $0x1;
	_ =	shalt  }
.Lfunc_end2:
_tile_overlayer_lowered:
.L_overlay_start_2:
0x3d: {  	(tag) =	ssettag $0x2  }
0x3e: {  	s0 =	rddreg [dreg:$0x0];
	s2 =	stileid.u32  }
0x3f: {  	s1 =	rddreg [dreg:$0x1];
	p0 =	sne.s32 s2, $0x0  }
0x40: {  	s3 =	rddreg [dreg:$0x2];
	[bflag:$0x3] =	sbarrier.arrive $0xFFFF;
	s2 =	simm.s32 @!p0 $0x1C02  }
0x41: {  	[timem:s3], [sflag:s2] =	dma.local @!p0 [hbm:s0], s1  }
0x42: {  	s0 =	simm.s32 @!p0 $0x2  }
0x43: {  	_ =	swait.ge @!p0 [sflag:s0], s1  }
0x44: {  	s1 =	ssub.s32 @!p0 $0x0, s1;
	[sflag:s0] =	ssyncset.done @!p0 $0x0  }
0x45: {  	[sflag:s0] =	ssyncadd.s32 @!p0 s1  }
0x46: {  	[bflag:$0x3] =	sbarrier.arrive $0xFFFF  }
0x47: {  	_ =	shalt  }

// kernel: kernel.24.cloned.1.call-start
scs
__scs_entry_jumppad:
0x0: {  	(pc) =	sbr.rel $0x88, $3  }
0x1: {  	(tag) =	ssettag $0x0;
	lr =	simm.s32 $0x1  }
0x2: {  	[smem:$0x3F86] =	sst lr;
	_ =	strace $0xD0000000  }
0x3: {  	_ = 	snop  }
0x4: {  	_ = 	snop  }
0x5: {  	_ = 	snop  }
0x6: {  	_ = 	snop  }
0x7: {  	_ = 	snop  }
__scs_overlays_trampoline_lowered:
0x8: {  	[smem:$0x3F95] =	sst s0  }
0x9: {  	[smem:$0x3F96] =	sst s1  }
0xa: {  	[smem:$0x3F97] =	sst s2  }
0xb: {  	[smem:$0x3F98] =	sst s3  }
0xc: {  	[smem:$0x3F99] =	sst s4  }
0xd: {  	[smem:$0x3F9A] =	sst s5  }
0xe: {  	[smem:$0x3F9B] =	sst s6  }
0xf: {  	[smem:$0x3F9C] =	sst s7  }
0x10: {  	[smem:$0x3F9D] =	sst s8  }
0x11: {  	[smem:$0x3F9E] =	sst s9;
	s0 =	simm.s32 @!p0 $0x0  }
0x12: {  	s1 =	sld [smem:$0x3F84];
	s0 =	simm.s32 @p0 $0x1  }
0x13: {  	[smem:$0x3F9F] =	sst s0;
	s0 =	simm.s32 @!p1 $0x0  }
0x14: {  	s2 =	sld [smem:$0x3F83];
	s0 =	simm.s32 @p1 $0x1  }
0x15: {  	[smem:$0x3FA0] =	sst s0;
	s0 =	simm.s32 @!p2 $0x0  }
0x16: {  	s3 =	sld [smem:$0x3FDB];
	s0 =	simm.s32 @p2 $0x1  }
0x17: {  	s4 =	simm.s32 $0x1BF5;
	[smem:$0x3FA2] =	sst s0  }
0x18: {  	s0 =	sld [smem:$0x3F85];
	_ =	swait.ge [sflag:s4], $0x0  }
0x19: {  	s7 =	sld [smem:$0x3F86]  }
0x1a: {  	s8 =	sadd.s32 $0xFFFFE003, lr  }
0x1b: {  	s9 =	sadd.s32 $0xFFFFFEF7, lr;
	s5 =	simm.s32 $0xFFFFFFFF;
	p2 =	slt.u32 s8, $0xFFFFF086  }
0x1c: {  	p1 =	slt.u32 s9, $0xF7A;
	s5 =	simm.s32 @!p2 $0x0  }
0x1d: {  	s5 =	simm.s32 @p1 $0x1;
	p0 =	seq.s32 s7, s2  }
0x1e: {  	s7 =	smul.u32 @!p0 $0xF7A, s2;
	p2 =	seq.s32 @!p0 s5, $0x0  }
0x1f: {  	s9 =	smul.u32 $0xF7A, s1;
	s8 =	simm.s32 @!p0 $0x1BF5;
	p2 =	por !p2, p0  }
0x20: {  	[sflag:s8] =	ssyncset.s32 @!p0 $0xFFFFF086;
	s6 =	sadd.s32 @!p0 s3, s7;
	s7 =	simm.s32 @!p0 $0x108  }
0x21: {  	s3 =	sadd.s32 s3, s9;
	s6 =	sadd.s32 @!p0 $0x88, s6;
	s7 =	simm.s32 @p2 $0x1082  }
0x22: {  	[simem:s7], [sflag:s8] =	dma.local @!p0 [hbm:s6], $0xF7A  }
0x23: {  	s9 =	sor.u32 $0xD0000000, s2;
	s6 =	simm.s32 $0x108;
	_ =	swait.ge @!p0 [sflag:s8], $0x0  }
0x24: {  	s3 =	sadd.s32 $0x88, s3;
	s6 =	simm.s32 @!p1 $0x1082;
	[sflag:s4] =	ssyncset.s32 $0xFFFFF086  }
0x25: {  	[simem:s6], [sflag:s4] =	dma.local [hbm:s3], $0xF7A  }
0x26: {  	[smem:$0x3F86] =	sst s1;
	(tag) =	ssettag s2;
	_ =	strace s9  }
0x27: {  	s1 =	sld [smem:$0x3F96]  }
0x28: {  	s2 =	sld [smem:$0x3F97]  }
0x29: {  	s4 =	sld [smem:$0x3F99]  }
0x2a: {  	p0 =	seq.s32 s5, $0x0;
	s5 =	sld [smem:$0x3F9A]  }
0x2b: {  	s6 =	sld [smem:$0x3F9B]  }
0x2c: {  	s7 =	sld [smem:$0x3F9C]  }
0x2d: {  	s3 =	simm.s32 $0x108;
	s8 =	sld [smem:$0x3F9D]  }
0x2e: {  	s3 =	simm.s32 @!p0 $0x1082;
	s9 =	sld [smem:$0x3F9E]  }
0x2f: {  	lr =	sadd.s32 s0, s3;
	s0 =	sld [smem:$0x3F95]  }
0x30: {  	s3 =	sld [smem:$0x3F98]  }
0x31: {  	[smem:$0x3FA1] =	sst s10  }
0x32: {  	s10 =	sld [smem:$0x3F9F];
	_ =	sdelay $0x3  }
0x33: {  	p0 =	seq.s32 s10, $0x1;
	s10 =	sld [smem:$0x3FA1];
	_ =	sdelay $0x3  }
0x34: {  	[smem:$0x3FA1] =	sst s10  }
0x35: {  	s10 =	sld [smem:$0x3FA0];
	_ =	sdelay $0x3  }
0x36: {  	p1 =	seq.s32 s10, $0x1;
	s10 =	sld [smem:$0x3FA1];
	_ =	sdelay $0x3  }
0x37: {  	[smem:$0x3FA1] =	sst s10  }
0x38: {  	s10 =	sld [smem:$0x3FA2]  }
0x39: {  	_ = 	snop;
	(pc) =	sbr.ind lr, $3  }
0x3a: {  	_ = 	snop  }
0x3b: {  	_ = 	snop  }
0x3c: {  	p2 =	seq.s32 s10, $0x1;
	s10 =	sld [smem:$0x3FA1]  }
0x3d: {  	_ =	shalt  }
0x3e: {  	_ =	shalt  }
0x3f: {  	_ =	shalt  }
0x40: {  	_ =	shalt  }
0x41: {  	_ =	shalt  }
0x42: {  	_ =	shalt  }
0x43: {  	_ =	shalt  }
0x44: {  	_ =	shalt  }
0x45: {  	_ =	shalt  }
0x46: {  	_ =	shalt  }
0x47: {  	_ =	shalt  }
0x48: {  	_ =	shalt  }
0x49: {  	_ =	shalt  }
0x4a: {  	_ =	shalt  }
0x4b: {  	_ =	shalt  }
0x4c: {  	_ =	shalt  }
0x4d: {  	_ =	shalt  }
0x4e: {  	_ =	shalt  }
0x4f: {  	_ =	shalt  }
0x50: {  	_ =	shalt  }
0x51: {  	_ =	shalt  }
0x52: {  	_ =	shalt  }
0x53: {  	_ =	shalt  }
0x54: {  	_ =	shalt  }
0x55: {  	_ =	shalt  }
0x56: {  	_ =	shalt  }
0x57: {  	_ =	shalt  }
0x58: {  	_ =	shalt  }
0x59: {  	_ =	shalt  }
0x5a: {  	_ =	shalt  }
0x5b: {  	_ =	shalt  }
0x5c: {  	_ =	shalt  }
0x5d: {  	_ =	shalt  }
0x5e: {  	_ =	shalt  }
0x5f: {  	_ =	shalt  }
0x60: {  	_ =	shalt  }
0x61: {  	_ =	shalt  }
0x62: {  	_ =	shalt  }
0x63: {  	_ =	shalt  }
0x64: {  	_ =	shalt  }
0x65: {  	_ =	shalt  }
0x66: {  	_ =	shalt  }
0x67: {  	_ =	shalt  }
0x68: {  	_ =	shalt  }
0x69: {  	_ =	shalt  }
0x6a: {  	_ =	shalt  }
0x6b: {  	_ =	shalt  }
0x6c: {  	_ =	shalt  }
0x6d: {  	_ =	shalt  }
0x6e: {  	_ =	shalt  }
0x6f: {  	_ =	shalt  }
0x70: {  	_ =	shalt  }
0x71: {  	_ =	shalt  }
0x72: {  	_ =	shalt  }
0x73: {  	_ =	shalt  }
0x74: {  	_ =	shalt  }
0x75: {  	_ =	shalt  }
0x76: {  	_ =	shalt  }
0x77: {  	_ =	shalt  }
0x78: {  	_ =	shalt  }
0x79: {  	_ =	shalt  }
0x7a: {  	_ =	shalt  }
0x7b: {  	_ =	shalt  }
0x7c: {  	_ =	shalt  }
0x7d: {  	_ =	shalt  }
0x7e: {  	_ =	shalt  }
0x7f: {  	_ =	shalt  }
0x80: {  	_ =	shalt  }
0x81: {  	_ =	shalt  }
0x82: {  	_ =	shalt  }
0x83: {  	_ =	shalt  }
0x84: {  	_ =	shalt  }
0x85: {  	_ =	shalt  }
0x86: {  	_ =	shalt  }
0x87: {  	_ =	shalt  }
.Lfunc_end0:
.L_simem_size_0:
called_computation.4_lowered:
.L_overlay_start_0:
0x88: {  	s0 =	sld [smem:$0x3FD9]  }
0x89: {  	s1 =	sld [smem:$0x3FFE];
	_ =	sdelay $0x3  }
0x8a: {  	s0 =	sadd.s32 s1, s0  }
0x8b: {  	[smem:$0x3FAD] =	sst s0  }
0x8c: {  	_ = 	snop  }
0x8d: {  	s0 =	sld [smem:$0x3FD0];
	(tm) =	ssettm $0x1  }
0x8e: {  	s16 =	sld [smem:$0x3FFB];
	_ =	sdelay $0x3  }
0x8f: {  	_ =	strace s16  }
0x90: {  	s1 =	sld [smem:$0x3FFC];
	_ =	sdelay $0x3  }
0x91: {  	_ =	strace s1  }
0x92: {  	s1 =	sld [smem:$0x3FFD];
	_ =	sdelay $0x3  }
0x93: {  	_ =	strace s1  }
0x94: {  	_ =	strace $0x8FFFFFFF  }
0x95: {  	s17 =	sld [smem:$0x3FDB];
	_ =	sdelay $0x1  }
0x96: {  	s2 =	simm.s32 $_scs_section_size  }
0x97: {  	s3 =	simm.s32 $_size__tile_overlayer_lowered;
	s4 =	simm.s32 $_tile_overlayer_lowered  }
0x98: {  	s20 =	simm.s32 $0x1BFF;
	s19 =	sshll.u32 s4, $0x1;
	s1 =	sadd.s32 s2, s17  }
0x99: {  	s5 =	simm.s32 $0x0;
	s18 =	sshll.u32 s3, $0x1;
	s3 =	sadd.s32 s19, s1  }
0x9a: {  	[timem:s5], [sflag:s20] =	dma.local [hbm:s3], s18  }
0x9b: {  	_ =	swait.ge [sflag:s20], s18  }
0x9c: {  	s2 =	ssub.s32 $0x0, s18;
	[sflag:s20] =	ssyncset.done $0x0  }
0x9d: {  	[sflag:s20] =	ssyncadd.s32 s2;
	_ =	sdelay $0x1  }
0x9e: {  	s21 =	simm.s32 $0x1B8B  }
0x9f: {  	_ =	swait.ge [sflag:s21], $0x1  }
0xa0: {  	[sflag:s21] =	ssyncset.done $0x0  }
0xa1: {  	s23 =	simm.s32 $0x1B8E;
	s22 =	sld [smem:$0x3FFE];
	[sflag:s21] =	ssyncadd.s32 $0xFFFFFFFF  }
0xa2: {  	s24 =	simm.s32 $execute0_lowered;
	[smem:$0x3FD2] =	sst s23  }
0xa3: {  	s3 =	sshll.u32 s24, $0x1;
	_ =	strace $0x80000052;
	[dreg:$0x1] =	wrdreg $0xFFFFFFFF  }
0xa4: {  	s25 =	simm.s32 $_size_execute0_lowered;
	s1 =	sadd.s32 s1, s3;
	[dreg:$0x0] =	wrdreg $0x0  }
0xa5: {  	s3 =	sshll.u32 s25, $0x1;
	[dreg:$0x2] =	wrdreg s1  }
0xa6: {  	[dreg:$0x3] =	wrdreg s3  }
0xa7: {  	[dreg:$0x4] =	wrdreg $0xC0  }
0xa8: {  	_ =	task [dreg:s5], $0x5FFFF  }
0xa9: {  	[dreg:$0x1] =	wrdreg $0xFFFFFFFF  }
0xaa: {  	[dreg:$0x0] =	wrdreg $0x60  }
0xab: {  	[dreg:$0x2] =	wrdreg s22  }
0xac: {  	[dreg:$0x3] =	wrdreg s0  }
0xad: {  	[dreg:$0x4] =	wrdreg $0x0  }
0xae: {  	[dreg:$0x5] =	wrdreg $0x9  }
0xaf: {  	_ =	task.clear_ibuf [dreg:s5], $0x6FFFF;
	_ =	strace $0x90000052  }
0xb0: {  	s26 =	simm.s32 $0x9;
	_ =	strace $0x80000054  }
0xb1: {  	_ =	swait.ge [sflag:s26], $0x1  }
0xb2: {  	[sflag:s26] =	ssyncadd.s32 $0xFFFFFFFF  }
0xb3: {  	_ =	strace $0x90000054  }
0xb4: {  	_ =	sfence  }
0xb5: {  	s28 =	sld [smem:$0x0];
	_ =	sdelay $0x1  }
0xb6: {  	s29 =	srdreg.scid  }
0xb7: {  	s30 =	sshll.u32 s29, $0xD;
	s31 =	sshrl.u32 s29, $0x2  }
0xb8: {  	s2 =	sand.u32 $0x4000, s30;
	s1 =	sand.u32 $0x1, s29;
	s0 =	sadd.s32 s31, s28  }
0xb9: {  	s1 =	sor.u32 s2, s1;
	s0 =	sshll.u32 s0, $0x11  }
0xba: {  	s0 =	sor.u32 s0, s1  }
0xbb: {  	s0 =	sadd.s32 $0x8F2B, s0  }
0xbc: {  	[sflag:s0] =	ssyncadd.remote.s32 $0x1  }
0xbd: {  	_ =	sfence.sel $0xFFFF  }
0xbe: {  	[dreg:$0x0] =	wrdreg $0xFFFFFFFF;
	(pc) =	sbr.abs _section_cstart, $3  }
0xbf: {  	[dreg:$0x1] =	wrdreg $0xFFFFFFFF  }
0xc0: {  	_ =	task.clear_ibuf [dreg:s5], $0x2FFFF;
	_ =	strace $0x9FFFFFFF  }
0xc1: {  	(tm) =	ssettm $0x7FFFFFFF  }
tec
execute0_lowered:
.L_overlay_start_1:
0x0: {  	(tag) =	ssettag $0x1  }
0x1: {  	s3 =	rddreg [dreg:$0x0]  }
0x2: {  	s4 =	rddreg [dreg:$0x1]  }
0x3: {  	s5 =	rddreg [dreg:$0x2]  }
0x4: {  	s0 =	rddreg [dreg:$0x3];
	s2 =	simm.s32 $0x0  }
0x5: {  	s1 =	stileid.u32;
	s21 =	simm.s32 $0x1000;
	[smem:$0x7FF] =	sst s2  }
0x6: {  	s6 =	sshll.u32 s1, $0x9;
	s8 =	sshll.u32 s1, $0xC;
	s9 =	sshll.u32 s1, $0xA  }
0x7: {  	s10 =	sshll.u32 s1, $0x6;
	_ =	strace $0x80000053;
	s7 =	sadd.s32 s6, s3  }
0x8: {  	s8 =	sadd.s32 s8, s5;
	s11 =	sor.u32 $0x1C01, s10;
	s20 =	sadd.s32 s9, s3  }
0x9: {  	s4 =	sadd.s32 s4, s10;
	s7 =	sadd.s32 $0xB000, s7;
	s8 =	sshrl.u32 s8, $0x3  }
0xa: {  	[spmem:s8], [sflag:s11] =	dma.local [hbm:s7], $0x200  }
0xb: {  	[tilespmem:s21], [sflag:$0x1] =	stream.linear.gather [hbm4b:s4+s2], $0x200, $0x38;
	[tilespmem:$0x3200] =	vst v63  }
0xc: {  	s23 =	simm.s32 $0x1200;
	s24 =	simm.s32 $0x1;
	s22 =	sadd.s32 $0x7000, s20  }
0xd: {  	[tilespmem:s23], [sflag:$0x1] =	stream.linear.gather [hbm4b:s22+s2], $0x2000, $0x38;
	[tilespmem:$0x3200] =	vst v63  }
0xe: {  	_ =	swait.ge [sflag:s24], $0x200  }
0xf: {  	[sflag:s24] =	ssyncset.done $0x0  }
0x10: {  	[sflag:s24] =	ssyncadd.s32 $0xFFFFFE00  }
0x11: {  	_ =	swait.ge [sflag:s24], $0x200  }
0x12: {  	[sflag:s24] =	ssyncset.done $0x0  }
0x13: {  	[sflag:s24] =	ssyncadd.s32 $0xFFFFFE00  }
0x14: {  	_ =	swait.ge [sflag:s24], $0x2000  }
0x15: {  	[sflag:s24] =	ssyncset.done $0x0  }
0x16: {  	[sflag:s24] =	ssyncadd.s32 $0xFFFFE000  }
0x17: {  	s12 =	simm.s32 $0x80;
	[bflag:$0x0] =	sbarrier.arrive $0xFFFF  }
0x18: {  	[spmem:s5] =	stream.indirect.scatter.add.f32 [tilespmem:s23], [sflag:$0x1], $0x20, s21, s12, $0xb8;
	[tilespmem:$0x3200] =	vst v63  }
0x19: {  	s25 =	simm.s32 $0x1080;
	s13 =	simm.s32 $0x2200  }
0x1a: {  	[spmem:s5] =	stream.indirect.scatter.add.f32 [tilespmem:s13], [sflag:$0x1], $0x20, s25, s12, $0xb8;
	[tilespmem:$0x3200] =	vst v63  }
0x1b: {  	_ =	swait.ge [sflag:s24], $0x1000  }
0x1c: {  	[sflag:s24] =	ssyncset.done $0x0  }
0x1d: {  	[sflag:s24] =	ssyncadd.s32 $0xFFFFF000  }
0x1e: {  	_ =	swait.ge [sflag:s24], $0x1000  }
0x1f: {  	[sflag:s24] =	ssyncset.done $0x0  }
0x20: {  	s3 =	sadd.s32 $0x11000, s3;
	[sflag:s24] =	ssyncadd.s32 $0xFFFFF000  }
0x21: {  	s26 =	sadd.s32 s3, s6;
	[bflag:$0x0] =	sbarrier.arrive $0xFFFF  }
0x22: {  	[hbm:s26], [sflag:s11] =	dma.local [spmem:s8], $0x200  }
0x23: {  	_ =	swait.ge [sflag:s24], $0x200  }
0x24: {  	[sflag:s24] =	ssyncset.done $0x0  }
0x25: {  	[sflag:s24] =	ssyncadd.s32 $0xFFFFFE00  }
0x26: {  	s28 =	simm.s32 $0x1100;
	[bflag:$0x0] =	sbarrier.arrive $0xFFFF  }
0x27: {  	[tilespmem:s23], [sflag:$0x1] =	stream.indirect.gather [hbm4b:s3+s12], $0x20, s28, s12, $0xb8;
	[tilespmem:$0x3200] =	vst v63  }
0x28: {  	s29 =	simm.s32 $0x1180  }
0x29: {  	[tilespmem:s13], [sflag:$0x1] =	stream.indirect.gather [hbm4b:s3+s12], $0x20, s29, s12, $0xb8;
	[tilespmem:$0x3200] =	vst v63  }
0x2a: {  	_ =	swait.ge [sflag:s24], $0x1000  }
0x2b: {  	[sflag:s24] =	ssyncset.done $0x0  }
0x2c: {  	s30 =	sadd.s32 $0xD000, s20;
	[sflag:s24] =	ssyncadd.s32 $0xFFFFF000  }
0x2d: {  	[hbm4b:s30+s2] =	stream.linear.scatter [tilespmem:s23], [sflag:$0x1], $0x1000, $0x38;
	[tilespmem:$0x3200] =	vst v63  }
0x2e: {  	_ =	swait.ge [sflag:s24], $0x1000  }
0x2f: {  	[sflag:s24] =	ssyncset.done $0x0  }
0x30: {  	s31 =	sadd.s32 $0xD200, s20;
	[sflag:s24] =	ssyncadd.s32 $0xFFFFF000  }
0x31: {  	[hbm4b:s31+s2] =	stream.linear.scatter [tilespmem:s13], [sflag:$0x1], $0x1000, $0x38;
	[tilespmem:$0x3200] =	vst v63  }
0x32: {  	_ =	swait.ge [sflag:s24], $0x1000  }
0x33: {  	[sflag:s24] =	ssyncset.done $0x0  }
0x34: {  	[sflag:s24] =	ssyncadd.s32 $0xFFFFF000  }
0x35: {  	_ =	swait.ge [sflag:s24], $0x1000  }
0x36: {  	[sflag:s24] =	ssyncset.done $0x0  }
0x37: {  	[sflag:s24] =	ssyncadd.s32 $0xFFFFF000  }
0x38: {  	_ =	sfence.sel $0x180000  }
0x39: {  	[bflag:$0x0] =	sbarrier.arrive $0xFFFF  }
0x3a: {  	p0 =	sne.s32 s1, $0x0;
	_ =	strace $0x90000053  }
0x3b: {  	s0 =	sadd.s32 @!p0 $0x100000, s0;
	[bflag:$0x2] =	sbarrier.arrive $0xFFFF  }
0x3c: {  	[sflag:s0] =	ssyncadd.tile.s32 @!p0 $0x1;
	_ =	shalt  }
.Lfunc_end2:
_tile_overlayer_lowered:
.L_overlay_start_2:
0x3d: {  	(tag) =	ssettag $0x2  }
0x3e: {  	s0 =	rddreg [dreg:$0x0];
	s2 =	stileid.u32  }
0x3f: {  	s1 =	rddreg [dreg:$0x1];
	p0 =	sne.s32 s2, $0x0  }
0x40: {  	s3 =	rddreg [dreg:$0x2];
	[bflag:$0x3] =	sbarrier.arrive $0xFFFF;
	s2 =	simm.s32 @!p0 $0x1C02  }
0x41: {  	[timem:s3], [sflag:s2] =	dma.local @!p0 [hbm:s0], s1  }
0x42: {  	s0 =	simm.s32 @!p0 $0x2  }
0x43: {  	_ =	swait.ge @!p0 [sflag:s0], s1  }
0x44: {  	s1 =	ssub.s32 @!p0 $0x0, s1;
	[sflag:s0] =	ssyncset.done @!p0 $0x0  }
0x45: {  	[sflag:s0] =	ssyncadd.s32 @!p0 s1  }
0x46: {  	[bflag:$0x3] =	sbarrier.arrive $0xFFFF  }
0x47: {  	_ =	shalt  }

</sc_bundles>
